<compile_context>
chip_gen: v7x
topology: tpu7x:2x2x1
jax: 0.10.2.dev20260603
libtpu: 0.0.44.dev20260713+nightly
codegen_flags: <defaults>
</compile_context>

<pallas_src>
import functools

import jax
import jax.numpy as jnp
from jax import lax
from jax.experimental import pallas as pl
from jax.experimental.pallas import tpu as pltpu
from jax.experimental.pallas import tpu_sc as plsc

N_NODES = 10000
N_EDGES = 320000
D = 128

NN_PAD = 10240
NE_PAD = 327680
NW = 32
NCH = 80
CH = 128
EPW = NCH * CH

BN = 1024
BE = 2048

_F32 = jnp.float32
_BF16 = jnp.bfloat16


def _mish(v):
    return v * jnp.tanh(jax.nn.softplus(v))


def _relu(v):
    return jnp.maximum(v, 0.0)


def _dot(a, b):
    return jnp.dot(a, b, preferred_element_type=_F32)


def _wspec(r, c):
    return pl.BlockSpec((r, c), lambda i: (0, 0))


def _rspec(rows, cols):
    return pl.BlockSpec((rows, cols), lambda i: (i, 0))



def _node_enc_body(x_ref, w0, b0, w1, b1, wa, wb, h_ref, a_ref, b_ref):
    t = _mish(_dot(x_ref[...], w0[...]) + b0[...])
    h = _dot(t, w1[...]) + b1[...]
    h_ref[...] = h
    a_ref[...] = _dot(h, wa[...])
    b_ref[...] = _dot(h, wb[...])


def _node_encode(x_p, w0, b0, w1, b1, wa, wb):
    return pl.pallas_call(
        _node_enc_body,
        grid=(NN_PAD // BN,),
        in_specs=[_rspec(BN, D), _wspec(D, D), _wspec(1, D), _wspec(D, D),
                  _wspec(1, D), _wspec(D, D), _wspec(D, D)],
        out_specs=[_rspec(BN, D)] * 3,
        out_shape=[jax.ShapeDtypeStruct((NN_PAD, D), _F32)] * 3,
    )(x_p, w0, b0, w1, b1, wa, wb)


def _edge_enc_body(ea_ref, e0, e0b, e1, e1b, wc, cb, c_ref):
    t = _mish(_dot(ea_ref[...], e0[...]) + e0b[...])
    e = _dot(t, e1[...]) + e1b[...]
    c_ref[...] = _dot(e, wc[...]) + cb[...]


def _edge_encode(ea_p, e0, e0b, e1, e1b, wc, cb):
    return pl.pallas_call(
        _edge_enc_body,
        grid=(NE_PAD // BE,),
        in_specs=[_rspec(BE, 4), _wspec(4, D), _wspec(1, D), _wspec(D, D),
                  _wspec(1, D), _wspec(D, D), _wspec(1, D)],
        out_specs=_rspec(BE, D),
        out_shape=jax.ShapeDtypeStruct((NE_PAD, D), _F32),
    )(ea_p, e0, e0b, e1, e1b, wc, cb)


def _edge_mega_body(final, s, c, w2, b2, w3, b3,
                    f0, f0b, f1, f1b, f2, f2b, t0, t0b, t1, t1b,
                    msg_ref, tail_ref):
    z1 = _relu(s[...].astype(_F32) + c[...].astype(_F32))
    h2 = _relu(_dot(z1, w2[...]) + b2[...])
    msg = _dot(h2, w3[...]) + b3[...]
    msg_ref[...] = msg
    f = _relu(_dot(msg, f0[...]) + f0b[...])
    f = _relu(_dot(f, f1[...]) + f1b[...])
    e2 = _dot(f, f2[...]) + f2b[...]
    if final:
        d = _mish(_dot(e2, t0[...]) + t0b[...])
        tail_ref[...] = _dot(d, t1[...]) + t1b[...]
    else:
        tail_ref[...] = _dot(e2, t0[...]) + t0b[...]


def _edge_mega(final, s, c, w2, b2, w3, b3,
               f0, f0b, f1, f1b, f2, f2b, t0, t0b, t1, t1b):
    tail_w = 4 if final else D
    return pl.pallas_call(
        functools.partial(_edge_mega_body, final),
        grid=(NE_PAD // BE,),
        in_specs=[_rspec(BE, D)] * 2 + [
            _wspec(D, D), _wspec(1, D), _wspec(D, D), _wspec(1, D),
            _wspec(D, D), _wspec(1, D), _wspec(D, D), _wspec(1, D),
            _wspec(D, D), _wspec(1, D),
            _wspec(D, t0.shape[1]), _wspec(1, t0b.shape[1]),
            _wspec(t1.shape[0], t1.shape[1]), _wspec(1, t1b.shape[1])],
        out_specs=[_rspec(BE, D), _rspec(BE, tail_w)],
        out_shape=[jax.ShapeDtypeStruct((NE_PAD, D), _F32),
                   jax.ShapeDtypeStruct((NE_PAD, tail_w), _F32)],
    )(s, c, w2, b2, w3, b3, f0, f0b, f1, f1b, f2, f2b, t0, t0b, t1, t1b)


def _node_fn_body(final, h_ref, ag0, ag1, na, nb, n0b, n1, n1b, n2, n2b,
                  t0, t0b, t1, t1b, *out_refs):
    agg = ag0[...] + ag1[...]
    n = _relu(_dot(h_ref[...], na[...]) + _dot(agg, nb[...]) + n0b[...])
    n = _relu(_dot(n, n1[...]) + n1b[...])
    h2 = _dot(n, n2[...]) + n2b[...]
    if final:
        d = _mish(_dot(h2, t0[...]) + t0b[...])
        out_refs[0][...] = _dot(d, t1[...]) + t1b[...]
    else:
        out_refs[0][...] = h2
        out_refs[1][...] = _dot(h2, t0[...])
        out_refs[2][...] = _dot(h2, t1[...])


def _node_fn(final, h, ag0, ag1, na, nb, n0b, n1, n1b, n2, n2b,
             t0, t0b, t1, t1b):
    if final:
        out_specs = [_rspec(BN, 3)]
        out_shape = [jax.ShapeDtypeStruct((NN_PAD, 3), _F32)]
    else:
        out_specs = [_rspec(BN, D)] * 3
        out_shape = [jax.ShapeDtypeStruct((NN_PAD, D), _F32)] * 3
    res = pl.pallas_call(
        functools.partial(_node_fn_body, final),
        grid=(NN_PAD // BN,),
        in_specs=[_rspec(BN, D)] * 3 + [
            _wspec(D, D), _wspec(D, D), _wspec(1, D), _wspec(D, D),
            _wspec(1, D), _wspec(D, D), _wspec(1, D),
            _wspec(D, t0.shape[1]), _wspec(1, t0b.shape[1]),
            _wspec(t1.shape[0], t1.shape[1]), _wspec(1, t1b.shape[1])],
        out_specs=out_specs,
        out_shape=out_shape,
    )(h, ag0, ag1, na, nb, n0b, n1, n1b, n2, n2b, t0, t0b, t1, t1b)
    return res



def _sc_mesh():
    return plsc.VectorSubcoreMesh(core_axis_name="c", subcore_axis_name="s")


NB = 2


def _sc_gather(a_pad, b_pad, dst_r, src_r):

    @functools.partial(
        pl.kernel,
        out_type=jax.ShapeDtypeStruct((NE_PAD, D), _F32),
        mesh=_sc_mesh(),
        scratch_types=[
            pltpu.VMEM((NCH, CH), jnp.int32),
            pltpu.VMEM((NCH, CH), jnp.int32),
            pltpu.VMEM((NB, CH, D), _F32),
        ] + [pltpu.SemaphoreType.DMA] * (2 * NB),
    )
    def k(a_hbm, b_hbm, dst_hbm, src_hbm, s_hbm,
          dst_v, src_v, buf, *sems):
        g_sem = sems[0:NB]
        w_sem = sems[NB:2 * NB]
        wid = lax.axis_index("s") * 2 + lax.axis_index("c")
        base = wid * EPW
        pltpu.sync_copy(dst_hbm.at[wid], dst_v)
        pltpu.sync_copy(src_hbm.at[wid], src_v)
        for b in range(NB):
            pltpu.async_copy(a_hbm.at[dst_v.at[b]], buf.at[b], g_sem[b])

        def g_body(g, carry):
            for b in range(NB):
                j = g * NB + b
                off = base + j * CH
                pltpu.make_async_copy(a_hbm.at[dst_v.at[j]], buf.at[b],
                                      g_sem[b]).wait()
                pltpu.sync_copy(b_hbm.at[src_v.at[j]], buf.at[b], add=True)
                pltpu.async_copy(buf.at[b], s_hbm.at[pl.ds(off, CH)],
                                 w_sem[b])
                nxt = j + NB

                @pl.when(nxt < NCH)
                def _():
                    pltpu.make_async_copy(buf.at[b],
                                          s_hbm.at[pl.ds(off, CH)],
                                          w_sem[b]).wait()
                    pltpu.async_copy(a_hbm.at[dst_v.at[nxt]], buf.at[b],
                                     g_sem[b])
            return carry

        lax.fori_loop(0, NCH // NB, g_body, 0)
        for b in range(NB):
            pltpu.make_async_copy(buf.at[b], s_hbm.at[pl.ds(base, CH)],
                                  w_sem[b]).wait()

    return k(a_pad, b_pad, dst_r, src_r)


def _sc_scatter(msg, idx_r, zeros_nodes):
    rows_per_tile = NN_PAD // 16

    @functools.partial(
        pl.kernel,
        out_type=jax.ShapeDtypeStruct((2, NN_PAD, D), _F32),
        mesh=_sc_mesh(),
        scratch_types=[
            pltpu.VMEM((NCH, CH), jnp.int32),
            pltpu.VMEM((NB, CH, D), _F32),
            pltpu.VMEM_SHARED((NN_PAD, D), _F32),
        ] + [pltpu.SemaphoreType.DMA] * NB,
    )
    def k(msg_hbm, idx_hbm, zer_hbm, out_hbm, idx_v, rows_v, acc, *rsem):
        cid = lax.axis_index("c")
        sid = lax.axis_index("s")
        wid = sid * 2 + cid
        base = wid * EPW
        pltpu.sync_copy(idx_hbm.at[wid], idx_v)
        pltpu.sync_copy(zer_hbm.at[pl.ds(sid * rows_per_tile, rows_per_tile)],
                        acc.at[pl.ds(sid * rows_per_tile, rows_per_tile)])
        plsc.subcore_barrier()
        for b in range(NB):
            pltpu.async_copy(msg_hbm.at[pl.ds(base + b * CH, CH)],
                             rows_v.at[b], rsem[b])

        def chunk(g, carry):
            for b in range(NB):
                j = g * NB + b
                pltpu.make_async_copy(msg_hbm.at[pl.ds(base + j * CH, CH)],
                                      rows_v.at[b], rsem[b]).wait()
                pltpu.sync_copy(rows_v.at[b], acc.at[idx_v.at[j]], add=True)
                nxt = j + NB

                @pl.when(nxt < NCH)
                def _():
                    pltpu.async_copy(msg_hbm.at[pl.ds(base + nxt * CH, CH)],
                                     rows_v.at[b], rsem[b])
            return carry

        lax.fori_loop(0, NCH // NB, chunk, 0)
        plsc.subcore_barrier()
        pltpu.sync_copy(acc.at[pl.ds(sid * rows_per_tile, rows_per_tile)],
                        out_hbm.at[cid, pl.ds(sid * rows_per_tile, rows_per_tile)])

    return k(msg, idx_r, zeros_nodes)



def kernel(x, edge_index, edge_attr, params):
    ne0, ne1 = params['node_encoder']
    ee0, ee1 = params['edge_encoder']
    pr1, pr2 = params['processors']
    nd0, nd1 = params['node_decoder']
    ed0, ed1 = params['edge_decoder']

    def rb(b):
        return b.reshape(1, -1)

    em1_w0, em1_b0 = pr1['edge_mlp'][0]
    em2_w0, em2_b0 = pr2['edge_mlp'][0]
    w1a_1, w1b_1, w1c_1 = em1_w0[:D], em1_w0[D:2 * D], em1_w0[2 * D:]
    w1a_2, w1b_2, w1c_2 = em2_w0[:D], em2_w0[D:2 * D], em2_w0[2 * D:]

    nf1_w0, nf1_b0 = pr1['node_fn'][0]
    nf2_w0, nf2_b0 = pr2['node_fn'][0]

    src = edge_index[0]
    dst = edge_index[1]
    pad_e = NE_PAD - N_EDGES
    pad_idx = N_NODES + (jnp.arange(pad_e, dtype=jnp.int32)
                         % (NN_PAD - N_NODES))
    src_r = jnp.concatenate([src, pad_idx]).reshape(NW, NCH, CH)
    dst_r = jnp.concatenate([dst, pad_idx]).reshape(NW, NCH, CH)
    x_p = jnp.pad(x, ((0, NN_PAD - N_NODES), (0, 0)))
    ea_p = jnp.pad(edge_attr, ((0, pad_e), (0, 0)))
    zeros_nodes = jnp.zeros((NN_PAD, D), _F32)

    h, a1, b1 = _node_encode(x_p, ne0[0], rb(ne0[1]), ne1[0], rb(ne1[1]),
                             w1a_1, w1b_1)
    c1 = _edge_encode(ea_p, ee0[0], rb(ee0[1]), ee1[0], rb(ee1[1]),
                      w1c_1, rb(em1_b0))

    s1 = _sc_gather(a1, b1, dst_r, src_r)
    msg1, c2 = _edge_mega(
        False, s1, c1,
        pr1['edge_mlp'][1][0], rb(pr1['edge_mlp'][1][1]),
        pr1['edge_mlp'][2][0], rb(pr1['edge_mlp'][2][1]),
        pr1['edge_fn'][0][0], rb(pr1['edge_fn'][0][1]),
        pr1['edge_fn'][1][0], rb(pr1['edge_fn'][1][1]),
        pr1['edge_fn'][2][0], rb(pr1['edge_fn'][2][1]),
        w1c_2, rb(em2_b0), w1c_2, rb(em2_b0))
    agg1 = _sc_scatter(msg1, src_r, zeros_nodes)
    h2, a2, b2 = _node_fn(
        False, h, agg1[0], agg1[1],
        nf1_w0[:D], nf1_w0[D:], rb(nf1_b0),
        pr1['node_fn'][1][0], rb(pr1['node_fn'][1][1]),
        pr1['node_fn'][2][0], rb(pr1['node_fn'][2][1]),
        w1a_2, rb(em2_b0), w1b_2, rb(em2_b0))

    s2 = _sc_gather(a2, b2, dst_r, src_r)
    msg2, edge_out = _edge_mega(
        True, s2, c2,
        pr2['edge_mlp'][1][0], rb(pr2['edge_mlp'][1][1]),
        pr2['edge_mlp'][2][0], rb(pr2['edge_mlp'][2][1]),
        pr2['edge_fn'][0][0], rb(pr2['edge_fn'][0][1]),
        pr2['edge_fn'][1][0], rb(pr2['edge_fn'][1][1]),
        pr2['edge_fn'][2][0], rb(pr2['edge_fn'][2][1]),
        ed0[0], rb(ed0[1]), ed1[0], rb(ed1[1]))
    agg2 = _sc_scatter(msg2, src_r, zeros_nodes)
    node_out = _node_fn(
        True, h2, agg2[0], agg2[1],
        nf2_w0[:D], nf2_w0[D:], rb(nf2_b0),
        pr2['node_fn'][1][0], rb(pr2['node_fn'][1][1]),
        pr2['node_fn'][2][0], rb(pr2['node_fn'][2][1]),
        nd0[0], rb(nd0[1]), nd1[0], rb(nd1[1]))[0]

    return (node_out[:N_NODES], edge_out[:N_EDGES])

# --- scband reference (transcript-rebuilt; emitter-appended) ---
"""Pipeline reference for scband-mesh-graph-net-1760936591507 (READ-ONLY COPY).

The authoritative reference and input builder live on the scoring server;
editing this copy changes nothing except your own understanding.
"""

import jax, jax.numpy as jnp
import numpy as np

N_NODES = 10000
N_EDGES = 320000
D_FEAT = 128
D_EDGE = 4
LATENT = 128
HIDDEN = 128


def mish(x):
    return x * jnp.tanh(jax.nn.softplus(x))


def make_mlp(key, sizes):
    params = []
    for i in range(len(sizes) - 1):
        key, k1 = jax.random.split(key)
        W = jax.random.normal(k1, (sizes[i], sizes[i + 1]), dtype=jnp.float32) / np.sqrt(sizes[i])
        b = jnp.zeros((sizes[i + 1],), dtype=jnp.float32)
        params.append((W, b))
    return params


def mlp_apply(params, x, act):
    n = len(params)
    for i, (W, b) in enumerate(params):
        x = x @ W + b
        if i < n - 1:
            x = act(x)
    return x


def processor_apply(p, x, edge_index, edge_attr):
    src = edge_index[0]
    dst = edge_index[1]
    # PyG flow source_to_target: x_i = x[dst], x_j = x[src]
    x_i = x[dst]
    x_j = x[src]
    msg = mlp_apply(p['edge_mlp'], jnp.concatenate([x_i, x_j, edge_attr], axis=-1), jax.nn.relu)
    # original overrides aggregate() to scatter by edge_index[0]
    agg = jax.ops.segment_sum(msg, src, num_segments=x.shape[0])
    nodes = mlp_apply(p['node_fn'], jnp.concatenate([x, agg], axis=1), jax.nn.relu)
    edges = mlp_apply(p['edge_fn'], msg, jax.nn.relu)
    return nodes, edges


def setup_inputs(seed: int = 0):
    key = jax.random.key(seed)
    ks = jax.random.split(key, 16)
    x = jax.random.normal(ks[0], (N_NODES, D_FEAT), dtype=jnp.float32)
    edge_index = jax.random.randint(ks[1], (2, N_EDGES), 0, N_NODES, dtype=jnp.int32)
    edge_attr = jax.random.normal(ks[2], (N_EDGES, D_EDGE), dtype=jnp.float32)
    params = {
        'node_encoder': make_mlp(ks[3], [D_FEAT, HIDDEN, LATENT]),
        'edge_encoder': make_mlp(ks[4], [D_EDGE, HIDDEN, LATENT]),
        'processors': [
            {'edge_mlp': make_mlp(ks[5], [2 * LATENT + LATENT, HIDDEN, HIDDEN, HIDDEN]),
             'node_fn': make_mlp(ks[6], [LATENT + HIDDEN, HIDDEN, HIDDEN, LATENT]),
             'edge_fn': make_mlp(ks[7], [HIDDEN, HIDDEN, HIDDEN, LATENT])},
            {'edge_mlp': make_mlp(ks[8], [2 * LATENT + LATENT, HIDDEN, HIDDEN, HIDDEN]),
             'node_fn': make_mlp(ks[9], [LATENT + HIDDEN, HIDDEN, HIDDEN, LATENT]),
             'edge_fn': make_mlp(ks[10], [HIDDEN, HIDDEN, HIDDEN, LATENT])},
        ],
        'node_decoder': make_mlp(ks[11], [LATENT, HIDDEN, 3]),
        'edge_decoder': make_mlp(ks[12], [LATENT, HIDDEN, 4]),
    }
    return {'x': x, 'edge_index': edge_index, 'edge_attr': edge_attr, 'params': params}


def reference(x, edge_index, edge_attr, params):
    h = mlp_apply(params['node_encoder'], x, mish)
    e = mlp_apply(params['edge_encoder'], edge_attr, mish)
    for p in params['processors']:
        h, e = processor_apply(p, h, edge_index, e)
    node_out = mlp_apply(params['node_decoder'], h, mish)
    edge_out = mlp_apply(params['edge_decoder'], e, mish)
    return (node_out, edge_out)

if __name__ == "__main__":
    import jax
    _d = setup_inputs()
    print(jax.jit(kernel)(*tuple(_d.values())))

</pallas_src>

<mosaic_0001>
#map = affine_map<(d0, d1) -> (0, 0)>
#map1 = affine_map<(d0, d1) -> (0, 0, 0)>
module attributes {stable_mosaic.version = 14 : i64} {
  func.func @k(%arg0: i32, %arg1: i32, %arg2: memref<10240x128xf32, #tpu.memory_space<hbm>>, %arg3: memref<10240x128xf32, #tpu.memory_space<hbm>>, %arg4: memref<32x80x128xi32, #tpu.memory_space<hbm>>, %arg5: memref<32x80x128xi32, #tpu.memory_space<hbm>>, %arg6: memref<327680x128xf32, #tpu.memory_space<hbm>>, %arg7: memref<80x128xi32, #tpu.memory_space<vmem>>, %arg8: memref<80x128xi32, #tpu.memory_space<vmem>>, %arg9: memref<2x128x128xf32, #tpu.memory_space<vmem>>, %arg10: memref<!tpu.dma_semaphore, #tpu.memory_space<semaphore_mem>>, %arg11: memref<!tpu.dma_semaphore, #tpu.memory_space<semaphore_mem>>, %arg12: memref<!tpu.dma_semaphore, #tpu.memory_space<semaphore_mem>>, %arg13: memref<!tpu.dma_semaphore, #tpu.memory_space<semaphore_mem>>) attributes {dimension_semantics = [#tpu.dimension_semantics<core_parallel>, #tpu.dimension_semantics<subcore_parallel>], iteration_bounds = array<i64: 2, 16>, scalar_prefetch = 0 : i64, scratch_operands = 7 : i64, tpu.core_type = #tpu.core_type<sc_vector_subcore>, window_params = [{transform_indices = #map}, {transform_indices = #map}, {transform_indices = #map1}, {transform_indices = #map1}, {transform_indices = #map}]} {
    %mul3A = arith.constant 2 : i32
    %mul3A_0 = arith.muli %arg1, %mul3A : i32
    %add3A = arith.addi %mul3A_0, %arg0 : i32
    %mul3A_1 = arith.constant 10240 : i32
    %mul3A_2 = arith.muli %add3A, %mul3A_1 : i32
    "tpu.region"() ({
      %run_scoped3A = tpu.sem_alloc : memref<!tpu.dma_semaphore, #tpu.memory_space<semaphore_mem>>
      %dma_start3A_56 = arith.constant 0 : i32
      %dma_start3A_57 = arith.constant 0 : i32
      %dma_start3A_58 = tpu.memref_slice %arg4[%add3A, %dma_start3A_56, %dma_start3A_57] : memref<32x80x128xi32, #tpu.memory_space<hbm>> -> memref<1x80x128xi32, #tpu.memory_space<hbm>>
      %dma_start3A_59 = tpu.memref_squeeze %dma_start3A_58 : memref<1x80x128xi32, #tpu.memory_space<hbm>> -> memref<80x128xi32, #tpu.memory_space<hbm>>
      %dma_start3A_60 = arith.constant 0 : i32
      %dma_start3A_61 = arith.constant 0 : i32
      %dma_start3A_62 = tpu.memref_slice %arg4[%add3A, %dma_start3A_60, %dma_start3A_61] : memref<32x80x128xi32, #tpu.memory_space<hbm>> -> memref<1x80x128xi32, #tpu.memory_space<hbm>>
      %dma_start3A_63 = tpu.memref_squeeze %dma_start3A_62 : memref<1x80x128xi32, #tpu.memory_space<hbm>> -> memref<80x128xi32, #tpu.memory_space<hbm>>
      tpu.enqueue_dma source(%dma_start3A_63 : memref<80x128xi32, #tpu.memory_space<hbm>>) target(%arg7 : memref<80x128xi32, #tpu.memory_space<vmem>>) target_semaphore(%run_scoped3A : memref<!tpu.dma_semaphore, #tpu.memory_space<semaphore_mem>>)
      %dma_wait3A_64 = arith.constant 0 : i32
      %dma_wait3A_65 = arith.constant 0 : i32
      %dma_wait3A_66 = tpu.memref_slice %arg4[%add3A, %dma_wait3A_64, %dma_wait3A_65] : memref<32x80x128xi32, #tpu.memory_space<hbm>> -> memref<1x80x128xi32, #tpu.memory_space<hbm>>
      %dma_wait3A_67 = tpu.memref_squeeze %dma_wait3A_66 : memref<1x80x128xi32, #tpu.memory_space<hbm>> -> memref<80x128xi32, #tpu.memory_space<hbm>>
      %dma_wait3A_68 = arith.constant 0 : i32
      %dma_wait3A_69 = arith.constant 0 : i32
      %dma_wait3A_70 = tpu.memref_slice %arg4[%add3A, %dma_wait3A_68, %dma_wait3A_69] : memref<32x80x128xi32, #tpu.memory_space<hbm>> -> memref<1x80x128xi32, #tpu.memory_space<hbm>>
      %dma_wait3A_71 = tpu.memref_squeeze %dma_wait3A_70 : memref<1x80x128xi32, #tpu.memory_space<hbm>> -> memref<80x128xi32, #tpu.memory_space<hbm>>
      tpu.wait_dma2 semaphore(%run_scoped3A : memref<!tpu.dma_semaphore, #tpu.memory_space<semaphore_mem>>) src(%dma_wait3A_71 : memref<80x128xi32, #tpu.memory_space<hbm>>) dst(%arg7 : memref<80x128xi32, #tpu.memory_space<vmem>>)
      tpu.yield
    }) : () -> ()
    "tpu.region"() ({
      %run_scoped3A = tpu.sem_alloc : memref<!tpu.dma_semaphore, #tpu.memory_space<semaphore_mem>>
      %dma_start3A_56 = arith.constant 0 : i32
      %dma_start3A_57 = arith.constant 0 : i32
      %dma_start3A_58 = tpu.memref_slice %arg5[%add3A, %dma_start3A_56, %dma_start3A_57] : memref<32x80x128xi32, #tpu.memory_space<hbm>> -> memref<1x80x128xi32, #tpu.memory_space<hbm>>
      %dma_start3A_59 = tpu.memref_squeeze %dma_start3A_58 : memref<1x80x128xi32, #tpu.memory_space<hbm>> -> memref<80x128xi32, #tpu.memory_space<hbm>>
      %dma_start3A_60 = arith.constant 0 : i32
      %dma_start3A_61 = arith.constant 0 : i32
      %dma_start3A_62 = tpu.memref_slice %arg5[%add3A, %dma_start3A_60, %dma_start3A_61] : memref<32x80x128xi32, #tpu.memory_space<hbm>> -> memref<1x80x128xi32, #tpu.memory_space<hbm>>
      %dma_start3A_63 = tpu.memref_squeeze %dma_start3A_62 : memref<1x80x128xi32, #tpu.memory_space<hbm>> -> memref<80x128xi32, #tpu.memory_space<hbm>>
      tpu.enqueue_dma source(%dma_start3A_63 : memref<80x128xi32, #tpu.memory_space<hbm>>) target(%arg8 : memref<80x128xi32, #tpu.memory_space<vmem>>) target_semaphore(%run_scoped3A : memref<!tpu.dma_semaphore, #tpu.memory_space<semaphore_mem>>)
      %dma_wait3A_64 = arith.constant 0 : i32
      %dma_wait3A_65 = arith.constant 0 : i32
      %dma_wait3A_66 = tpu.memref_slice %arg5[%add3A, %dma_wait3A_64, %dma_wait3A_65] : memref<32x80x128xi32, #tpu.memory_space<hbm>> -> memref<1x80x128xi32, #tpu.memory_space<hbm>>
      %dma_wait3A_67 = tpu.memref_squeeze %dma_wait3A_66 : memref<1x80x128xi32, #tpu.memory_space<hbm>> -> memref<80x128xi32, #tpu.memory_space<hbm>>
      %dma_wait3A_68 = arith.constant 0 : i32
      %dma_wait3A_69 = arith.constant 0 : i32
      %dma_wait3A_70 = tpu.memref_slice %arg5[%add3A, %dma_wait3A_68, %dma_wait3A_69] : memref<32x80x128xi32, #tpu.memory_space<hbm>> -> memref<1x80x128xi32, #tpu.memory_space<hbm>>
      %dma_wait3A_71 = tpu.memref_squeeze %dma_wait3A_70 : memref<1x80x128xi32, #tpu.memory_space<hbm>> -> memref<80x128xi32, #tpu.memory_space<hbm>>
      tpu.wait_dma2 semaphore(%run_scoped3A : memref<!tpu.dma_semaphore, #tpu.memory_space<semaphore_mem>>) src(%dma_wait3A_71 : memref<80x128xi32, #tpu.memory_space<hbm>>) dst(%arg8 : memref<80x128xi32, #tpu.memory_space<vmem>>)
      tpu.yield
    }) : () -> ()
    %dma_start3A = arith.constant 0 : i32
    %dma_start3A_3 = arith.constant 0 : i32
    %dma_start3A_4 = arith.constant 0 : i32
    %dma_start3A_5 = arith.constant 0 : i32
    %dma_start3A_6 = tpu.memref_slice %arg9[%dma_start3A_3, %dma_start3A_4, %dma_start3A_5] : memref<2x128x128xf32, #tpu.memory_space<vmem>> -> memref<1x128x128xf32, #tpu.memory_space<vmem>>
    %dma_start3A_7 = tpu.memref_squeeze %dma_start3A_6 : memref<1x128x128xf32, #tpu.memory_space<vmem>> -> memref<128x128xf32, #tpu.memory_space<vmem>>
    %dma_start3A_8 = arith.constant 0 : i32
    %dma_start3A_9 = tpu.memref_slice %arg7[%dma_start3A, %dma_start3A_8] : memref<80x128xi32, #tpu.memory_space<vmem>> -> memref<1x128xi32, #tpu.memory_space<vmem>>
    %dma_start3A_10 = tpu.memref_squeeze %dma_start3A_9 : memref<1x128xi32, #tpu.memory_space<vmem>> -> memref<128xi32, #tpu.memory_space<vmem>>
    %dma_start3A_11 = arith.constant 0 : i32
    %dma_start3A_12 = arith.constant 0 : i32
    %dma_start3A_13 = tpu.memref_slice %arg2[%dma_start3A_11, %dma_start3A_12] : memref<10240x128xf32, #tpu.memory_space<hbm>> -> memref<10240x128xf32, #tpu.memory_space<hbm>>
    tpu.enqueue_indirect_dma source(%dma_start3A_13 : memref<10240x128xf32, #tpu.memory_space<hbm>>) target(%dma_start3A_7 : memref<128x128xf32, #tpu.memory_space<vmem>>) offsets(%dma_start3A_10 : memref<128xi32, #tpu.memory_space<vmem>>) semaphore(%arg10 : memref<!tpu.dma_semaphore, #tpu.memory_space<semaphore_mem>>)
    %dma_start3A_14 = arith.constant 1 : i32
    %dma_start3A_15 = arith.constant 1 : i32
    %dma_start3A_16 = arith.constant 0 : i32
    %dma_start3A_17 = arith.constant 0 : i32
    %dma_start3A_18 = tpu.memref_slice %arg9[%dma_start3A_15, %dma_start3A_16, %dma_start3A_17] : memref<2x128x128xf32, #tpu.memory_space<vmem>> -> memref<1x128x128xf32, #tpu.memory_space<vmem>>
    %dma_start3A_19 = tpu.memref_squeeze %dma_start3A_18 : memref<1x128x128xf32, #tpu.memory_space<vmem>> -> memref<128x128xf32, #tpu.memory_space<vmem>>
    %dma_start3A_20 = arith.constant 0 : i32
    %dma_start3A_21 = tpu.memref_slice %arg7[%dma_start3A_14, %dma_start3A_20] : memref<80x128xi32, #tpu.memory_space<vmem>> -> memref<1x128xi32, #tpu.memory_space<vmem>>
    %dma_start3A_22 = tpu.memref_squeeze %dma_start3A_21 : memref<1x128xi32, #tpu.memory_space<vmem>> -> memref<128xi32, #tpu.memory_space<vmem>>
    %dma_start3A_23 = arith.constant 0 : i32
    %dma_start3A_24 = arith.constant 0 : i32
    %dma_start3A_25 = tpu.memref_slice %arg2[%dma_start3A_23, %dma_start3A_24] : memref<10240x128xf32, #tpu.memory_space<hbm>> -> memref<10240x128xf32, #tpu.memory_space<hbm>>
    tpu.enqueue_indirect_dma source(%dma_start3A_25 : memref<10240x128xf32, #tpu.memory_space<hbm>>) target(%dma_start3A_19 : memref<128x128xf32, #tpu.memory_space<vmem>>) offsets(%dma_start3A_22 : memref<128xi32, #tpu.memory_space<vmem>>) semaphore(%arg11 : memref<!tpu.dma_semaphore, #tpu.memory_space<semaphore_mem>>)
    %scan3A = arith.constant 0 : i32
    %scan3A_26 = arith.constant 0 : i32
    %scan3A_27 = arith.constant 40 : i32
    %scan3A_28 = arith.addi %scan3A_26, %scan3A_27 : i32
    %scan3A_29 = arith.constant 1 : i32
    scf.for %scan3A_56 = %scan3A_26 to %scan3A_28 step %scan3A_29  : i32 {
      %mul3A_57 = arith.constant 2 : i32
      %mul3A_58 = arith.muli %scan3A_56, %mul3A_57 : i32
      %add3A_59 = arith.constant 0 : i32
      %add3A_60 = arith.addi %mul3A_58, %add3A_59 : i32
      %mul3A_61 = arith.constant 128 : i32
      %mul3A_62 = arith.muli %add3A_60, %mul3A_61 : i32
      %add3A_63 = arith.addi %mul3A_2, %mul3A_62 : i32
      %dma_wait3A_64 = arith.constant 0 : i32
      %dma_wait3A_65 = arith.constant 0 : i32
      %dma_wait3A_66 = arith.constant 0 : i32
      %dma_wait3A_67 = tpu.memref_slice %arg9[%dma_wait3A_64, %dma_wait3A_65, %dma_wait3A_66] : memref<2x128x128xf32, #tpu.memory_space<vmem>> -> memref<1x128x128xf32, #tpu.memory_space<vmem>>
      %dma_wait3A_68 = tpu.memref_squeeze %dma_wait3A_67 : memref<1x128x128xf32, #tpu.memory_space<vmem>> -> memref<128x128xf32, #tpu.memory_space<vmem>>
      %dma_wait3A_69 = arith.constant 0 : i32
      %dma_wait3A_70 = tpu.memref_slice %arg7[%add3A_60, %dma_wait3A_69] : memref<80x128xi32, #tpu.memory_space<vmem>> -> memref<1x128xi32, #tpu.memory_space<vmem>>
      %dma_wait3A_71 = tpu.memref_squeeze %dma_wait3A_70 : memref<1x128xi32, #tpu.memory_space<vmem>> -> memref<128xi32, #tpu.memory_space<vmem>>
      %dma_wait3A_72 = arith.constant 0 : i32
      %dma_wait3A_73 = arith.constant 0 : i32
      %dma_wait3A_74 = tpu.memref_slice %arg2[%dma_wait3A_72, %dma_wait3A_73] : memref<10240x128xf32, #tpu.memory_space<hbm>> -> memref<10240x128xf32, #tpu.memory_space<hbm>>
      tpu.wait_indirect_dma semaphore(%arg10 : memref<!tpu.dma_semaphore, #tpu.memory_space<semaphore_mem>>) src(%dma_wait3A_74 : memref<10240x128xf32, #tpu.memory_space<hbm>>) dst(%dma_wait3A_68 : memref<128x128xf32, #tpu.memory_space<vmem>>)
      %run_scoped3A = arith.constant 0 : i32
      "tpu.region"() ({
        %run_scoped3A_131 = tpu.sem_alloc : memref<!tpu.dma_semaphore, #tpu.memory_space<semaphore_mem>>
        %dma_start3A_132 = arith.constant 0 : i32
        %dma_start3A_133 = arith.constant 0 : i32
        %dma_start3A_134 = tpu.memref_slice %arg9[%run_scoped3A, %dma_start3A_132, %dma_start3A_133] : memref<2x128x128xf32, #tpu.memory_space<vmem>> -> memref<1x128x128xf32, #tpu.memory_space<vmem>>
        %dma_start3A_135 = tpu.memref_squeeze %dma_start3A_134 : memref<1x128x128xf32, #tpu.memory_space<vmem>> -> memref<128x128xf32, #tpu.memory_space<vmem>>
        %dma_start3A_136 = arith.constant 0 : i32
        %dma_start3A_137 = tpu.memref_slice %arg8[%add3A_60, %dma_start3A_136] : memref<80x128xi32, #tpu.memory_space<vmem>> -> memref<1x128xi32, #tpu.memory_space<vmem>>
        %dma_start3A_138 = tpu.memref_squeeze %dma_start3A_137 : memref<1x128xi32, #tpu.memory_space<vmem>> -> memref<128xi32, #tpu.memory_space<vmem>>
        %dma_start3A_139 = arith.constant 0 : i32
        %dma_start3A_140 = arith.constant 0 : i32
        %dma_start3A_141 = tpu.memref_slice %arg3[%dma_start3A_139, %dma_start3A_140] : memref<10240x128xf32, #tpu.memory_space<hbm>> -> memref<10240x128xf32, #tpu.memory_space<hbm>>
        tpu.enqueue_indirect_dma source(%dma_start3A_141 : memref<10240x128xf32, #tpu.memory_space<hbm>>) target(%dma_start3A_135 : memref<128x128xf32, #tpu.memory_space<vmem>>) offsets(%dma_start3A_138 : memref<128xi32, #tpu.memory_space<vmem>>) semaphore(%run_scoped3A_131 : memref<!tpu.dma_semaphore, #tpu.memory_space<semaphore_mem>>) {add = true}
        %dma_wait3A_142 = arith.constant 0 : i32
        %dma_wait3A_143 = arith.constant 0 : i32
        %dma_wait3A_144 = tpu.memref_slice %arg9[%run_scoped3A, %dma_wait3A_142, %dma_wait3A_143] : memref<2x128x128xf32, #tpu.memory_space<vmem>> -> memref<1x128x128xf32, #tpu.memory_space<vmem>>
        %dma_wait3A_145 = tpu.memref_squeeze %dma_wait3A_144 : memref<1x128x128xf32, #tpu.memory_space<vmem>> -> memref<128x128xf32, #tpu.memory_space<vmem>>
        %dma_wait3A_146 = arith.constant 0 : i32
        %dma_wait3A_147 = tpu.memref_slice %arg8[%add3A_60, %dma_wait3A_146] : memref<80x128xi32, #tpu.memory_space<vmem>> -> memref<1x128xi32, #tpu.memory_space<vmem>>
        %dma_wait3A_148 = tpu.memref_squeeze %dma_wait3A_147 : memref<1x128xi32, #tpu.memory_space<vmem>> -> memref<128xi32, #tpu.memory_space<vmem>>
        %dma_wait3A_149 = arith.constant 0 : i32
        %dma_wait3A_150 = arith.constant 0 : i32
        %dma_wait3A_151 = tpu.memref_slice %arg3[%dma_wait3A_149, %dma_wait3A_150] : memref<10240x128xf32, #tpu.memory_space<hbm>> -> memref<10240x128xf32, #tpu.memory_space<hbm>>
        tpu.wait_indirect_dma semaphore(%run_scoped3A_131 : memref<!tpu.dma_semaphore, #tpu.memory_space<semaphore_mem>>) src(%dma_wait3A_151 : memref<10240x128xf32, #tpu.memory_space<hbm>>) dst(%dma_wait3A_145 : memref<128x128xf32, #tpu.memory_space<vmem>>)
        tpu.yield
      }) : () -> ()
      %dma_start3A_75 = arith.constant 0 : i32
      %dma_start3A_76 = arith.constant 0 : i32
      %dma_start3A_77 = arith.constant 0 : i32
      %dma_start3A_78 = tpu.memref_slice %arg9[%dma_start3A_75, %dma_start3A_76, %dma_start3A_77] : memref<2x128x128xf32, #tpu.memory_space<vmem>> -> memref<1x128x128xf32, #tpu.memory_space<vmem>>
      %dma_start3A_79 = tpu.memref_squeeze %dma_start3A_78 : memref<1x128x128xf32, #tpu.memory_space<vmem>> -> memref<128x128xf32, #tpu.memory_space<vmem>>
      %dma_start3A_80 = arith.constant 0 : i32
      %dma_start3A_81 = tpu.memref_slice %arg6[%add3A_63, %dma_start3A_80] : memref<327680x128xf32, #tpu.memory_space<hbm>> -> memref<128x128xf32, #tpu.memory_space<hbm>>
      %dma_start3A_82 = arith.constant 0 : i32
      %dma_start3A_83 = tpu.memref_slice %arg6[%add3A_63, %dma_start3A_82] : memref<327680x128xf32, #tpu.memory_space<hbm>> -> memref<128x128xf32, #tpu.memory_space<hbm>>
      %dma_start3A_84 = arith.constant 0 : i32
      %dma_start3A_85 = arith.constant 0 : i32
      %dma_start3A_86 = tpu.memref_slice %arg9[%dma_start3A_75, %dma_start3A_84, %dma_start3A_85] : memref<2x128x128xf32, #tpu.memory_space<vmem>> -> memref<1x128x128xf32, #tpu.memory_space<vmem>>
      %dma_start3A_87 = tpu.memref_squeeze %dma_start3A_86 : memref<1x128x128xf32, #tpu.memory_space<vmem>> -> memref<128x128xf32, #tpu.memory_space<vmem>>
      tpu.enqueue_dma source(%dma_start3A_87 : memref<128x128xf32, #tpu.memory_space<vmem>>) target(%dma_start3A_83 : memref<128x128xf32, #tpu.memory_space<hbm>>) target_semaphore(%arg12 : memref<!tpu.dma_semaphore, #tpu.memory_space<semaphore_mem>>)
      %add3A_88 = arith.constant 2 : i32
      %add3A_89 = arith.addi %add3A_60, %add3A_88 : i32
      %lt3A = arith.constant 80 : i32
      %lt3A_90 = arith.cmpi slt, %add3A_89, %lt3A : i32
      %convert_element_type3A = arith.extui %lt3A_90 : i1 to i32
      %cond3A = arith.constant 0 : i32
      %cond3A_91 = arith.cmpi ne, %convert_element_type3A, %cond3A : i32
      scf.if %cond3A_91 {
        %dma_wait3A_131 = arith.constant 0 : i32
        %dma_wait3A_132 = arith.constant 0 : i32
        %dma_wait3A_133 = arith.constant 0 : i32
        %dma_wait3A_134 = tpu.memref_slice %arg9[%dma_wait3A_131, %dma_wait3A_132, %dma_wait3A_133] : memref<2x128x128xf32, #tpu.memory_space<vmem>> -> memref<1x128x128xf32, #tpu.memory_space<vmem>>
        %dma_wait3A_135 = tpu.memref_squeeze %dma_wait3A_134 : memref<1x128x128xf32, #tpu.memory_space<vmem>> -> memref<128x128xf32, #tpu.memory_space<vmem>>
        %dma_wait3A_136 = arith.constant 0 : i32
        %dma_wait3A_137 = tpu.memref_slice %arg6[%add3A_63, %dma_wait3A_136] : memref<327680x128xf32, #tpu.memory_space<hbm>> -> memref<128x128xf32, #tpu.memory_space<hbm>>
        %dma_wait3A_138 = arith.constant 0 : i32
        %dma_wait3A_139 = tpu.memref_slice %arg6[%add3A_63, %dma_wait3A_138] : memref<327680x128xf32, #tpu.memory_space<hbm>> -> memref<128x128xf32, #tpu.memory_space<hbm>>
        %dma_wait3A_140 = arith.constant 0 : i32
        %dma_wait3A_141 = arith.constant 0 : i32
        %dma_wait3A_142 = tpu.memref_slice %arg9[%dma_wait3A_131, %dma_wait3A_140, %dma_wait3A_141] : memref<2x128x128xf32, #tpu.memory_space<vmem>> -> memref<1x128x128xf32, #tpu.memory_space<vmem>>
        %dma_wait3A_143 = tpu.memref_squeeze %dma_wait3A_142 : memref<1x128x128xf32, #tpu.memory_space<vmem>> -> memref<128x128xf32, #tpu.memory_space<vmem>>
        tpu.wait_dma2 semaphore(%arg12 : memref<!tpu.dma_semaphore, #tpu.memory_space<semaphore_mem>>) src(%dma_wait3A_143 : memref<128x128xf32, #tpu.memory_space<vmem>>) dst(%dma_wait3A_139 : memref<128x128xf32, #tpu.memory_space<hbm>>)
        %dma_start3A_144 = arith.constant 0 : i32
        %dma_start3A_145 = arith.constant 0 : i32
        %dma_start3A_146 = arith.constant 0 : i32
        %dma_start3A_147 = tpu.memref_slice %arg9[%dma_start3A_144, %dma_start3A_145, %dma_start3A_146] : memref<2x128x128xf32, #tpu.memory_space<vmem>> -> memref<1x128x128xf32, #tpu.memory_space<vmem>>
        %dma_start3A_148 = tpu.memref_squeeze %dma_start3A_147 : memref<1x128x128xf32, #tpu.memory_space<vmem>> -> memref<128x128xf32, #tpu.memory_space<vmem>>
        %dma_start3A_149 = arith.constant 0 : i32
        %dma_start3A_150 = tpu.memref_slice %arg7[%add3A_89, %dma_start3A_149] : memref<80x128xi32, #tpu.memory_space<vmem>> -> memref<1x128xi32, #tpu.memory_space<vmem>>
        %dma_start3A_151 = tpu.memref_squeeze %dma_start3A_150 : memref<1x128xi32, #tpu.memory_space<vmem>> -> memref<128xi32, #tpu.memory_space<vmem>>
        %dma_start3A_152 = arith.constant 0 : i32
        %dma_start3A_153 = arith.constant 0 : i32
        %dma_start3A_154 = tpu.memref_slice %arg2[%dma_start3A_152, %dma_start3A_153] : memref<10240x128xf32, #tpu.memory_space<hbm>> -> memref<10240x128xf32, #tpu.memory_space<hbm>>
        tpu.enqueue_indirect_dma source(%dma_start3A_154 : memref<10240x128xf32, #tpu.memory_space<hbm>>) target(%dma_start3A_148 : memref<128x128xf32, #tpu.memory_space<vmem>>) offsets(%dma_start3A_151 : memref<128xi32, #tpu.memory_space<vmem>>) semaphore(%arg10 : memref<!tpu.dma_semaphore, #tpu.memory_space<semaphore_mem>>)
      } else {
      }
      %mul3A_92 = arith.constant 2 : i32
      %mul3A_93 = arith.muli %scan3A_56, %mul3A_92 : i32
      %add3A_94 = arith.constant 1 : i32
      %add3A_95 = arith.addi %mul3A_93, %add3A_94 : i32
      %mul3A_96 = arith.constant 128 : i32
      %mul3A_97 = arith.muli %add3A_95, %mul3A_96 : i32
      %add3A_98 = arith.addi %mul3A_2, %mul3A_97 : i32
      %dma_wait3A_99 = arith.constant 1 : i32
      %dma_wait3A_100 = arith.constant 0 : i32
      %dma_wait3A_101 = arith.constant 0 : i32
      %dma_wait3A_102 = tpu.memref_slice %arg9[%dma_wait3A_99, %dma_wait3A_100, %dma_wait3A_101] : memref<2x128x128xf32, #tpu.memory_space<vmem>> -> memref<1x128x128xf32, #tpu.memory_space<vmem>>
      %dma_wait3A_103 = tpu.memref_squeeze %dma_wait3A_102 : memref<1x128x128xf32, #tpu.memory_space<vmem>> -> memref<128x128xf32, #tpu.memory_space<vmem>>
      %dma_wait3A_104 = arith.constant 0 : i32
      %dma_wait3A_105 = tpu.memref_slice %arg7[%add3A_95, %dma_wait3A_104] : memref<80x128xi32, #tpu.memory_space<vmem>> -> memref<1x128xi32, #tpu.memory_space<vmem>>
      %dma_wait3A_106 = tpu.memref_squeeze %dma_wait3A_105 : memref<1x128xi32, #tpu.memory_space<vmem>> -> memref<128xi32, #tpu.memory_space<vmem>>
      %dma_wait3A_107 = arith.constant 0 : i32
      %dma_wait3A_108 = arith.constant 0 : i32
      %dma_wait3A_109 = tpu.memref_slice %arg2[%dma_wait3A_107, %dma_wait3A_108] : memref<10240x128xf32, #tpu.memory_space<hbm>> -> memref<10240x128xf32, #tpu.memory_space<hbm>>
      tpu.wait_indirect_dma semaphore(%arg11 : memref<!tpu.dma_semaphore, #tpu.memory_space<semaphore_mem>>) src(%dma_wait3A_109 : memref<10240x128xf32, #tpu.memory_space<hbm>>) dst(%dma_wait3A_103 : memref<128x128xf32, #tpu.memory_space<vmem>>)
      %run_scoped3A_110 = arith.constant 1 : i32
      "tpu.region"() ({
        %run_scoped3A_131 = tpu.sem_alloc : memref<!tpu.dma_semaphore, #tpu.memory_space<semaphore_mem>>
        %dma_start3A_132 = arith.constant 0 : i32
        %dma_start3A_133 = arith.constant 0 : i32
        %dma_start3A_134 = tpu.memref_slice %arg9[%run_scoped3A_110, %dma_start3A_132, %dma_start3A_133] : memref<2x128x128xf32, #tpu.memory_space<vmem>> -> memref<1x128x128xf32, #tpu.memory_space<vmem>>
        %dma_start3A_135 = tpu.memref_squeeze %dma_start3A_134 : memref<1x128x128xf32, #tpu.memory_space<vmem>> -> memref<128x128xf32, #tpu.memory_space<vmem>>
        %dma_start3A_136 = arith.constant 0 : i32
        %dma_start3A_137 = tpu.memref_slice %arg8[%add3A_95, %dma_start3A_136] : memref<80x128xi32, #tpu.memory_space<vmem>> -> memref<1x128xi32, #tpu.memory_space<vmem>>
        %dma_start3A_138 = tpu.memref_squeeze %dma_start3A_137 : memref<1x128xi32, #tpu.memory_space<vmem>> -> memref<128xi32, #tpu.memory_space<vmem>>
        %dma_start3A_139 = arith.constant 0 : i32
        %dma_start3A_140 = arith.constant 0 : i32
        %dma_start3A_141 = tpu.memref_slice %arg3[%dma_start3A_139, %dma_start3A_140] : memref<10240x128xf32, #tpu.memory_space<hbm>> -> memref<10240x128xf32, #tpu.memory_space<hbm>>
        tpu.enqueue_indirect_dma source(%dma_start3A_141 : memref<10240x128xf32, #tpu.memory_space<hbm>>) target(%dma_start3A_135 : memref<128x128xf32, #tpu.memory_space<vmem>>) offsets(%dma_start3A_138 : memref<128xi32, #tpu.memory_space<vmem>>) semaphore(%run_scoped3A_131 : memref<!tpu.dma_semaphore, #tpu.memory_space<semaphore_mem>>) {add = true}
        %dma_wait3A_142 = arith.constant 0 : i32
        %dma_wait3A_143 = arith.constant 0 : i32
        %dma_wait3A_144 = tpu.memref_slice %arg9[%run_scoped3A_110, %dma_wait3A_142, %dma_wait3A_143] : memref<2x128x128xf32, #tpu.memory_space<vmem>> -> memref<1x128x128xf32, #tpu.memory_space<vmem>>
        %dma_wait3A_145 = tpu.memref_squeeze %dma_wait3A_144 : memref<1x128x128xf32, #tpu.memory_space<vmem>> -> memref<128x128xf32, #tpu.memory_space<vmem>>
        %dma_wait3A_146 = arith.constant 0 : i32
        %dma_wait3A_147 = tpu.memref_slice %arg8[%add3A_95, %dma_wait3A_146] : memref<80x128xi32, #tpu.memory_space<vmem>> -> memref<1x128xi32, #tpu.memory_space<vmem>>
        %dma_wait3A_148 = tpu.memref_squeeze %dma_wait3A_147 : memref<1x128xi32, #tpu.memory_space<vmem>> -> memref<128xi32, #tpu.memory_space<vmem>>
        %dma_wait3A_149 = arith.constant 0 : i32
        %dma_wait3A_150 = arith.constant 0 : i32
        %dma_wait3A_151 = tpu.memref_slice %arg3[%dma_wait3A_149, %dma_wait3A_150] : memref<10240x128xf32, #tpu.memory_space<hbm>> -> memref<10240x128xf32, #tpu.memory_space<hbm>>
        tpu.wait_indirect_dma semaphore(%run_scoped3A_131 : memref<!tpu.dma_semaphore, #tpu.memory_space<semaphore_mem>>) src(%dma_wait3A_151 : memref<10240x128xf32, #tpu.memory_space<hbm>>) dst(%dma_wait3A_145 : memref<128x128xf32, #tpu.memory_space<vmem>>)
        tpu.yield
      }) : () -> ()
      %dma_start3A_111 = arith.constant 1 : i32
      %dma_start3A_112 = arith.constant 0 : i32
      %dma_start3A_113 = arith.constant 0 : i32
      %dma_start3A_114 = tpu.memref_slice %arg9[%dma_start3A_111, %dma_start3A_112, %dma_start3A_113] : memref<2x128x128xf32, #tpu.memory_space<vmem>> -> memref<1x128x128xf32, #tpu.memory_space<vmem>>
      %dma_start3A_115 = tpu.memref_squeeze %dma_start3A_114 : memref<1x128x128xf32, #tpu.memory_space<vmem>> -> memref<128x128xf32, #tpu.memory_space<vmem>>
      %dma_start3A_116 = arith.constant 0 : i32
      %dma_start3A_117 = tpu.memref_slice %arg6[%add3A_98, %dma_start3A_116] : memref<327680x128xf32, #tpu.memory_space<hbm>> -> memref<128x128xf32, #tpu.memory_space<hbm>>
      %dma_start3A_118 = arith.constant 0 : i32
      %dma_start3A_119 = tpu.memref_slice %arg6[%add3A_98, %dma_start3A_118] : memref<327680x128xf32, #tpu.memory_space<hbm>> -> memref<128x128xf32, #tpu.memory_space<hbm>>
      %dma_start3A_120 = arith.constant 0 : i32
      %dma_start3A_121 = arith.constant 0 : i32
      %dma_start3A_122 = tpu.memref_slice %arg9[%dma_start3A_111, %dma_start3A_120, %dma_start3A_121] : memref<2x128x128xf32, #tpu.memory_space<vmem>> -> memref<1x128x128xf32, #tpu.memory_space<vmem>>
      %dma_start3A_123 = tpu.memref_squeeze %dma_start3A_122 : memref<1x128x128xf32, #tpu.memory_space<vmem>> -> memref<128x128xf32, #tpu.memory_space<vmem>>
      tpu.enqueue_dma source(%dma_start3A_123 : memref<128x128xf32, #tpu.memory_space<vmem>>) target(%dma_start3A_119 : memref<128x128xf32, #tpu.memory_space<hbm>>) target_semaphore(%arg13 : memref<!tpu.dma_semaphore, #tpu.memory_space<semaphore_mem>>)
      %add3A_124 = arith.constant 2 : i32
      %add3A_125 = arith.addi %add3A_95, %add3A_124 : i32
      %lt3A_126 = arith.constant 80 : i32
      %lt3A_127 = arith.cmpi slt, %add3A_125, %lt3A_126 : i32
      %convert_element_type3A_128 = arith.extui %lt3A_127 : i1 to i32
      %cond3A_129 = arith.constant 0 : i32
      %cond3A_130 = arith.cmpi ne, %convert_element_type3A_128, %cond3A_129 : i32
      scf.if %cond3A_130 {
        %dma_wait3A_131 = arith.constant 1 : i32
        %dma_wait3A_132 = arith.constant 0 : i32
        %dma_wait3A_133 = arith.constant 0 : i32
        %dma_wait3A_134 = tpu.memref_slice %arg9[%dma_wait3A_131, %dma_wait3A_132, %dma_wait3A_133] : memref<2x128x128xf32, #tpu.memory_space<vmem>> -> memref<1x128x128xf32, #tpu.memory_space<vmem>>
        %dma_wait3A_135 = tpu.memref_squeeze %dma_wait3A_134 : memref<1x128x128xf32, #tpu.memory_space<vmem>> -> memref<128x128xf32, #tpu.memory_space<vmem>>
        %dma_wait3A_136 = arith.constant 0 : i32
        %dma_wait3A_137 = tpu.memref_slice %arg6[%add3A_98, %dma_wait3A_136] : memref<327680x128xf32, #tpu.memory_space<hbm>> -> memref<128x128xf32, #tpu.memory_space<hbm>>
        %dma_wait3A_138 = arith.constant 0 : i32
        %dma_wait3A_139 = tpu.memref_slice %arg6[%add3A_98, %dma_wait3A_138] : memref<327680x128xf32, #tpu.memory_space<hbm>> -> memref<128x128xf32, #tpu.memory_space<hbm>>
        %dma_wait3A_140 = arith.constant 0 : i32
        %dma_wait3A_141 = arith.constant 0 : i32
        %dma_wait3A_142 = tpu.memref_slice %arg9[%dma_wait3A_131, %dma_wait3A_140, %dma_wait3A_141] : memref<2x128x128xf32, #tpu.memory_space<vmem>> -> memref<1x128x128xf32, #tpu.memory_space<vmem>>
        %dma_wait3A_143 = tpu.memref_squeeze %dma_wait3A_142 : memref<1x128x128xf32, #tpu.memory_space<vmem>> -> memref<128x128xf32, #tpu.memory_space<vmem>>
        tpu.wait_dma2 semaphore(%arg13 : memref<!tpu.dma_semaphore, #tpu.memory_space<semaphore_mem>>) src(%dma_wait3A_143 : memref<128x128xf32, #tpu.memory_space<vmem>>) dst(%dma_wait3A_139 : memref<128x128xf32, #tpu.memory_space<hbm>>)
        %dma_start3A_144 = arith.constant 1 : i32
        %dma_start3A_145 = arith.constant 0 : i32
        %dma_start3A_146 = arith.constant 0 : i32
        %dma_start3A_147 = tpu.memref_slice %arg9[%dma_start3A_144, %dma_start3A_145, %dma_start3A_146] : memref<2x128x128xf32, #tpu.memory_space<vmem>> -> memref<1x128x128xf32, #tpu.memory_space<vmem>>
        %dma_start3A_148 = tpu.memref_squeeze %dma_start3A_147 : memref<1x128x128xf32, #tpu.memory_space<vmem>> -> memref<128x128xf32, #tpu.memory_space<vmem>>
        %dma_start3A_149 = arith.constant 0 : i32
        %dma_start3A_150 = tpu.memref_slice %arg7[%add3A_125, %dma_start3A_149] : memref<80x128xi32, #tpu.memory_space<vmem>> -> memref<1x128xi32, #tpu.memory_space<vmem>>
        %dma_start3A_151 = tpu.memref_squeeze %dma_start3A_150 : memref<1x128xi32, #tpu.memory_space<vmem>> -> memref<128xi32, #tpu.memory_space<vmem>>
        %dma_start3A_152 = arith.constant 0 : i32
        %dma_start3A_153 = arith.constant 0 : i32
        %dma_start3A_154 = tpu.memref_slice %arg2[%dma_start3A_152, %dma_start3A_153] : memref<10240x128xf32, #tpu.memory_space<hbm>> -> memref<10240x128xf32, #tpu.memory_space<hbm>>
        tpu.enqueue_indirect_dma source(%dma_start3A_154 : memref<10240x128xf32, #tpu.memory_space<hbm>>) target(%dma_start3A_148 : memref<128x128xf32, #tpu.memory_space<vmem>>) offsets(%dma_start3A_151 : memref<128xi32, #tpu.memory_space<vmem>>) semaphore(%arg11 : memref<!tpu.dma_semaphore, #tpu.memory_space<semaphore_mem>>)
      } else {
      }
    }
    %scan3A_30 = arith.constant 40 : i32
    %dma_wait3A = arith.constant 0 : i32
    %dma_wait3A_31 = arith.constant 0 : i32
    %dma_wait3A_32 = arith.constant 0 : i32
    %dma_wait3A_33 = tpu.memref_slice %arg9[%dma_wait3A, %dma_wait3A_31, %dma_wait3A_32] : memref<2x128x128xf32, #tpu.memory_space<vmem>> -> memref<1x128x128xf32, #tpu.memory_space<vmem>>
    %dma_wait3A_34 = tpu.memref_squeeze %dma_wait3A_33 : memref<1x128x128xf32, #tpu.memory_space<vmem>> -> memref<128x128xf32, #tpu.memory_space<vmem>>
    %dma_wait3A_35 = arith.constant 0 : i32
    %dma_wait3A_36 = tpu.memref_slice %arg6[%mul3A_2, %dma_wait3A_35] : memref<327680x128xf32, #tpu.memory_space<hbm>> -> memref<128x128xf32, #tpu.memory_space<hbm>>
    %dma_wait3A_37 = arith.constant 0 : i32
    %dma_wait3A_38 = tpu.memref_slice %arg6[%mul3A_2, %dma_wait3A_37] : memref<327680x128xf32, #tpu.memory_space<hbm>> -> memref<128x128xf32, #tpu.memory_space<hbm>>
    %dma_wait3A_39 = arith.constant 0 : i32
    %dma_wait3A_40 = arith.constant 0 : i32
    %dma_wait3A_41 = tpu.memref_slice %arg9[%dma_wait3A, %dma_wait3A_39, %dma_wait3A_40] : memref<2x128x128xf32, #tpu.memory_space<vmem>> -> memref<1x128x128xf32, #tpu.memory_space<vmem>>
    %dma_wait3A_42 = tpu.memref_squeeze %dma_wait3A_41 : memref<1x128x128xf32, #tpu.memory_space<vmem>> -> memref<128x128xf32, #tpu.memory_space<vmem>>
    tpu.wait_dma2 semaphore(%arg12 : memref<!tpu.dma_semaphore, #tpu.memory_space<semaphore_mem>>) src(%dma_wait3A_42 : memref<128x128xf32, #tpu.memory_space<vmem>>) dst(%dma_wait3A_38 : memref<128x128xf32, #tpu.memory_space<hbm>>)
    %dma_wait3A_43 = arith.constant 1 : i32
    %dma_wait3A_44 = arith.constant 0 : i32
    %dma_wait3A_45 = arith.constant 0 : i32
    %dma_wait3A_46 = tpu.memref_slice %arg9[%dma_wait3A_43, %dma_wait3A_44, %dma_wait3A_45] : memref<2x128x128xf32, #tpu.memory_space<vmem>> -> memref<1x128x128xf32, #tpu.memory_space<vmem>>
    %dma_wait3A_47 = tpu.memref_squeeze %dma_wait3A_46 : memref<1x128x128xf32, #tpu.memory_space<vmem>> -> memref<128x128xf32, #tpu.memory_space<vmem>>
    %dma_wait3A_48 = arith.constant 0 : i32
    %dma_wait3A_49 = tpu.memref_slice %arg6[%mul3A_2, %dma_wait3A_48] : memref<327680x128xf32, #tpu.memory_space<hbm>> -> memref<128x128xf32, #tpu.memory_space<hbm>>
    %dma_wait3A_50 = arith.constant 0 : i32
    %dma_wait3A_51 = tpu.memref_slice %arg6[%mul3A_2, %dma_wait3A_50] : memref<327680x128xf32, #tpu.memory_space<hbm>> -> memref<128x128xf32, #tpu.memory_space<hbm>>
    %dma_wait3A_52 = arith.constant 0 : i32
    %dma_wait3A_53 = arith.constant 0 : i32
    %dma_wait3A_54 = tpu.memref_slice %arg9[%dma_wait3A_43, %dma_wait3A_52, %dma_wait3A_53] : memref<2x128x128xf32, #tpu.memory_space<vmem>> -> memref<1x128x128xf32, #tpu.memory_space<vmem>>
    %dma_wait3A_55 = tpu.memref_squeeze %dma_wait3A_54 : memref<1x128x128xf32, #tpu.memory_space<vmem>> -> memref<128x128xf32, #tpu.memory_space<vmem>>
    tpu.wait_dma2 semaphore(%arg13 : memref<!tpu.dma_semaphore, #tpu.memory_space<semaphore_mem>>) src(%dma_wait3A_55 : memref<128x128xf32, #tpu.memory_space<vmem>>) dst(%dma_wait3A_51 : memref<128x128xf32, #tpu.memory_space<hbm>>)
    return
  }
}

#map = affine_map<(d0, d1) -> (0, 0)>
#map1 = affine_map<(d0, d1) -> (0, 0, 0)>
module attributes {stable_mosaic.version = 14 : i64} {
  func.func @k(%arg0: i32, %arg1: i32, %arg2: memref<10240x128xf32, #tpu.memory_space<hbm>>, %arg3: memref<10240x128xf32, #tpu.memory_space<hbm>>, %arg4: memref<32x80x128xi32, #tpu.memory_space<hbm>>, %arg5: memref<32x80x128xi32, #tpu.memory_space<hbm>>, %arg6: memref<327680x128xf32, #tpu.memory_space<hbm>>, %arg7: memref<80x128xi32, #tpu.memory_space<vmem>>, %arg8: memref<80x128xi32, #tpu.memory_space<vmem>>, %arg9: memref<2x128x128xf32, #tpu.memory_space<vmem>>, %arg10: memref<!tpu.dma_semaphore, #tpu.memory_space<semaphore_mem>>, %arg11: memref<!tpu.dma_semaphore, #tpu.memory_space<semaphore_mem>>, %arg12: memref<!tpu.dma_semaphore, #tpu.memory_space<semaphore_mem>>, %arg13: memref<!tpu.dma_semaphore, #tpu.memory_space<semaphore_mem>>) attributes {dimension_semantics = [#tpu.dimension_semantics<core_parallel>, #tpu.dimension_semantics<subcore_parallel>], iteration_bounds = array<i64: 2, 16>, scalar_prefetch = 0 : i64, scratch_operands = 7 : i64, tpu.core_type = #tpu.core_type<sc_vector_subcore>, window_params = [{transform_indices = #map}, {transform_indices = #map}, {transform_indices = #map1}, {transform_indices = #map1}, {transform_indices = #map}]} {
    %mul3A = arith.constant 2 : i32
    %mul3A_0 = arith.muli %arg1, %mul3A : i32
    %add3A = arith.addi %mul3A_0, %arg0 : i32
    %mul3A_1 = arith.constant 10240 : i32
    %mul3A_2 = arith.muli %add3A, %mul3A_1 : i32
    "tpu.region"() ({
      %run_scoped3A = tpu.sem_alloc : memref<!tpu.dma_semaphore, #tpu.memory_space<semaphore_mem>>
      %dma_start3A_56 = arith.constant 0 : i32
      %dma_start3A_57 = arith.constant 0 : i32
      %dma_start3A_58 = tpu.memref_slice %arg4[%add3A, %dma_start3A_56, %dma_start3A_57] : memref<32x80x128xi32, #tpu.memory_space<hbm>> -> memref<1x80x128xi32, #tpu.memory_space<hbm>>
      %dma_start3A_59 = tpu.memref_squeeze %dma_start3A_58 : memref<1x80x128xi32, #tpu.memory_space<hbm>> -> memref<80x128xi32, #tpu.memory_space<hbm>>
      %dma_start3A_60 = arith.constant 0 : i32
      %dma_start3A_61 = arith.constant 0 : i32
      %dma_start3A_62 = tpu.memref_slice %arg4[%add3A, %dma_start3A_60, %dma_start3A_61] : memref<32x80x128xi32, #tpu.memory_space<hbm>> -> memref<1x80x128xi32, #tpu.memory_space<hbm>>
      %dma_start3A_63 = tpu.memref_squeeze %dma_start3A_62 : memref<1x80x128xi32, #tpu.memory_space<hbm>> -> memref<80x128xi32, #tpu.memory_space<hbm>>
      tpu.enqueue_dma source(%dma_start3A_63 : memref<80x128xi32, #tpu.memory_space<hbm>>) target(%arg7 : memref<80x128xi32, #tpu.memory_space<vmem>>) target_semaphore(%run_scoped3A : memref<!tpu.dma_semaphore, #tpu.memory_space<semaphore_mem>>)
      %dma_wait3A_64 = arith.constant 0 : i32
      %dma_wait3A_65 = arith.constant 0 : i32
      %dma_wait3A_66 = tpu.memref_slice %arg4[%add3A, %dma_wait3A_64, %dma_wait3A_65] : memref<32x80x128xi32, #tpu.memory_space<hbm>> -> memref<1x80x128xi32, #tpu.memory_space<hbm>>
      %dma_wait3A_67 = tpu.memref_squeeze %dma_wait3A_66 : memref<1x80x128xi32, #tpu.memory_space<hbm>> -> memref<80x128xi32, #tpu.memory_space<hbm>>
      %dma_wait3A_68 = arith.constant 0 : i32
      %dma_wait3A_69 = arith.constant 0 : i32
      %dma_wait3A_70 = tpu.memref_slice %arg4[%add3A, %dma_wait3A_68, %dma_wait3A_69] : memref<32x80x128xi32, #tpu.memory_space<hbm>> -> memref<1x80x128xi32, #tpu.memory_space<hbm>>
      %dma_wait3A_71 = tpu.memref_squeeze %dma_wait3A_70 : memref<1x80x128xi32, #tpu.memory_space<hbm>> -> memref<80x128xi32, #tpu.memory_space<hbm>>
      tpu.wait_dma2 semaphore(%run_scoped3A : memref<!tpu.dma_semaphore, #tpu.memory_space<semaphore_mem>>) src(%dma_wait3A_71 : memref<80x128xi32, #tpu.memory_space<hbm>>) dst(%arg7 : memref<80x128xi32, #tpu.memory_space<vmem>>)
      tpu.yield
    }) : () -> ()
    "tpu.region"() ({
      %run_scoped3A = tpu.sem_alloc : memref<!tpu.dma_semaphore, #tpu.memory_space<semaphore_mem>>
      %dma_start3A_56 = arith.constant 0 : i32
      %dma_start3A_57 = arith.constant 0 : i32
      %dma_start3A_58 = tpu.memref_slice %arg5[%add3A, %dma_start3A_56, %dma_start3A_57] : memref<32x80x128xi32, #tpu.memory_space<hbm>> -> memref<1x80x128xi32, #tpu.memory_space<hbm>>
      %dma_start3A_59 = tpu.memref_squeeze %dma_start3A_58 : memref<1x80x128xi32, #tpu.memory_space<hbm>> -> memref<80x128xi32, #tpu.memory_space<hbm>>
      %dma_start3A_60 = arith.constant 0 : i32
      %dma_start3A_61 = arith.constant 0 : i32
      %dma_start3A_62 = tpu.memref_slice %arg5[%add3A, %dma_start3A_60, %dma_start3A_61] : memref<32x80x128xi32, #tpu.memory_space<hbm>> -> memref<1x80x128xi32, #tpu.memory_space<hbm>>
      %dma_start3A_63 = tpu.memref_squeeze %dma_start3A_62 : memref<1x80x128xi32, #tpu.memory_space<hbm>> -> memref<80x128xi32, #tpu.memory_space<hbm>>
      tpu.enqueue_dma source(%dma_start3A_63 : memref<80x128xi32, #tpu.memory_space<hbm>>) target(%arg8 : memref<80x128xi32, #tpu.memory_space<vmem>>) target_semaphore(%run_scoped3A : memref<!tpu.dma_semaphore, #tpu.memory_space<semaphore_mem>>)
      %dma_wait3A_64 = arith.constant 0 : i32
      %dma_wait3A_65 = arith.constant 0 : i32
      %dma_wait3A_66 = tpu.memref_slice %arg5[%add3A, %dma_wait3A_64, %dma_wait3A_65] : memref<32x80x128xi32, #tpu.memory_space<hbm>> -> memref<1x80x128xi32, #tpu.memory_space<hbm>>
      %dma_wait3A_67 = tpu.memref_squeeze %dma_wait3A_66 : memref<1x80x128xi32, #tpu.memory_space<hbm>> -> memref<80x128xi32, #tpu.memory_space<hbm>>
      %dma_wait3A_68 = arith.constant 0 : i32
      %dma_wait3A_69 = arith.constant 0 : i32
      %dma_wait3A_70 = tpu.memref_slice %arg5[%add3A, %dma_wait3A_68, %dma_wait3A_69] : memref<32x80x128xi32, #tpu.memory_space<hbm>> -> memref<1x80x128xi32, #tpu.memory_space<hbm>>
      %dma_wait3A_71 = tpu.memref_squeeze %dma_wait3A_70 : memref<1x80x128xi32, #tpu.memory_space<hbm>> -> memref<80x128xi32, #tpu.memory_space<hbm>>
      tpu.wait_dma2 semaphore(%run_scoped3A : memref<!tpu.dma_semaphore, #tpu.memory_space<semaphore_mem>>) src(%dma_wait3A_71 : memref<80x128xi32, #tpu.memory_space<hbm>>) dst(%arg8 : memref<80x128xi32, #tpu.memory_space<vmem>>)
      tpu.yield
    }) : () -> ()
    %dma_start3A = arith.constant 0 : i32
    %dma_start3A_3 = arith.constant 0 : i32
    %dma_start3A_4 = arith.constant 0 : i32
    %dma_start3A_5 = arith.constant 0 : i32
    %dma_start3A_6 = tpu.memref_slice %arg9[%dma_start3A_3, %dma_start3A_4, %dma_start3A_5] : memref<2x128x128xf32, #tpu.memory_space<vmem>> -> memref<1x128x128xf32, #tpu.memory_space<vmem>>
    %dma_start3A_7 = tpu.memref_squeeze %dma_start3A_6 : memref<1x128x128xf32, #tpu.memory_space<vmem>> -> memref<128x128xf32, #tpu.memory_space<vmem>>
    %dma_start3A_8 = arith.constant 0 : i32
    %dma_start3A_9 = tpu.memref_slice %arg7[%dma_start3A, %dma_start3A_8] : memref<80x128xi32, #tpu.memory_space<vmem>> -> memref<1x128xi32, #tpu.memory_space<vmem>>
    %dma_start3A_10 = tpu.memref_squeeze %dma_start3A_9 : memref<1x128xi32, #tpu.memory_space<vmem>> -> memref<128xi32, #tpu.memory_space<vmem>>
    %dma_start3A_11 = arith.constant 0 : i32
    %dma_start3A_12 = arith.constant 0 : i32
    %dma_start3A_13 = tpu.memref_slice %arg2[%dma_start3A_11, %dma_start3A_12] : memref<10240x128xf32, #tpu.memory_space<hbm>> -> memref<10240x128xf32, #tpu.memory_space<hbm>>
    tpu.enqueue_indirect_dma source(%dma_start3A_13 : memref<10240x128xf32, #tpu.memory_space<hbm>>) target(%dma_start3A_7 : memref<128x128xf32, #tpu.memory_space<vmem>>) offsets(%dma_start3A_10 : memref<128xi32, #tpu.memory_space<vmem>>) semaphore(%arg10 : memref<!tpu.dma_semaphore, #tpu.memory_space<semaphore_mem>>)
    %dma_start3A_14 = arith.constant 1 : i32
    %dma_start3A_15 = arith.constant 1 : i32
    %dma_start3A_16 = arith.constant 0 : i32
    %dma_start3A_17 = arith.constant 0 : i32
    %dma_start3A_18 = tpu.memref_slice %arg9[%dma_start3A_15, %dma_start3A_16, %dma_start3A_17] : memref<2x128x128xf32, #tpu.memory_space<vmem>> -> memref<1x128x128xf32, #tpu.memory_space<vmem>>
    %dma_start3A_19 = tpu.memref_squeeze %dma_start3A_18 : memref<1x128x128xf32, #tpu.memory_space<vmem>> -> memref<128x128xf32, #tpu.memory_space<vmem>>
    %dma_start3A_20 = arith.constant 0 : i32
    %dma_start3A_21 = tpu.memref_slice %arg7[%dma_start3A_14, %dma_start3A_20] : memref<80x128xi32, #tpu.memory_space<vmem>> -> memref<1x128xi32, #tpu.memory_space<vmem>>
    %dma_start3A_22 = tpu.memref_squeeze %dma_start3A_21 : memref<1x128xi32, #tpu.memory_space<vmem>> -> memref<128xi32, #tpu.memory_space<vmem>>
    %dma_start3A_23 = arith.constant 0 : i32
    %dma_start3A_24 = arith.constant 0 : i32
    %dma_start3A_25 = tpu.memref_slice %arg2[%dma_start3A_23, %dma_start3A_24] : memref<10240x128xf32, #tpu.memory_space<hbm>> -> memref<10240x128xf32, #tpu.memory_space<hbm>>
    tpu.enqueue_indirect_dma source(%dma_start3A_25 : memref<10240x128xf32, #tpu.memory_space<hbm>>) target(%dma_start3A_19 : memref<128x128xf32, #tpu.memory_space<vmem>>) offsets(%dma_start3A_22 : memref<128xi32, #tpu.memory_space<vmem>>) semaphore(%arg11 : memref<!tpu.dma_semaphore, #tpu.memory_space<semaphore_mem>>)
    %scan3A = arith.constant 0 : i32
    %scan3A_26 = arith.constant 0 : i32
    %scan3A_27 = arith.constant 40 : i32
    %scan3A_28 = arith.addi %scan3A_26, %scan3A_27 : i32
    %scan3A_29 = arith.constant 1 : i32
    scf.for %scan3A_56 = %scan3A_26 to %scan3A_28 step %scan3A_29  : i32 {
      %mul3A_57 = arith.constant 2 : i32
      %mul3A_58 = arith.muli %scan3A_56, %mul3A_57 : i32
      %add3A_59 = arith.constant 0 : i32
      %add3A_60 = arith.addi %mul3A_58, %add3A_59 : i32
      %mul3A_61 = arith.constant 128 : i32
      %mul3A_62 = arith.muli %add3A_60, %mul3A_61 : i32
      %add3A_63 = arith.addi %mul3A_2, %mul3A_62 : i32
      %dma_wait3A_64 = arith.constant 0 : i32
      %dma_wait3A_65 = arith.constant 0 : i32
      %dma_wait3A_66 = arith.constant 0 : i32
      %dma_wait3A_67 = tpu.memref_slice %arg9[%dma_wait3A_64, %dma_wait3A_65, %dma_wait3A_66] : memref<2x128x128xf32, #tpu.memory_space<vmem>> -> memref<1x128x128xf32, #tpu.memory_space<vmem>>
      %dma_wait3A_68 = tpu.memref_squeeze %dma_wait3A_67 : memref<1x128x128xf32, #tpu.memory_space<vmem>> -> memref<128x128xf32, #tpu.memory_space<vmem>>
      %dma_wait3A_69 = arith.constant 0 : i32
      %dma_wait3A_70 = tpu.memref_slice %arg7[%add3A_60, %dma_wait3A_69] : memref<80x128xi32, #tpu.memory_space<vmem>> -> memref<1x128xi32, #tpu.memory_space<vmem>>
      %dma_wait3A_71 = tpu.memref_squeeze %dma_wait3A_70 : memref<1x128xi32, #tpu.memory_space<vmem>> -> memref<128xi32, #tpu.memory_space<vmem>>
      %dma_wait3A_72 = arith.constant 0 : i32
      %dma_wait3A_73 = arith.constant 0 : i32
      %dma_wait3A_74 = tpu.memref_slice %arg2[%dma_wait3A_72, %dma_wait3A_73] : memref<10240x128xf32, #tpu.memory_space<hbm>> -> memref<10240x128xf32, #tpu.memory_space<hbm>>
      tpu.wait_indirect_dma semaphore(%arg10 : memref<!tpu.dma_semaphore, #tpu.memory_space<semaphore_mem>>) src(%dma_wait3A_74 : memref<10240x128xf32, #tpu.memory_space<hbm>>) dst(%dma_wait3A_68 : memref<128x128xf32, #tpu.memory_space<vmem>>)
      %run_scoped3A = arith.constant 0 : i32
      "tpu.region"() ({
        %run_scoped3A_131 = tpu.sem_alloc : memref<!tpu.dma_semaphore, #tpu.memory_space<semaphore_mem>>
        %dma_start3A_132 = arith.constant 0 : i32
        %dma_start3A_133 = arith.constant 0 : i32
        %dma_start3A_134 = tpu.memref_slice %arg9[%run_scoped3A, %dma_start3A_132, %dma_start3A_133] : memref<2x128x128xf32, #tpu.memory_space<vmem>> -> memref<1x128x128xf32, #tpu.memory_space<vmem>>
        %dma_start3A_135 = tpu.memref_squeeze %dma_start3A_134 : memref<1x128x128xf32, #tpu.memory_space<vmem>> -> memref<128x128xf32, #tpu.memory_space<vmem>>
        %dma_start3A_136 = arith.constant 0 : i32
        %dma_start3A_137 = tpu.memref_slice %arg8[%add3A_60, %dma_start3A_136] : memref<80x128xi32, #tpu.memory_space<vmem>> -> memref<1x128xi32, #tpu.memory_space<vmem>>
        %dma_start3A_138 = tpu.memref_squeeze %dma_start3A_137 : memref<1x128xi32, #tpu.memory_space<vmem>> -> memref<128xi32, #tpu.memory_space<vmem>>
        %dma_start3A_139 = arith.constant 0 : i32
        %dma_start3A_140 = arith.constant 0 : i32
        %dma_start3A_141 = tpu.memref_slice %arg3[%dma_start3A_139, %dma_start3A_140] : memref<10240x128xf32, #tpu.memory_space<hbm>> -> memref<10240x128xf32, #tpu.memory_space<hbm>>
        tpu.enqueue_indirect_dma source(%dma_start3A_141 : memref<10240x128xf32, #tpu.memory_space<hbm>>) target(%dma_start3A_135 : memref<128x128xf32, #tpu.memory_space<vmem>>) offsets(%dma_start3A_138 : memref<128xi32, #tpu.memory_space<vmem>>) semaphore(%run_scoped3A_131 : memref<!tpu.dma_semaphore, #tpu.memory_space<semaphore_mem>>) {add = true}
        %dma_wait3A_142 = arith.constant 0 : i32
        %dma_wait3A_143 = arith.constant 0 : i32
        %dma_wait3A_144 = tpu.memref_slice %arg9[%run_scoped3A, %dma_wait3A_142, %dma_wait3A_143] : memref<2x128x128xf32, #tpu.memory_space<vmem>> -> memref<1x128x128xf32, #tpu.memory_space<vmem>>
        %dma_wait3A_145 = tpu.memref_squeeze %dma_wait3A_144 : memref<1x128x128xf32, #tpu.memory_space<vmem>> -> memref<128x128xf32, #tpu.memory_space<vmem>>
        %dma_wait3A_146 = arith.constant 0 : i32
        %dma_wait3A_147 = tpu.memref_slice %arg8[%add3A_60, %dma_wait3A_146] : memref<80x128xi32, #tpu.memory_space<vmem>> -> memref<1x128xi32, #tpu.memory_space<vmem>>
        %dma_wait3A_148 = tpu.memref_squeeze %dma_wait3A_147 : memref<1x128xi32, #tpu.memory_space<vmem>> -> memref<128xi32, #tpu.memory_space<vmem>>
        %dma_wait3A_149 = arith.constant 0 : i32
        %dma_wait3A_150 = arith.constant 0 : i32
        %dma_wait3A_151 = tpu.memref_slice %arg3[%dma_wait3A_149, %dma_wait3A_150] : memref<10240x128xf32, #tpu.memory_space<hbm>> -> memref<10240x128xf32, #tpu.memory_space<hbm>>
        tpu.wait_indirect_dma semaphore(%run_scoped3A_131 : memref<!tpu.dma_semaphore, #tpu.memory_space<semaphore_mem>>) src(%dma_wait3A_151 : memref<10240x128xf32, #tpu.memory_space<hbm>>) dst(%dma_wait3A_145 : memref<128x128xf32, #tpu.memory_space<vmem>>)
        tpu.yield
      }) : () -> ()
      %dma_start3A_75 = arith.constant 0 : i32
      %dma_start3A_76 = arith.constant 0 : i32
      %dma_start3A_77 = arith.constant 0 : i32
      %dma_start3A_78 = tpu.memref_slice %arg9[%dma_start3A_75, %dma_start3A_76, %dma_start3A_77] : memref<2x128x128xf32, #tpu.memory_space<vmem>> -> memref<1x128x128xf32, #tpu.memory_space<vmem>>
      %dma_start3A_79 = tpu.memref_squeeze %dma_start3A_78 : memref<1x128x128xf32, #tpu.memory_space<vmem>> -> memref<128x128xf32, #tpu.memory_space<vmem>>
      %dma_start3A_80 = arith.constant 0 : i32
      %dma_start3A_81 = tpu.memref_slice %arg6[%add3A_63, %dma_start3A_80] : memref<327680x128xf32, #tpu.memory_space<hbm>> -> memref<128x128xf32, #tpu.memory_space<hbm>>
      %dma_start3A_82 = arith.constant 0 : i32
      %dma_start3A_83 = tpu.memref_slice %arg6[%add3A_63, %dma_start3A_82] : memref<327680x128xf32, #tpu.memory_space<hbm>> -> memref<128x128xf32, #tpu.memory_space<hbm>>
      %dma_start3A_84 = arith.constant 0 : i32
      %dma_start3A_85 = arith.constant 0 : i32
      %dma_start3A_86 = tpu.memref_slice %arg9[%dma_start3A_75, %dma_start3A_84, %dma_start3A_85] : memref<2x128x128xf32, #tpu.memory_space<vmem>> -> memref<1x128x128xf32, #tpu.memory_space<vmem>>
      %dma_start3A_87 = tpu.memref_squeeze %dma_start3A_86 : memref<1x128x128xf32, #tpu.memory_space<vmem>> -> memref<128x128xf32, #tpu.memory_space<vmem>>
      tpu.enqueue_dma source(%dma_start3A_87 : memref<128x128xf32, #tpu.memory_space<vmem>>) target(%dma_start3A_83 : memref<128x128xf32, #tpu.memory_space<hbm>>) target_semaphore(%arg12 : memref<!tpu.dma_semaphore, #tpu.memory_space<semaphore_mem>>)
      %add3A_88 = arith.constant 2 : i32
      %add3A_89 = arith.addi %add3A_60, %add3A_88 : i32
      %lt3A = arith.constant 80 : i32
      %lt3A_90 = arith.cmpi slt, %add3A_89, %lt3A : i32
      %convert_element_type3A = arith.extui %lt3A_90 : i1 to i32
      %cond3A = arith.constant 0 : i32
      %cond3A_91 = arith.cmpi ne, %convert_element_type3A, %cond3A : i32
      scf.if %cond3A_91 {
        %dma_wait3A_131 = arith.constant 0 : i32
        %dma_wait3A_132 = arith.constant 0 : i32
        %dma_wait3A_133 = arith.constant 0 : i32
        %dma_wait3A_134 = tpu.memref_slice %arg9[%dma_wait3A_131, %dma_wait3A_132, %dma_wait3A_133] : memref<2x128x128xf32, #tpu.memory_space<vmem>> -> memref<1x128x128xf32, #tpu.memory_space<vmem>>
        %dma_wait3A_135 = tpu.memref_squeeze %dma_wait3A_134 : memref<1x128x128xf32, #tpu.memory_space<vmem>> -> memref<128x128xf32, #tpu.memory_space<vmem>>
        %dma_wait3A_136 = arith.constant 0 : i32
        %dma_wait3A_137 = tpu.memref_slice %arg6[%add3A_63, %dma_wait3A_136] : memref<327680x128xf32, #tpu.memory_space<hbm>> -> memref<128x128xf32, #tpu.memory_space<hbm>>
        %dma_wait3A_138 = arith.constant 0 : i32
        %dma_wait3A_139 = tpu.memref_slice %arg6[%add3A_63, %dma_wait3A_138] : memref<327680x128xf32, #tpu.memory_space<hbm>> -> memref<128x128xf32, #tpu.memory_space<hbm>>
        %dma_wait3A_140 = arith.constant 0 : i32
        %dma_wait3A_141 = arith.constant 0 : i32
        %dma_wait3A_142 = tpu.memref_slice %arg9[%dma_wait3A_131, %dma_wait3A_140, %dma_wait3A_141] : memref<2x128x128xf32, #tpu.memory_space<vmem>> -> memref<1x128x128xf32, #tpu.memory_space<vmem>>
        %dma_wait3A_143 = tpu.memref_squeeze %dma_wait3A_142 : memref<1x128x128xf32, #tpu.memory_space<vmem>> -> memref<128x128xf32, #tpu.memory_space<vmem>>
        tpu.wait_dma2 semaphore(%arg12 : memref<!tpu.dma_semaphore, #tpu.memory_space<semaphore_mem>>) src(%dma_wait3A_143 : memref<128x128xf32, #tpu.memory_space<vmem>>) dst(%dma_wait3A_139 : memref<128x128xf32, #tpu.memory_space<hbm>>)
        %dma_start3A_144 = arith.constant 0 : i32
        %dma_start3A_145 = arith.constant 0 : i32
        %dma_start3A_146 = arith.constant 0 : i32
        %dma_start3A_147 = tpu.memref_slice %arg9[%dma_start3A_144, %dma_start3A_145, %dma_start3A_146] : memref<2x128x128xf32, #tpu.memory_space<vmem>> -> memref<1x128x128xf32, #tpu.memory_space<vmem>>
        %dma_start3A_148 = tpu.memref_squeeze %dma_start3A_147 : memref<1x128x128xf32, #tpu.memory_space<vmem>> -> memref<128x128xf32, #tpu.memory_space<vmem>>
        %dma_start3A_149 = arith.constant 0 : i32
        %dma_start3A_150 = tpu.memref_slice %arg7[%add3A_89, %dma_start3A_149] : memref<80x128xi32, #tpu.memory_space<vmem>> -> memref<1x128xi32, #tpu.memory_space<vmem>>
        %dma_start3A_151 = tpu.memref_squeeze %dma_start3A_150 : memref<1x128xi32, #tpu.memory_space<vmem>> -> memref<128xi32, #tpu.memory_space<vmem>>
        %dma_start3A_152 = arith.constant 0 : i32
        %dma_start3A_153 = arith.constant 0 : i32
        %dma_start3A_154 = tpu.memref_slice %arg2[%dma_start3A_152, %dma_start3A_153] : memref<10240x128xf32, #tpu.memory_space<hbm>> -> memref<10240x128xf32, #tpu.memory_space<hbm>>
        tpu.enqueue_indirect_dma source(%dma_start3A_154 : memref<10240x128xf32, #tpu.memory_space<hbm>>) target(%dma_start3A_148 : memref<128x128xf32, #tpu.memory_space<vmem>>) offsets(%dma_start3A_151 : memref<128xi32, #tpu.memory_space<vmem>>) semaphore(%arg10 : memref<!tpu.dma_semaphore, #tpu.memory_space<semaphore_mem>>)
      } else {
      }
      %mul3A_92 = arith.constant 2 : i32
      %mul3A_93 = arith.muli %scan3A_56, %mul3A_92 : i32
      %add3A_94 = arith.constant 1 : i32
      %add3A_95 = arith.addi %mul3A_93, %add3A_94 : i32
      %mul3A_96 = arith.constant 128 : i32
      %mul3A_97 = arith.muli %add3A_95, %mul3A_96 : i32
      %add3A_98 = arith.addi %mul3A_2, %mul3A_97 : i32
      %dma_wait3A_99 = arith.constant 1 : i32
      %dma_wait3A_100 = arith.constant 0 : i32
      %dma_wait3A_101 = arith.constant 0 : i32
      %dma_wait3A_102 = tpu.memref_slice %arg9[%dma_wait3A_99, %dma_wait3A_100, %dma_wait3A_101] : memref<2x128x128xf32, #tpu.memory_space<vmem>> -> memref<1x128x128xf32, #tpu.memory_space<vmem>>
      %dma_wait3A_103 = tpu.memref_squeeze %dma_wait3A_102 : memref<1x128x128xf32, #tpu.memory_space<vmem>> -> memref<128x128xf32, #tpu.memory_space<vmem>>
      %dma_wait3A_104 = arith.constant 0 : i32
      %dma_wait3A_105 = tpu.memref_slice %arg7[%add3A_95, %dma_wait3A_104] : memref<80x128xi32, #tpu.memory_space<vmem>> -> memref<1x128xi32, #tpu.memory_space<vmem>>
      %dma_wait3A_106 = tpu.memref_squeeze %dma_wait3A_105 : memref<1x128xi32, #tpu.memory_space<vmem>> -> memref<128xi32, #tpu.memory_space<vmem>>
      %dma_wait3A_107 = arith.constant 0 : i32
      %dma_wait3A_108 = arith.constant 0 : i32
      %dma_wait3A_109 = tpu.memref_slice %arg2[%dma_wait3A_107, %dma_wait3A_108] : memref<10240x128xf32, #tpu.memory_space<hbm>> -> memref<10240x128xf32, #tpu.memory_space<hbm>>
      tpu.wait_indirect_dma semaphore(%arg11 : memref<!tpu.dma_semaphore, #tpu.memory_space<semaphore_mem>>) src(%dma_wait3A_109 : memref<10240x128xf32, #tpu.memory_space<hbm>>) dst(%dma_wait3A_103 : memref<128x128xf32, #tpu.memory_space<vmem>>)
      %run_scoped3A_110 = arith.constant 1 : i32
      "tpu.region"() ({
        %run_scoped3A_131 = tpu.sem_alloc : memref<!tpu.dma_semaphore, #tpu.memory_space<semaphore_mem>>
        %dma_start3A_132 = arith.constant 0 : i32
        %dma_start3A_133 = arith.constant 0 : i32
        %dma_start3A_134 = tpu.memref_slice %arg9[%run_scoped3A_110, %dma_start3A_132, %dma_start3A_133] : memref<2x128x128xf32, #tpu.memory_space<vmem>> -> memref<1x128x128xf32, #tpu.memory_space<vmem>>
        %dma_start3A_135 = tpu.memref_squeeze %dma_start3A_134 : memref<1x128x128xf32, #tpu.memory_space<vmem>> -> memref<128x128xf32, #tpu.memory_space<vmem>>
        %dma_start3A_136 = arith.constant 0 : i32
        %dma_start3A_137 = tpu.memref_slice %arg8[%add3A_95, %dma_start3A_136] : memref<80x128xi32, #tpu.memory_space<vmem>> -> memref<1x128xi32, #tpu.memory_space<vmem>>
        %dma_start3A_138 = tpu.memref_squeeze %dma_start3A_137 : memref<1x128xi32, #tpu.memory_space<vmem>> -> memref<128xi32, #tpu.memory_space<vmem>>
        %dma_start3A_139 = arith.constant 0 : i32
        %dma_start3A_140 = arith.constant 0 : i32
        %dma_start3A_141 = tpu.memref_slice %arg3[%dma_start3A_139, %dma_start3A_140] : memref<10240x128xf32, #tpu.memory_space<hbm>> -> memref<10240x128xf32, #tpu.memory_space<hbm>>
        tpu.enqueue_indirect_dma source(%dma_start3A_141 : memref<10240x128xf32, #tpu.memory_space<hbm>>) target(%dma_start3A_135 : memref<128x128xf32, #tpu.memory_space<vmem>>) offsets(%dma_start3A_138 : memref<128xi32, #tpu.memory_space<vmem>>) semaphore(%run_scoped3A_131 : memref<!tpu.dma_semaphore, #tpu.memory_space<semaphore_mem>>) {add = true}
        %dma_wait3A_142 = arith.constant 0 : i32
        %dma_wait3A_143 = arith.constant 0 : i32
        %dma_wait3A_144 = tpu.memref_slice %arg9[%run_scoped3A_110, %dma_wait3A_142, %dma_wait3A_143] : memref<2x128x128xf32, #tpu.memory_space<vmem>> -> memref<1x128x128xf32, #tpu.memory_space<vmem>>
        %dma_wait3A_145 = tpu.memref_squeeze %dma_wait3A_144 : memref<1x128x128xf32, #tpu.memory_space<vmem>> -> memref<128x128xf32, #tpu.memory_space<vmem>>
        %dma_wait3A_146 = arith.constant 0 : i32
        %dma_wait3A_147 = tpu.memref_slice %arg8[%add3A_95, %dma_wait3A_146] : memref<80x128xi32, #tpu.memory_space<vmem>> -> memref<1x128xi32, #tpu.memory_space<vmem>>
        %dma_wait3A_148 = tpu.memref_squeeze %dma_wait3A_147 : memref<1x128xi32, #tpu.memory_space<vmem>> -> memref<128xi32, #tpu.memory_space<vmem>>
        %dma_wait3A_149 = arith.constant 0 : i32
        %dma_wait3A_150 = arith.constant 0 : i32
        %dma_wait3A_151 = tpu.memref_slice %arg3[%dma_wait3A_149, %dma_wait3A_150] : memref<10240x128xf32, #tpu.memory_space<hbm>> -> memref<10240x128xf32, #tpu.memory_space<hbm>>
        tpu.wait_indirect_dma semaphore(%run_scoped3A_131 : memref<!tpu.dma_semaphore, #tpu.memory_space<semaphore_mem>>) src(%dma_wait3A_151 : memref<10240x128xf32, #tpu.memory_space<hbm>>) dst(%dma_wait3A_145 : memref<128x128xf32, #tpu.memory_space<vmem>>)
        tpu.yield
      }) : () -> ()
      %dma_start3A_111 = arith.constant 1 : i32
      %dma_start3A_112 = arith.constant 0 : i32
      %dma_start3A_113 = arith.constant 0 : i32
      %dma_start3A_114 = tpu.memref_slice %arg9[%dma_start3A_111, %dma_start3A_112, %dma_start3A_113] : memref<2x128x128xf32, #tpu.memory_space<vmem>> -> memref<1x128x128xf32, #tpu.memory_space<vmem>>
      %dma_start3A_115 = tpu.memref_squeeze %dma_start3A_114 : memref<1x128x128xf32, #tpu.memory_space<vmem>> -> memref<128x128xf32, #tpu.memory_space<vmem>>
      %dma_start3A_116 = arith.constant 0 : i32
      %dma_start3A_117 = tpu.memref_slice %arg6[%add3A_98, %dma_start3A_116] : memref<327680x128xf32, #tpu.memory_space<hbm>> -> memref<128x128xf32, #tpu.memory_space<hbm>>
      %dma_start3A_118 = arith.constant 0 : i32
      %dma_start3A_119 = tpu.memref_slice %arg6[%add3A_98, %dma_start3A_118] : memref<327680x128xf32, #tpu.memory_space<hbm>> -> memref<128x128xf32, #tpu.memory_space<hbm>>
      %dma_start3A_120 = arith.constant 0 : i32
      %dma_start3A_121 = arith.constant 0 : i32
      %dma_start3A_122 = tpu.memref_slice %arg9[%dma_start3A_111, %dma_start3A_120, %dma_start3A_121] : memref<2x128x128xf32, #tpu.memory_space<vmem>> -> memref<1x128x128xf32, #tpu.memory_space<vmem>>
      %dma_start3A_123 = tpu.memref_squeeze %dma_start3A_122 : memref<1x128x128xf32, #tpu.memory_space<vmem>> -> memref<128x128xf32, #tpu.memory_space<vmem>>
      tpu.enqueue_dma source(%dma_start3A_123 : memref<128x128xf32, #tpu.memory_space<vmem>>) target(%dma_start3A_119 : memref<128x128xf32, #tpu.memory_space<hbm>>) target_semaphore(%arg13 : memref<!tpu.dma_semaphore, #tpu.memory_space<semaphore_mem>>)
      %add3A_124 = arith.constant 2 : i32
      %add3A_125 = arith.addi %add3A_95, %add3A_124 : i32
      %lt3A_126 = arith.constant 80 : i32
      %lt3A_127 = arith.cmpi slt, %add3A_125, %lt3A_126 : i32
      %convert_element_type3A_128 = arith.extui %lt3A_127 : i1 to i32
      %cond3A_129 = arith.constant 0 : i32
      %cond3A_130 = arith.cmpi ne, %convert_element_type3A_128, %cond3A_129 : i32
      scf.if %cond3A_130 {
        %dma_wait3A_131 = arith.constant 1 : i32
        %dma_wait3A_132 = arith.constant 0 : i32
        %dma_wait3A_133 = arith.constant 0 : i32
        %dma_wait3A_134 = tpu.memref_slice %arg9[%dma_wait3A_131, %dma_wait3A_132, %dma_wait3A_133] : memref<2x128x128xf32, #tpu.memory_space<vmem>> -> memref<1x128x128xf32, #tpu.memory_space<vmem>>
        %dma_wait3A_135 = tpu.memref_squeeze %dma_wait3A_134 : memref<1x128x128xf32, #tpu.memory_space<vmem>> -> memref<128x128xf32, #tpu.memory_space<vmem>>
        %dma_wait3A_136 = arith.constant 0 : i32
        %dma_wait3A_137 = tpu.memref_slice %arg6[%add3A_98, %dma_wait3A_136] : memref<327680x128xf32, #tpu.memory_space<hbm>> -> memref<128x128xf32, #tpu.memory_space<hbm>>
        %dma_wait3A_138 = arith.constant 0 : i32
        %dma_wait3A_139 = tpu.memref_slice %arg6[%add3A_98, %dma_wait3A_138] : memref<327680x128xf32, #tpu.memory_space<hbm>> -> memref<128x128xf32, #tpu.memory_space<hbm>>
        %dma_wait3A_140 = arith.constant 0 : i32
        %dma_wait3A_141 = arith.constant 0 : i32
        %dma_wait3A_142 = tpu.memref_slice %arg9[%dma_wait3A_131, %dma_wait3A_140, %dma_wait3A_141] : memref<2x128x128xf32, #tpu.memory_space<vmem>> -> memref<1x128x128xf32, #tpu.memory_space<vmem>>
        %dma_wait3A_143 = tpu.memref_squeeze %dma_wait3A_142 : memref<1x128x128xf32, #tpu.memory_space<vmem>> -> memref<128x128xf32, #tpu.memory_space<vmem>>
        tpu.wait_dma2 semaphore(%arg13 : memref<!tpu.dma_semaphore, #tpu.memory_space<semaphore_mem>>) src(%dma_wait3A_143 : memref<128x128xf32, #tpu.memory_space<vmem>>) dst(%dma_wait3A_139 : memref<128x128xf32, #tpu.memory_space<hbm>>)
        %dma_start3A_144 = arith.constant 1 : i32
        %dma_start3A_145 = arith.constant 0 : i32
        %dma_start3A_146 = arith.constant 0 : i32
        %dma_start3A_147 = tpu.memref_slice %arg9[%dma_start3A_144, %dma_start3A_145, %dma_start3A_146] : memref<2x128x128xf32, #tpu.memory_space<vmem>> -> memref<1x128x128xf32, #tpu.memory_space<vmem>>
        %dma_start3A_148 = tpu.memref_squeeze %dma_start3A_147 : memref<1x128x128xf32, #tpu.memory_space<vmem>> -> memref<128x128xf32, #tpu.memory_space<vmem>>
        %dma_start3A_149 = arith.constant 0 : i32
        %dma_start3A_150 = tpu.memref_slice %arg7[%add3A_125, %dma_start3A_149] : memref<80x128xi32, #tpu.memory_space<vmem>> -> memref<1x128xi32, #tpu.memory_space<vmem>>
        %dma_start3A_151 = tpu.memref_squeeze %dma_start3A_150 : memref<1x128xi32, #tpu.memory_space<vmem>> -> memref<128xi32, #tpu.memory_space<vmem>>
        %dma_start3A_152 = arith.constant 0 : i32
        %dma_start3A_153 = arith.constant 0 : i32
        %dma_start3A_154 = tpu.memref_slice %arg2[%dma_start3A_152, %dma_start3A_153] : memref<10240x128xf32, #tpu.memory_space<hbm>> -> memref<10240x128xf32, #tpu.memory_space<hbm>>
        tpu.enqueue_indirect_dma source(%dma_start3A_154 : memref<10240x128xf32, #tpu.memory_space<hbm>>) target(%dma_start3A_148 : memref<128x128xf32, #tpu.memory_space<vmem>>) offsets(%dma_start3A_151 : memref<128xi32, #tpu.memory_space<vmem>>) semaphore(%arg11 : memref<!tpu.dma_semaphore, #tpu.memory_space<semaphore_mem>>)
      } else {
      }
    }
    %scan3A_30 = arith.constant 40 : i32
    %dma_wait3A = arith.constant 0 : i32
    %dma_wait3A_31 = arith.constant 0 : i32
    %dma_wait3A_32 = arith.constant 0 : i32
    %dma_wait3A_33 = tpu.memref_slice %arg9[%dma_wait3A, %dma_wait3A_31, %dma_wait3A_32] : memref<2x128x128xf32, #tpu.memory_space<vmem>> -> memref<1x128x128xf32, #tpu.memory_space<vmem>>
    %dma_wait3A_34 = tpu.memref_squeeze %dma_wait3A_33 : memref<1x128x128xf32, #tpu.memory_space<vmem>> -> memref<128x128xf32, #tpu.memory_space<vmem>>
    %dma_wait3A_35 = arith.constant 0 : i32
    %dma_wait3A_36 = tpu.memref_slice %arg6[%mul3A_2, %dma_wait3A_35] : memref<327680x128xf32, #tpu.memory_space<hbm>> -> memref<128x128xf32, #tpu.memory_space<hbm>>
    %dma_wait3A_37 = arith.constant 0 : i32
    %dma_wait3A_38 = tpu.memref_slice %arg6[%mul3A_2, %dma_wait3A_37] : memref<327680x128xf32, #tpu.memory_space<hbm>> -> memref<128x128xf32, #tpu.memory_space<hbm>>
    %dma_wait3A_39 = arith.constant 0 : i32
    %dma_wait3A_40 = arith.constant 0 : i32
    %dma_wait3A_41 = tpu.memref_slice %arg9[%dma_wait3A, %dma_wait3A_39, %dma_wait3A_40] : memref<2x128x128xf32, #tpu.memory_space<vmem>> -> memref<1x128x128xf32, #tpu.memory_space<vmem>>
    %dma_wait3A_42 = tpu.memref_squeeze %dma_wait3A_41 : memref<1x128x128xf32, #tpu.memory_space<vmem>> -> memref<128x128xf32, #tpu.memory_space<vmem>>
    tpu.wait_dma2 semaphore(%arg12 : memref<!tpu.dma_semaphore, #tpu.memory_space<semaphore_mem>>) src(%dma_wait3A_42 : memref<128x128xf32, #tpu.memory_space<vmem>>) dst(%dma_wait3A_38 : memref<128x128xf32, #tpu.memory_space<hbm>>)
    %dma_wait3A_43 = arith.constant 1 : i32
    %dma_wait3A_44 = arith.constant 0 : i32
    %dma_wait3A_45 = arith.constant 0 : i32
    %dma_wait3A_46 = tpu.memref_slice %arg9[%dma_wait3A_43, %dma_wait3A_44, %dma_wait3A_45] : memref<2x128x128xf32, #tpu.memory_space<vmem>> -> memref<1x128x128xf32, #tpu.memory_space<vmem>>
    %dma_wait3A_47 = tpu.memref_squeeze %dma_wait3A_46 : memref<1x128x128xf32, #tpu.memory_space<vmem>> -> memref<128x128xf32, #tpu.memory_space<vmem>>
    %dma_wait3A_48 = arith.constant 0 : i32
    %dma_wait3A_49 = tpu.memref_slice %arg6[%mul3A_2, %dma_wait3A_48] : memref<327680x128xf32, #tpu.memory_space<hbm>> -> memref<128x128xf32, #tpu.memory_space<hbm>>
    %dma_wait3A_50 = arith.constant 0 : i32
    %dma_wait3A_51 = tpu.memref_slice %arg6[%mul3A_2, %dma_wait3A_50] : memref<327680x128xf32, #tpu.memory_space<hbm>> -> memref<128x128xf32, #tpu.memory_space<hbm>>
    %dma_wait3A_52 = arith.constant 0 : i32
    %dma_wait3A_53 = arith.constant 0 : i32
    %dma_wait3A_54 = tpu.memref_slice %arg9[%dma_wait3A_43, %dma_wait3A_52, %dma_wait3A_53] : memref<2x128x128xf32, #tpu.memory_space<vmem>> -> memref<1x128x128xf32, #tpu.memory_space<vmem>>
    %dma_wait3A_55 = tpu.memref_squeeze %dma_wait3A_54 : memref<1x128x128xf32, #tpu.memory_space<vmem>> -> memref<128x128xf32, #tpu.memory_space<vmem>>
    tpu.wait_dma2 semaphore(%arg13 : memref<!tpu.dma_semaphore, #tpu.memory_space<semaphore_mem>>) src(%dma_wait3A_55 : memref<128x128xf32, #tpu.memory_space<vmem>>) dst(%dma_wait3A_51 : memref<128x128xf32, #tpu.memory_space<hbm>>)
    return
  }
}

#map = affine_map<(d0, d1) -> (0, 0)>
#map1 = affine_map<(d0, d1) -> (0, 0, 0)>
module attributes {stable_mosaic.version = 14 : i64} {
  func.func @k(%arg0: i32, %arg1: i32, %arg2: memref<327680x128xf32, #tpu.memory_space<hbm>>, %arg3: memref<32x80x128xi32, #tpu.memory_space<hbm>>, %arg4: memref<10240x128xf32, #tpu.memory_space<hbm>>, %arg5: memref<2x10240x128xf32, #tpu.memory_space<hbm>>, %arg6: memref<80x128xi32, #tpu.memory_space<vmem>>, %arg7: memref<2x128x128xf32, #tpu.memory_space<vmem>>, %arg8: memref<10240x128xf32, #tpu.memory_space<vmem_shared>>, %arg9: memref<!tpu.dma_semaphore, #tpu.memory_space<semaphore_mem>>, %arg10: memref<!tpu.dma_semaphore, #tpu.memory_space<semaphore_mem>>) attributes {dimension_semantics = [#tpu.dimension_semantics<core_parallel>, #tpu.dimension_semantics<subcore_parallel>], iteration_bounds = array<i64: 2, 16>, scalar_prefetch = 0 : i64, scratch_operands = 5 : i64, tpu.core_type = #tpu.core_type<sc_vector_subcore>, window_params = [{transform_indices = #map}, {transform_indices = #map1}, {transform_indices = #map}, {transform_indices = #map1}]} {
    %mul3A = arith.constant 2 : i32
    %mul3A_0 = arith.muli %arg1, %mul3A : i32
    %add3A = arith.addi %mul3A_0, %arg0 : i32
    %mul3A_1 = arith.constant 10240 : i32
    %mul3A_2 = arith.muli %add3A, %mul3A_1 : i32
    "tpu.region"() ({
      %run_scoped3A = tpu.sem_alloc : memref<!tpu.dma_semaphore, #tpu.memory_space<semaphore_mem>>
      %dma_start3A_46 = arith.constant 0 : i32
      %dma_start3A_47 = arith.constant 0 : i32
      %dma_start3A_48 = tpu.memref_slice %arg3[%add3A, %dma_start3A_46, %dma_start3A_47] : memref<32x80x128xi32, #tpu.memory_space<hbm>> -> memref<1x80x128xi32, #tpu.memory_space<hbm>>
      %dma_start3A_49 = tpu.memref_squeeze %dma_start3A_48 : memref<1x80x128xi32, #tpu.memory_space<hbm>> -> memref<80x128xi32, #tpu.memory_space<hbm>>
      %dma_start3A_50 = arith.constant 0 : i32
      %dma_start3A_51 = arith.constant 0 : i32
      %dma_start3A_52 = tpu.memref_slice %arg3[%add3A, %dma_start3A_50, %dma_start3A_51] : memref<32x80x128xi32, #tpu.memory_space<hbm>> -> memref<1x80x128xi32, #tpu.memory_space<hbm>>
      %dma_start3A_53 = tpu.memref_squeeze %dma_start3A_52 : memref<1x80x128xi32, #tpu.memory_space<hbm>> -> memref<80x128xi32, #tpu.memory_space<hbm>>
      tpu.enqueue_dma source(%dma_start3A_53 : memref<80x128xi32, #tpu.memory_space<hbm>>) target(%arg6 : memref<80x128xi32, #tpu.memory_space<vmem>>) target_semaphore(%run_scoped3A : memref<!tpu.dma_semaphore, #tpu.memory_space<semaphore_mem>>)
      %dma_wait3A = arith.constant 0 : i32
      %dma_wait3A_54 = arith.constant 0 : i32
      %dma_wait3A_55 = tpu.memref_slice %arg3[%add3A, %dma_wait3A, %dma_wait3A_54] : memref<32x80x128xi32, #tpu.memory_space<hbm>> -> memref<1x80x128xi32, #tpu.memory_space<hbm>>
      %dma_wait3A_56 = tpu.memref_squeeze %dma_wait3A_55 : memref<1x80x128xi32, #tpu.memory_space<hbm>> -> memref<80x128xi32, #tpu.memory_space<hbm>>
      %dma_wait3A_57 = arith.constant 0 : i32
      %dma_wait3A_58 = arith.constant 0 : i32
      %dma_wait3A_59 = tpu.memref_slice %arg3[%add3A, %dma_wait3A_57, %dma_wait3A_58] : memref<32x80x128xi32, #tpu.memory_space<hbm>> -> memref<1x80x128xi32, #tpu.memory_space<hbm>>
      %dma_wait3A_60 = tpu.memref_squeeze %dma_wait3A_59 : memref<1x80x128xi32, #tpu.memory_space<hbm>> -> memref<80x128xi32, #tpu.memory_space<hbm>>
      tpu.wait_dma2 semaphore(%run_scoped3A : memref<!tpu.dma_semaphore, #tpu.memory_space<semaphore_mem>>) src(%dma_wait3A_60 : memref<80x128xi32, #tpu.memory_space<hbm>>) dst(%arg6 : memref<80x128xi32, #tpu.memory_space<vmem>>)
      tpu.yield
    }) : () -> ()
    %mul3A_3 = arith.constant 640 : i32
    %mul3A_4 = arith.muli %arg1, %mul3A_3 : i32
    %mul3A_5 = arith.constant 640 : i32
    %mul3A_6 = arith.muli %arg1, %mul3A_5 : i32
    "tpu.region"() ({
      %run_scoped3A = tpu.sem_alloc : memref<!tpu.dma_semaphore, #tpu.memory_space<semaphore_mem>>
      %dma_start3A_46 = arith.constant 0 : i32
      %dma_start3A_47 = tpu.memref_slice %arg8[%mul3A_6, %dma_start3A_46] : memref<10240x128xf32, #tpu.memory_space<vmem_shared>> -> memref<640x128xf32, #tpu.memory_space<vmem_shared>>
      %dma_start3A_48 = arith.constant 0 : i32
      %dma_start3A_49 = tpu.memref_slice %arg4[%mul3A_4, %dma_start3A_48] : memref<10240x128xf32, #tpu.memory_space<hbm>> -> memref<640x128xf32, #tpu.memory_space<hbm>>
      tpu.enqueue_dma source(%dma_start3A_49 : memref<640x128xf32, #tpu.memory_space<hbm>>) target(%dma_start3A_47 : memref<640x128xf32, #tpu.memory_space<vmem_shared>>) target_semaphore(%run_scoped3A : memref<!tpu.dma_semaphore, #tpu.memory_space<semaphore_mem>>)
      %dma_wait3A = arith.constant 0 : i32
      %dma_wait3A_50 = tpu.memref_slice %arg8[%mul3A_6, %dma_wait3A] : memref<10240x128xf32, #tpu.memory_space<vmem_shared>> -> memref<640x128xf32, #tpu.memory_space<vmem_shared>>
      %dma_wait3A_51 = arith.constant 0 : i32
      %dma_wait3A_52 = tpu.memref_slice %arg4[%mul3A_4, %dma_wait3A_51] : memref<10240x128xf32, #tpu.memory_space<hbm>> -> memref<640x128xf32, #tpu.memory_space<hbm>>
      tpu.wait_dma2 semaphore(%run_scoped3A : memref<!tpu.dma_semaphore, #tpu.memory_space<semaphore_mem>>) src(%dma_wait3A_52 : memref<640x128xf32, #tpu.memory_space<hbm>>) dst(%dma_wait3A_50 : memref<640x128xf32, #tpu.memory_space<vmem_shared>>)
      tpu.yield
    }) : () -> ()
    %barrier3A = arith.constant 0 : index
    tpu.barrier barrier_id(%barrier3A)
    %add3A_7 = arith.constant 0 : i32
    %add3A_8 = arith.addi %mul3A_2, %add3A_7 : i32
    %dma_start3A = arith.constant 0 : i32
    %dma_start3A_9 = arith.constant 0 : i32
    %dma_start3A_10 = arith.constant 0 : i32
    %dma_start3A_11 = tpu.memref_slice %arg7[%dma_start3A, %dma_start3A_9, %dma_start3A_10] : memref<2x128x128xf32, #tpu.memory_space<vmem>> -> memref<1x128x128xf32, #tpu.memory_space<vmem>>
    %dma_start3A_12 = tpu.memref_squeeze %dma_start3A_11 : memref<1x128x128xf32, #tpu.memory_space<vmem>> -> memref<128x128xf32, #tpu.memory_space<vmem>>
    %dma_start3A_13 = arith.constant 0 : i32
    %dma_start3A_14 = tpu.memref_slice %arg2[%add3A_8, %dma_start3A_13] : memref<327680x128xf32, #tpu.memory_space<hbm>> -> memref<128x128xf32, #tpu.memory_space<hbm>>
    %dma_start3A_15 = arith.constant 0 : i32
    %dma_start3A_16 = arith.constant 0 : i32
    %dma_start3A_17 = tpu.memref_slice %arg7[%dma_start3A, %dma_start3A_15, %dma_start3A_16] : memref<2x128x128xf32, #tpu.memory_space<vmem>> -> memref<1x128x128xf32, #tpu.memory_space<vmem>>
    %dma_start3A_18 = tpu.memref_squeeze %dma_start3A_17 : memref<1x128x128xf32, #tpu.memory_space<vmem>> -> memref<128x128xf32, #tpu.memory_space<vmem>>
    %dma_start3A_19 = arith.constant 0 : i32
    %dma_start3A_20 = tpu.memref_slice %arg2[%add3A_8, %dma_start3A_19] : memref<327680x128xf32, #tpu.memory_space<hbm>> -> memref<128x128xf32, #tpu.memory_space<hbm>>
    tpu.enqueue_dma source(%dma_start3A_20 : memref<128x128xf32, #tpu.memory_space<hbm>>) target(%dma_start3A_18 : memref<128x128xf32, #tpu.memory_space<vmem>>) target_semaphore(%arg9 : memref<!tpu.dma_semaphore, #tpu.memory_space<semaphore_mem>>)
    %add3A_21 = arith.constant 128 : i32
    %add3A_22 = arith.addi %mul3A_2, %add3A_21 : i32
    %dma_start3A_23 = arith.constant 1 : i32
    %dma_start3A_24 = arith.constant 0 : i32
    %dma_start3A_25 = arith.constant 0 : i32
    %dma_start3A_26 = tpu.memref_slice %arg7[%dma_start3A_23, %dma_start3A_24, %dma_start3A_25] : memref<2x128x128xf32, #tpu.memory_space<vmem>> -> memref<1x128x128xf32, #tpu.memory_space<vmem>>
    %dma_start3A_27 = tpu.memref_squeeze %dma_start3A_26 : memref<1x128x128xf32, #tpu.memory_space<vmem>> -> memref<128x128xf32, #tpu.memory_space<vmem>>
    %dma_start3A_28 = arith.constant 0 : i32
    %dma_start3A_29 = tpu.memref_slice %arg2[%add3A_22, %dma_start3A_28] : memref<327680x128xf32, #tpu.memory_space<hbm>> -> memref<128x128xf32, #tpu.memory_space<hbm>>
    %dma_start3A_30 = arith.constant 0 : i32
    %dma_start3A_31 = arith.constant 0 : i32
    %dma_start3A_32 = tpu.memref_slice %arg7[%dma_start3A_23, %dma_start3A_30, %dma_start3A_31] : memref<2x128x128xf32, #tpu.memory_space<vmem>> -> memref<1x128x128xf32, #tpu.memory_space<vmem>>
    %dma_start3A_33 = tpu.memref_squeeze %dma_start3A_32 : memref<1x128x128xf32, #tpu.memory_space<vmem>> -> memref<128x128xf32, #tpu.memory_space<vmem>>
    %dma_start3A_34 = arith.constant 0 : i32
    %dma_start3A_35 = tpu.memref_slice %arg2[%add3A_22, %dma_start3A_34] : memref<327680x128xf32, #tpu.memory_space<hbm>> -> memref<128x128xf32, #tpu.memory_space<hbm>>
    tpu.enqueue_dma source(%dma_start3A_35 : memref<128x128xf32, #tpu.memory_space<hbm>>) target(%dma_start3A_33 : memref<128x128xf32, #tpu.memory_space<vmem>>) target_semaphore(%arg10 : memref<!tpu.dma_semaphore, #tpu.memory_space<semaphore_mem>>)
    %scan3A = arith.constant 0 : i32
    %scan3A_36 = arith.constant 0 : i32
    %scan3A_37 = arith.constant 40 : i32
    %scan3A_38 = arith.addi %scan3A_36, %scan3A_37 : i32
    %scan3A_39 = arith.constant 1 : i32
    scf.for %scan3A_46 = %scan3A_36 to %scan3A_38 step %scan3A_39  : i32 {
      %mul3A_47 = arith.constant 2 : i32
      %mul3A_48 = arith.muli %scan3A_46, %mul3A_47 : i32
      %add3A_49 = arith.constant 0 : i32
      %add3A_50 = arith.addi %mul3A_48, %add3A_49 : i32
      %mul3A_51 = arith.constant 128 : i32
      %mul3A_52 = arith.muli %add3A_50, %mul3A_51 : i32
      %add3A_53 = arith.addi %mul3A_2, %mul3A_52 : i32
      %dma_wait3A = arith.constant 0 : i32
      %dma_wait3A_54 = arith.constant 0 : i32
      %dma_wait3A_55 = arith.constant 0 : i32
      %dma_wait3A_56 = tpu.memref_slice %arg7[%dma_wait3A, %dma_wait3A_54, %dma_wait3A_55] : memref<2x128x128xf32, #tpu.memory_space<vmem>> -> memref<1x128x128xf32, #tpu.memory_space<vmem>>
      %dma_wait3A_57 = tpu.memref_squeeze %dma_wait3A_56 : memref<1x128x128xf32, #tpu.memory_space<vmem>> -> memref<128x128xf32, #tpu.memory_space<vmem>>
      %dma_wait3A_58 = arith.constant 0 : i32
      %dma_wait3A_59 = tpu.memref_slice %arg2[%add3A_53, %dma_wait3A_58] : memref<327680x128xf32, #tpu.memory_space<hbm>> -> memref<128x128xf32, #tpu.memory_space<hbm>>
      %dma_wait3A_60 = arith.constant 0 : i32
      %dma_wait3A_61 = arith.constant 0 : i32
      %dma_wait3A_62 = tpu.memref_slice %arg7[%dma_wait3A, %dma_wait3A_60, %dma_wait3A_61] : memref<2x128x128xf32, #tpu.memory_space<vmem>> -> memref<1x128x128xf32, #tpu.memory_space<vmem>>
      %dma_wait3A_63 = tpu.memref_squeeze %dma_wait3A_62 : memref<1x128x128xf32, #tpu.memory_space<vmem>> -> memref<128x128xf32, #tpu.memory_space<vmem>>
      %dma_wait3A_64 = arith.constant 0 : i32
      %dma_wait3A_65 = tpu.memref_slice %arg2[%add3A_53, %dma_wait3A_64] : memref<327680x128xf32, #tpu.memory_space<hbm>> -> memref<128x128xf32, #tpu.memory_space<hbm>>
      tpu.wait_dma2 semaphore(%arg9 : memref<!tpu.dma_semaphore, #tpu.memory_space<semaphore_mem>>) src(%dma_wait3A_65 : memref<128x128xf32, #tpu.memory_space<hbm>>) dst(%dma_wait3A_63 : memref<128x128xf32, #tpu.memory_space<vmem>>)
      %run_scoped3A = arith.constant 0 : i32
      "tpu.region"() ({
        %run_scoped3A_98 = tpu.sem_alloc : memref<!tpu.dma_semaphore, #tpu.memory_space<semaphore_mem>>
        %dma_start3A_99 = arith.constant 0 : i32
        %dma_start3A_100 = arith.constant 0 : i32
        %dma_start3A_101 = tpu.memref_slice %arg7[%run_scoped3A, %dma_start3A_99, %dma_start3A_100] : memref<2x128x128xf32, #tpu.memory_space<vmem>> -> memref<1x128x128xf32, #tpu.memory_space<vmem>>
        %dma_start3A_102 = tpu.memref_squeeze %dma_start3A_101 : memref<1x128x128xf32, #tpu.memory_space<vmem>> -> memref<128x128xf32, #tpu.memory_space<vmem>>
        %dma_start3A_103 = arith.constant 0 : i32
        %dma_start3A_104 = tpu.memref_slice %arg6[%add3A_50, %dma_start3A_103] : memref<80x128xi32, #tpu.memory_space<vmem>> -> memref<1x128xi32, #tpu.memory_space<vmem>>
        %dma_start3A_105 = tpu.memref_squeeze %dma_start3A_104 : memref<1x128xi32, #tpu.memory_space<vmem>> -> memref<128xi32, #tpu.memory_space<vmem>>
        %dma_start3A_106 = arith.constant 0 : i32
        %dma_start3A_107 = arith.constant 0 : i32
        %dma_start3A_108 = tpu.memref_slice %arg8[%dma_start3A_106, %dma_start3A_107] : memref<10240x128xf32, #tpu.memory_space<vmem_shared>> -> memref<10240x128xf32, #tpu.memory_space<vmem_shared>>
        tpu.enqueue_indirect_dma source(%dma_start3A_102 : memref<128x128xf32, #tpu.memory_space<vmem>>) target(%dma_start3A_108 : memref<10240x128xf32, #tpu.memory_space<vmem_shared>>) offsets(%dma_start3A_105 : memref<128xi32, #tpu.memory_space<vmem>>) semaphore(%run_scoped3A_98 : memref<!tpu.dma_semaphore, #tpu.memory_space<semaphore_mem>>) {add = true}
        %dma_wait3A_109 = arith.constant 0 : i32
        %dma_wait3A_110 = arith.constant 0 : i32
        %dma_wait3A_111 = tpu.memref_slice %arg7[%run_scoped3A, %dma_wait3A_109, %dma_wait3A_110] : memref<2x128x128xf32, #tpu.memory_space<vmem>> -> memref<1x128x128xf32, #tpu.memory_space<vmem>>
        %dma_wait3A_112 = tpu.memref_squeeze %dma_wait3A_111 : memref<1x128x128xf32, #tpu.memory_space<vmem>> -> memref<128x128xf32, #tpu.memory_space<vmem>>
        %dma_wait3A_113 = arith.constant 0 : i32
        %dma_wait3A_114 = tpu.memref_slice %arg6[%add3A_50, %dma_wait3A_113] : memref<80x128xi32, #tpu.memory_space<vmem>> -> memref<1x128xi32, #tpu.memory_space<vmem>>
        %dma_wait3A_115 = tpu.memref_squeeze %dma_wait3A_114 : memref<1x128xi32, #tpu.memory_space<vmem>> -> memref<128xi32, #tpu.memory_space<vmem>>
        %dma_wait3A_116 = arith.constant 0 : i32
        %dma_wait3A_117 = arith.constant 0 : i32
        %dma_wait3A_118 = tpu.memref_slice %arg8[%dma_wait3A_116, %dma_wait3A_117] : memref<10240x128xf32, #tpu.memory_space<vmem_shared>> -> memref<10240x128xf32, #tpu.memory_space<vmem_shared>>
        tpu.wait_indirect_dma semaphore(%run_scoped3A_98 : memref<!tpu.dma_semaphore, #tpu.memory_space<semaphore_mem>>) src(%dma_wait3A_112 : memref<128x128xf32, #tpu.memory_space<vmem>>) dst(%dma_wait3A_118 : memref<10240x128xf32, #tpu.memory_space<vmem_shared>>)
        tpu.yield
      }) : () -> ()
      %add3A_66 = arith.constant 2 : i32
      %add3A_67 = arith.addi %add3A_50, %add3A_66 : i32
      %lt3A = arith.constant 80 : i32
      %lt3A_68 = arith.cmpi slt, %add3A_67, %lt3A : i32
      %convert_element_type3A = arith.extui %lt3A_68 : i1 to i32
      %cond3A = arith.constant 0 : i32
      %cond3A_69 = arith.cmpi ne, %convert_element_type3A, %cond3A : i32
      scf.if %cond3A_69 {
        %mul3A_98 = arith.constant 128 : i32
        %mul3A_99 = arith.muli %add3A_67, %mul3A_98 : i32
        %add3A_100 = arith.addi %mul3A_2, %mul3A_99 : i32
        %dma_start3A_101 = arith.constant 0 : i32
        %dma_start3A_102 = arith.constant 0 : i32
        %dma_start3A_103 = arith.constant 0 : i32
        %dma_start3A_104 = tpu.memref_slice %arg7[%dma_start3A_101, %dma_start3A_102, %dma_start3A_103] : memref<2x128x128xf32, #tpu.memory_space<vmem>> -> memref<1x128x128xf32, #tpu.memory_space<vmem>>
        %dma_start3A_105 = tpu.memref_squeeze %dma_start3A_104 : memref<1x128x128xf32, #tpu.memory_space<vmem>> -> memref<128x128xf32, #tpu.memory_space<vmem>>
        %dma_start3A_106 = arith.constant 0 : i32
        %dma_start3A_107 = tpu.memref_slice %arg2[%add3A_100, %dma_start3A_106] : memref<327680x128xf32, #tpu.memory_space<hbm>> -> memref<128x128xf32, #tpu.memory_space<hbm>>
        %dma_start3A_108 = arith.constant 0 : i32
        %dma_start3A_109 = arith.constant 0 : i32
        %dma_start3A_110 = tpu.memref_slice %arg7[%dma_start3A_101, %dma_start3A_108, %dma_start3A_109] : memref<2x128x128xf32, #tpu.memory_space<vmem>> -> memref<1x128x128xf32, #tpu.memory_space<vmem>>
        %dma_start3A_111 = tpu.memref_squeeze %dma_start3A_110 : memref<1x128x128xf32, #tpu.memory_space<vmem>> -> memref<128x128xf32, #tpu.memory_space<vmem>>
        %dma_start3A_112 = arith.constant 0 : i32
        %dma_start3A_113 = tpu.memref_slice %arg2[%add3A_100, %dma_start3A_112] : memref<327680x128xf32, #tpu.memory_space<hbm>> -> memref<128x128xf32, #tpu.memory_space<hbm>>
        tpu.enqueue_dma source(%dma_start3A_113 : memref<128x128xf32, #tpu.memory_space<hbm>>) target(%dma_start3A_111 : memref<128x128xf32, #tpu.memory_space<vmem>>) target_semaphore(%arg9 : memref<!tpu.dma_semaphore, #tpu.memory_space<semaphore_mem>>)
      } else {
      }
      %mul3A_70 = arith.constant 2 : i32
      %mul3A_71 = arith.muli %scan3A_46, %mul3A_70 : i32
      %add3A_72 = arith.constant 1 : i32
      %add3A_73 = arith.addi %mul3A_71, %add3A_72 : i32
      %mul3A_74 = arith.constant 128 : i32
      %mul3A_75 = arith.muli %add3A_73, %mul3A_74 : i32
      %add3A_76 = arith.addi %mul3A_2, %mul3A_75 : i32
      %dma_wait3A_77 = arith.constant 1 : i32
      %dma_wait3A_78 = arith.constant 0 : i32
      %dma_wait3A_79 = arith.constant 0 : i32
      %dma_wait3A_80 = tpu.memref_slice %arg7[%dma_wait3A_77, %dma_wait3A_78, %dma_wait3A_79] : memref<2x128x128xf32, #tpu.memory_space<vmem>> -> memref<1x128x128xf32, #tpu.memory_space<vmem>>
      %dma_wait3A_81 = tpu.memref_squeeze %dma_wait3A_80 : memref<1x128x128xf32, #tpu.memory_space<vmem>> -> memref<128x128xf32, #tpu.memory_space<vmem>>
      %dma_wait3A_82 = arith.constant 0 : i32
      %dma_wait3A_83 = tpu.memref_slice %arg2[%add3A_76, %dma_wait3A_82] : memref<327680x128xf32, #tpu.memory_space<hbm>> -> memref<128x128xf32, #tpu.memory_space<hbm>>
      %dma_wait3A_84 = arith.constant 0 : i32
      %dma_wait3A_85 = arith.constant 0 : i32
      %dma_wait3A_86 = tpu.memref_slice %arg7[%dma_wait3A_77, %dma_wait3A_84, %dma_wait3A_85] : memref<2x128x128xf32, #tpu.memory_space<vmem>> -> memref<1x128x128xf32, #tpu.memory_space<vmem>>
      %dma_wait3A_87 = tpu.memref_squeeze %dma_wait3A_86 : memref<1x128x128xf32, #tpu.memory_space<vmem>> -> memref<128x128xf32, #tpu.memory_space<vmem>>
      %dma_wait3A_88 = arith.constant 0 : i32
      %dma_wait3A_89 = tpu.memref_slice %arg2[%add3A_76, %dma_wait3A_88] : memref<327680x128xf32, #tpu.memory_space<hbm>> -> memref<128x128xf32, #tpu.memory_space<hbm>>
      tpu.wait_dma2 semaphore(%arg10 : memref<!tpu.dma_semaphore, #tpu.memory_space<semaphore_mem>>) src(%dma_wait3A_89 : memref<128x128xf32, #tpu.memory_space<hbm>>) dst(%dma_wait3A_87 : memref<128x128xf32, #tpu.memory_space<vmem>>)
      %run_scoped3A_90 = arith.constant 1 : i32
      "tpu.region"() ({
        %run_scoped3A_98 = tpu.sem_alloc : memref<!tpu.dma_semaphore, #tpu.memory_space<semaphore_mem>>
        %dma_start3A_99 = arith.constant 0 : i32
        %dma_start3A_100 = arith.constant 0 : i32
        %dma_start3A_101 = tpu.memref_slice %arg7[%run_scoped3A_90, %dma_start3A_99, %dma_start3A_100] : memref<2x128x128xf32, #tpu.memory_space<vmem>> -> memref<1x128x128xf32, #tpu.memory_space<vmem>>
        %dma_start3A_102 = tpu.memref_squeeze %dma_start3A_101 : memref<1x128x128xf32, #tpu.memory_space<vmem>> -> memref<128x128xf32, #tpu.memory_space<vmem>>
        %dma_start3A_103 = arith.constant 0 : i32
        %dma_start3A_104 = tpu.memref_slice %arg6[%add3A_73, %dma_start3A_103] : memref<80x128xi32, #tpu.memory_space<vmem>> -> memref<1x128xi32, #tpu.memory_space<vmem>>
        %dma_start3A_105 = tpu.memref_squeeze %dma_start3A_104 : memref<1x128xi32, #tpu.memory_space<vmem>> -> memref<128xi32, #tpu.memory_space<vmem>>
        %dma_start3A_106 = arith.constant 0 : i32
        %dma_start3A_107 = arith.constant 0 : i32
        %dma_start3A_108 = tpu.memref_slice %arg8[%dma_start3A_106, %dma_start3A_107] : memref<10240x128xf32, #tpu.memory_space<vmem_shared>> -> memref<10240x128xf32, #tpu.memory_space<vmem_shared>>
        tpu.enqueue_indirect_dma source(%dma_start3A_102 : memref<128x128xf32, #tpu.memory_space<vmem>>) target(%dma_start3A_108 : memref<10240x128xf32, #tpu.memory_space<vmem_shared>>) offsets(%dma_start3A_105 : memref<128xi32, #tpu.memory_space<vmem>>) semaphore(%run_scoped3A_98 : memref<!tpu.dma_semaphore, #tpu.memory_space<semaphore_mem>>) {add = true}
        %dma_wait3A_109 = arith.constant 0 : i32
        %dma_wait3A_110 = arith.constant 0 : i32
        %dma_wait3A_111 = tpu.memref_slice %arg7[%run_scoped3A_90, %dma_wait3A_109, %dma_wait3A_110] : memref<2x128x128xf32, #tpu.memory_space<vmem>> -> memref<1x128x128xf32, #tpu.memory_space<vmem>>
        %dma_wait3A_112 = tpu.memref_squeeze %dma_wait3A_111 : memref<1x128x128xf32, #tpu.memory_space<vmem>> -> memref<128x128xf32, #tpu.memory_space<vmem>>
        %dma_wait3A_113 = arith.constant 0 : i32
        %dma_wait3A_114 = tpu.memref_slice %arg6[%add3A_73, %dma_wait3A_113] : memref<80x128xi32, #tpu.memory_space<vmem>> -> memref<1x128xi32, #tpu.memory_space<vmem>>
        %dma_wait3A_115 = tpu.memref_squeeze %dma_wait3A_114 : memref<1x128xi32, #tpu.memory_space<vmem>> -> memref<128xi32, #tpu.memory_space<vmem>>
        %dma_wait3A_116 = arith.constant 0 : i32
        %dma_wait3A_117 = arith.constant 0 : i32
        %dma_wait3A_118 = tpu.memref_slice %arg8[%dma_wait3A_116, %dma_wait3A_117] : memref<10240x128xf32, #tpu.memory_space<vmem_shared>> -> memref<10240x128xf32, #tpu.memory_space<vmem_shared>>
        tpu.wait_indirect_dma semaphore(%run_scoped3A_98 : memref<!tpu.dma_semaphore, #tpu.memory_space<semaphore_mem>>) src(%dma_wait3A_112 : memref<128x128xf32, #tpu.memory_space<vmem>>) dst(%dma_wait3A_118 : memref<10240x128xf32, #tpu.memory_space<vmem_shared>>)
        tpu.yield
      }) : () -> ()
      %add3A_91 = arith.constant 2 : i32
      %add3A_92 = arith.addi %add3A_73, %add3A_91 : i32
      %lt3A_93 = arith.constant 80 : i32
      %lt3A_94 = arith.cmpi slt, %add3A_92, %lt3A_93 : i32
      %convert_element_type3A_95 = arith.extui %lt3A_94 : i1 to i32
      %cond3A_96 = arith.constant 0 : i32
      %cond3A_97 = arith.cmpi ne, %convert_element_type3A_95, %cond3A_96 : i32
      scf.if %cond3A_97 {
        %mul3A_98 = arith.constant 128 : i32
        %mul3A_99 = arith.muli %add3A_92, %mul3A_98 : i32
        %add3A_100 = arith.addi %mul3A_2, %mul3A_99 : i32
        %dma_start3A_101 = arith.constant 1 : i32
        %dma_start3A_102 = arith.constant 0 : i32
        %dma_start3A_103 = arith.constant 0 : i32
        %dma_start3A_104 = tpu.memref_slice %arg7[%dma_start3A_101, %dma_start3A_102, %dma_start3A_103] : memref<2x128x128xf32, #tpu.memory_space<vmem>> -> memref<1x128x128xf32, #tpu.memory_space<vmem>>
        %dma_start3A_105 = tpu.memref_squeeze %dma_start3A_104 : memref<1x128x128xf32, #tpu.memory_space<vmem>> -> memref<128x128xf32, #tpu.memory_space<vmem>>
        %dma_start3A_106 = arith.constant 0 : i32
        %dma_start3A_107 = tpu.memref_slice %arg2[%add3A_100, %dma_start3A_106] : memref<327680x128xf32, #tpu.memory_space<hbm>> -> memref<128x128xf32, #tpu.memory_space<hbm>>
        %dma_start3A_108 = arith.constant 0 : i32
        %dma_start3A_109 = arith.constant 0 : i32
        %dma_start3A_110 = tpu.memref_slice %arg7[%dma_start3A_101, %dma_start3A_108, %dma_start3A_109] : memref<2x128x128xf32, #tpu.memory_space<vmem>> -> memref<1x128x128xf32, #tpu.memory_space<vmem>>
        %dma_start3A_111 = tpu.memref_squeeze %dma_start3A_110 : memref<1x128x128xf32, #tpu.memory_space<vmem>> -> memref<128x128xf32, #tpu.memory_space<vmem>>
        %dma_start3A_112 = arith.constant 0 : i32
        %dma_start3A_113 = tpu.memref_slice %arg2[%add3A_100, %dma_start3A_112] : memref<327680x128xf32, #tpu.memory_space<hbm>> -> memref<128x128xf32, #tpu.memory_space<hbm>>
        tpu.enqueue_dma source(%dma_start3A_113 : memref<128x128xf32, #tpu.memory_space<hbm>>) target(%dma_start3A_111 : memref<128x128xf32, #tpu.memory_space<vmem>>) target_semaphore(%arg10 : memref<!tpu.dma_semaphore, #tpu.memory_space<semaphore_mem>>)
      } else {
      }
    }
    %scan3A_40 = arith.constant 40 : i32
    %barrier3A_41 = arith.constant 0 : index
    tpu.barrier barrier_id(%barrier3A_41)
    %mul3A_42 = arith.constant 640 : i32
    %mul3A_43 = arith.muli %arg1, %mul3A_42 : i32
    %mul3A_44 = arith.constant 640 : i32
    %mul3A_45 = arith.muli %arg1, %mul3A_44 : i32
    "tpu.region"() ({
      %run_scoped3A = tpu.sem_alloc : memref<!tpu.dma_semaphore, #tpu.memory_space<semaphore_mem>>
      %dma_start3A_46 = arith.constant 0 : i32
      %dma_start3A_47 = tpu.memref_slice %arg5[%arg0, %mul3A_45, %dma_start3A_46] : memref<2x10240x128xf32, #tpu.memory_space<hbm>> -> memref<1x640x128xf32, #tpu.memory_space<hbm>>
      %dma_start3A_48 = tpu.memref_squeeze %dma_start3A_47 : memref<1x640x128xf32, #tpu.memory_space<hbm>> -> memref<640x128xf32, #tpu.memory_space<hbm>>
      %dma_start3A_49 = arith.constant 0 : i32
      %dma_start3A_50 = tpu.memref_slice %arg8[%mul3A_43, %dma_start3A_49] : memref<10240x128xf32, #tpu.memory_space<vmem_shared>> -> memref<640x128xf32, #tpu.memory_space<vmem_shared>>
      tpu.enqueue_dma source(%dma_start3A_50 : memref<640x128xf32, #tpu.memory_space<vmem_shared>>) target(%dma_start3A_48 : memref<640x128xf32, #tpu.memory_space<hbm>>) target_semaphore(%run_scoped3A : memref<!tpu.dma_semaphore, #tpu.memory_space<semaphore_mem>>)
      %dma_wait3A = arith.constant 0 : i32
      %dma_wait3A_51 = tpu.memref_slice %arg5[%arg0, %mul3A_45, %dma_wait3A] : memref<2x10240x128xf32, #tpu.memory_space<hbm>> -> memref<1x640x128xf32, #tpu.memory_space<hbm>>
      %dma_wait3A_52 = tpu.memref_squeeze %dma_wait3A_51 : memref<1x640x128xf32, #tpu.memory_space<hbm>> -> memref<640x128xf32, #tpu.memory_space<hbm>>
      %dma_wait3A_53 = arith.constant 0 : i32
      %dma_wait3A_54 = tpu.memref_slice %arg8[%mul3A_43, %dma_wait3A_53] : memref<10240x128xf32, #tpu.memory_space<vmem_shared>> -> memref<640x128xf32, #tpu.memory_space<vmem_shared>>
      tpu.wait_dma2 semaphore(%run_scoped3A : memref<!tpu.dma_semaphore, #tpu.memory_space<semaphore_mem>>) src(%dma_wait3A_54 : memref<640x128xf32, #tpu.memory_space<vmem_shared>>) dst(%dma_wait3A_52 : memref<640x128xf32, #tpu.memory_space<hbm>>)
      tpu.yield
    }) : () -> ()
    return
  }
}

#map = affine_map<(d0, d1) -> (0, 0)>
#map1 = affine_map<(d0, d1) -> (0, 0, 0)>
module attributes {stable_mosaic.version = 14 : i64} {
  func.func @k(%arg0: i32, %arg1: i32, %arg2: memref<327680x128xf32, #tpu.memory_space<hbm>>, %arg3: memref<32x80x128xi32, #tpu.memory_space<hbm>>, %arg4: memref<10240x128xf32, #tpu.memory_space<hbm>>, %arg5: memref<2x10240x128xf32, #tpu.memory_space<hbm>>, %arg6: memref<80x128xi32, #tpu.memory_space<vmem>>, %arg7: memref<2x128x128xf32, #tpu.memory_space<vmem>>, %arg8: memref<10240x128xf32, #tpu.memory_space<vmem_shared>>, %arg9: memref<!tpu.dma_semaphore, #tpu.memory_space<semaphore_mem>>, %arg10: memref<!tpu.dma_semaphore, #tpu.memory_space<semaphore_mem>>) attributes {dimension_semantics = [#tpu.dimension_semantics<core_parallel>, #tpu.dimension_semantics<subcore_parallel>], iteration_bounds = array<i64: 2, 16>, scalar_prefetch = 0 : i64, scratch_operands = 5 : i64, tpu.core_type = #tpu.core_type<sc_vector_subcore>, window_params = [{transform_indices = #map}, {transform_indices = #map1}, {transform_indices = #map}, {transform_indices = #map1}]} {
    %mul3A = arith.constant 2 : i32
    %mul3A_0 = arith.muli %arg1, %mul3A : i32
    %add3A = arith.addi %mul3A_0, %arg0 : i32
    %mul3A_1 = arith.constant 10240 : i32
    %mul3A_2 = arith.muli %add3A, %mul3A_1 : i32
    "tpu.region"() ({
      %run_scoped3A = tpu.sem_alloc : memref<!tpu.dma_semaphore, #tpu.memory_space<semaphore_mem>>
      %dma_start3A_46 = arith.constant 0 : i32
      %dma_start3A_47 = arith.constant 0 : i32
      %dma_start3A_48 = tpu.memref_slice %arg3[%add3A, %dma_start3A_46, %dma_start3A_47] : memref<32x80x128xi32, #tpu.memory_space<hbm>> -> memref<1x80x128xi32, #tpu.memory_space<hbm>>
      %dma_start3A_49 = tpu.memref_squeeze %dma_start3A_48 : memref<1x80x128xi32, #tpu.memory_space<hbm>> -> memref<80x128xi32, #tpu.memory_space<hbm>>
      %dma_start3A_50 = arith.constant 0 : i32
      %dma_start3A_51 = arith.constant 0 : i32
      %dma_start3A_52 = tpu.memref_slice %arg3[%add3A, %dma_start3A_50, %dma_start3A_51] : memref<32x80x128xi32, #tpu.memory_space<hbm>> -> memref<1x80x128xi32, #tpu.memory_space<hbm>>
      %dma_start3A_53 = tpu.memref_squeeze %dma_start3A_52 : memref<1x80x128xi32, #tpu.memory_space<hbm>> -> memref<80x128xi32, #tpu.memory_space<hbm>>
      tpu.enqueue_dma source(%dma_start3A_53 : memref<80x128xi32, #tpu.memory_space<hbm>>) target(%arg6 : memref<80x128xi32, #tpu.memory_space<vmem>>) target_semaphore(%run_scoped3A : memref<!tpu.dma_semaphore, #tpu.memory_space<semaphore_mem>>)
      %dma_wait3A = arith.constant 0 : i32
      %dma_wait3A_54 = arith.constant 0 : i32
      %dma_wait3A_55 = tpu.memref_slice %arg3[%add3A, %dma_wait3A, %dma_wait3A_54] : memref<32x80x128xi32, #tpu.memory_space<hbm>> -> memref<1x80x128xi32, #tpu.memory_space<hbm>>
      %dma_wait3A_56 = tpu.memref_squeeze %dma_wait3A_55 : memref<1x80x128xi32, #tpu.memory_space<hbm>> -> memref<80x128xi32, #tpu.memory_space<hbm>>
      %dma_wait3A_57 = arith.constant 0 : i32
      %dma_wait3A_58 = arith.constant 0 : i32
      %dma_wait3A_59 = tpu.memref_slice %arg3[%add3A, %dma_wait3A_57, %dma_wait3A_58] : memref<32x80x128xi32, #tpu.memory_space<hbm>> -> memref<1x80x128xi32, #tpu.memory_space<hbm>>
      %dma_wait3A_60 = tpu.memref_squeeze %dma_wait3A_59 : memref<1x80x128xi32, #tpu.memory_space<hbm>> -> memref<80x128xi32, #tpu.memory_space<hbm>>
      tpu.wait_dma2 semaphore(%run_scoped3A : memref<!tpu.dma_semaphore, #tpu.memory_space<semaphore_mem>>) src(%dma_wait3A_60 : memref<80x128xi32, #tpu.memory_space<hbm>>) dst(%arg6 : memref<80x128xi32, #tpu.memory_space<vmem>>)
      tpu.yield
    }) : () -> ()
    %mul3A_3 = arith.constant 640 : i32
    %mul3A_4 = arith.muli %arg1, %mul3A_3 : i32
    %mul3A_5 = arith.constant 640 : i32
    %mul3A_6 = arith.muli %arg1, %mul3A_5 : i32
    "tpu.region"() ({
      %run_scoped3A = tpu.sem_alloc : memref<!tpu.dma_semaphore, #tpu.memory_space<semaphore_mem>>
      %dma_start3A_46 = arith.constant 0 : i32
      %dma_start3A_47 = tpu.memref_slice %arg8[%mul3A_6, %dma_start3A_46] : memref<10240x128xf32, #tpu.memory_space<vmem_shared>> -> memref<640x128xf32, #tpu.memory_space<vmem_shared>>
      %dma_start3A_48 = arith.constant 0 : i32
      %dma_start3A_49 = tpu.memref_slice %arg4[%mul3A_4, %dma_start3A_48] : memref<10240x128xf32, #tpu.memory_space<hbm>> -> memref<640x128xf32, #tpu.memory_space<hbm>>
      tpu.enqueue_dma source(%dma_start3A_49 : memref<640x128xf32, #tpu.memory_space<hbm>>) target(%dma_start3A_47 : memref<640x128xf32, #tpu.memory_space<vmem_shared>>) target_semaphore(%run_scoped3A : memref<!tpu.dma_semaphore, #tpu.memory_space<semaphore_mem>>)
      %dma_wait3A = arith.constant 0 : i32
      %dma_wait3A_50 = tpu.memref_slice %arg8[%mul3A_6, %dma_wait3A] : memref<10240x128xf32, #tpu.memory_space<vmem_shared>> -> memref<640x128xf32, #tpu.memory_space<vmem_shared>>
      %dma_wait3A_51 = arith.constant 0 : i32
      %dma_wait3A_52 = tpu.memref_slice %arg4[%mul3A_4, %dma_wait3A_51] : memref<10240x128xf32, #tpu.memory_space<hbm>> -> memref<640x128xf32, #tpu.memory_space<hbm>>
      tpu.wait_dma2 semaphore(%run_scoped3A : memref<!tpu.dma_semaphore, #tpu.memory_space<semaphore_mem>>) src(%dma_wait3A_52 : memref<640x128xf32, #tpu.memory_space<hbm>>) dst(%dma_wait3A_50 : memref<640x128xf32, #tpu.memory_space<vmem_shared>>)
      tpu.yield
    }) : () -> ()
    %barrier3A = arith.constant 0 : index
    tpu.barrier barrier_id(%barrier3A)
    %add3A_7 = arith.constant 0 : i32
    %add3A_8 = arith.addi %mul3A_2, %add3A_7 : i32
    %dma_start3A = arith.constant 0 : i32
    %dma_start3A_9 = arith.constant 0 : i32
    %dma_start3A_10 = arith.constant 0 : i32
    %dma_start3A_11 = tpu.memref_slice %arg7[%dma_start3A, %dma_start3A_9, %dma_start3A_10] : memref<2x128x128xf32, #tpu.memory_space<vmem>> -> memref<1x128x128xf32, #tpu.memory_space<vmem>>
    %dma_start3A_12 = tpu.memref_squeeze %dma_start3A_11 : memref<1x128x128xf32, #tpu.memory_space<vmem>> -> memref<128x128xf32, #tpu.memory_space<vmem>>
    %dma_start3A_13 = arith.constant 0 : i32
    %dma_start3A_14 = tpu.memref_slice %arg2[%add3A_8, %dma_start3A_13] : memref<327680x128xf32, #tpu.memory_space<hbm>> -> memref<128x128xf32, #tpu.memory_space<hbm>>
    %dma_start3A_15 = arith.constant 0 : i32
    %dma_start3A_16 = arith.constant 0 : i32
    %dma_start3A_17 = tpu.memref_slice %arg7[%dma_start3A, %dma_start3A_15, %dma_start3A_16] : memref<2x128x128xf32, #tpu.memory_space<vmem>> -> memref<1x128x128xf32, #tpu.memory_space<vmem>>
    %dma_start3A_18 = tpu.memref_squeeze %dma_start3A_17 : memref<1x128x128xf32, #tpu.memory_space<vmem>> -> memref<128x128xf32, #tpu.memory_space<vmem>>
    %dma_start3A_19 = arith.constant 0 : i32
    %dma_start3A_20 = tpu.memref_slice %arg2[%add3A_8, %dma_start3A_19] : memref<327680x128xf32, #tpu.memory_space<hbm>> -> memref<128x128xf32, #tpu.memory_space<hbm>>
    tpu.enqueue_dma source(%dma_start3A_20 : memref<128x128xf32, #tpu.memory_space<hbm>>) target(%dma_start3A_18 : memref<128x128xf32, #tpu.memory_space<vmem>>) target_semaphore(%arg9 : memref<!tpu.dma_semaphore, #tpu.memory_space<semaphore_mem>>)
    %add3A_21 = arith.constant 128 : i32
    %add3A_22 = arith.addi %mul3A_2, %add3A_21 : i32
    %dma_start3A_23 = arith.constant 1 : i32
    %dma_start3A_24 = arith.constant 0 : i32
    %dma_start3A_25 = arith.constant 0 : i32
    %dma_start3A_26 = tpu.memref_slice %arg7[%dma_start3A_23, %dma_start3A_24, %dma_start3A_25] : memref<2x128x128xf32, #tpu.memory_space<vmem>> -> memref<1x128x128xf32, #tpu.memory_space<vmem>>
    %dma_start3A_27 = tpu.memref_squeeze %dma_start3A_26 : memref<1x128x128xf32, #tpu.memory_space<vmem>> -> memref<128x128xf32, #tpu.memory_space<vmem>>
    %dma_start3A_28 = arith.constant 0 : i32
    %dma_start3A_29 = tpu.memref_slice %arg2[%add3A_22, %dma_start3A_28] : memref<327680x128xf32, #tpu.memory_space<hbm>> -> memref<128x128xf32, #tpu.memory_space<hbm>>
    %dma_start3A_30 = arith.constant 0 : i32
    %dma_start3A_31 = arith.constant 0 : i32
    %dma_start3A_32 = tpu.memref_slice %arg7[%dma_start3A_23, %dma_start3A_30, %dma_start3A_31] : memref<2x128x128xf32, #tpu.memory_space<vmem>> -> memref<1x128x128xf32, #tpu.memory_space<vmem>>
    %dma_start3A_33 = tpu.memref_squeeze %dma_start3A_32 : memref<1x128x128xf32, #tpu.memory_space<vmem>> -> memref<128x128xf32, #tpu.memory_space<vmem>>
    %dma_start3A_34 = arith.constant 0 : i32
    %dma_start3A_35 = tpu.memref_slice %arg2[%add3A_22, %dma_start3A_34] : memref<327680x128xf32, #tpu.memory_space<hbm>> -> memref<128x128xf32, #tpu.memory_space<hbm>>
    tpu.enqueue_dma source(%dma_start3A_35 : memref<128x128xf32, #tpu.memory_space<hbm>>) target(%dma_start3A_33 : memref<128x128xf32, #tpu.memory_space<vmem>>) target_semaphore(%arg10 : memref<!tpu.dma_semaphore, #tpu.memory_space<semaphore_mem>>)
    %scan3A = arith.constant 0 : i32
    %scan3A_36 = arith.constant 0 : i32
    %scan3A_37 = arith.constant 40 : i32
    %scan3A_38 = arith.addi %scan3A_36, %scan3A_37 : i32
    %scan3A_39 = arith.constant 1 : i32
    scf.for %scan3A_46 = %scan3A_36 to %scan3A_38 step %scan3A_39  : i32 {
      %mul3A_47 = arith.constant 2 : i32
      %mul3A_48 = arith.muli %scan3A_46, %mul3A_47 : i32
      %add3A_49 = arith.constant 0 : i32
      %add3A_50 = arith.addi %mul3A_48, %add3A_49 : i32
      %mul3A_51 = arith.constant 128 : i32
      %mul3A_52 = arith.muli %add3A_50, %mul3A_51 : i32
      %add3A_53 = arith.addi %mul3A_2, %mul3A_52 : i32
      %dma_wait3A = arith.constant 0 : i32
      %dma_wait3A_54 = arith.constant 0 : i32
      %dma_wait3A_55 = arith.constant 0 : i32
      %dma_wait3A_56 = tpu.memref_slice %arg7[%dma_wait3A, %dma_wait3A_54, %dma_wait3A_55] : memref<2x128x128xf32, #tpu.memory_space<vmem>> -> memref<1x128x128xf32, #tpu.memory_space<vmem>>
      %dma_wait3A_57 = tpu.memref_squeeze %dma_wait3A_56 : memref<1x128x128xf32, #tpu.memory_space<vmem>> -> memref<128x128xf32, #tpu.memory_space<vmem>>
      %dma_wait3A_58 = arith.constant 0 : i32
      %dma_wait3A_59 = tpu.memref_slice %arg2[%add3A_53, %dma_wait3A_58] : memref<327680x128xf32, #tpu.memory_space<hbm>> -> memref<128x128xf32, #tpu.memory_space<hbm>>
      %dma_wait3A_60 = arith.constant 0 : i32
      %dma_wait3A_61 = arith.constant 0 : i32
      %dma_wait3A_62 = tpu.memref_slice %arg7[%dma_wait3A, %dma_wait3A_60, %dma_wait3A_61] : memref<2x128x128xf32, #tpu.memory_space<vmem>> -> memref<1x128x128xf32, #tpu.memory_space<vmem>>
      %dma_wait3A_63 = tpu.memref_squeeze %dma_wait3A_62 : memref<1x128x128xf32, #tpu.memory_space<vmem>> -> memref<128x128xf32, #tpu.memory_space<vmem>>
      %dma_wait3A_64 = arith.constant 0 : i32
      %dma_wait3A_65 = tpu.memref_slice %arg2[%add3A_53, %dma_wait3A_64] : memref<327680x128xf32, #tpu.memory_space<hbm>> -> memref<128x128xf32, #tpu.memory_space<hbm>>
      tpu.wait_dma2 semaphore(%arg9 : memref<!tpu.dma_semaphore, #tpu.memory_space<semaphore_mem>>) src(%dma_wait3A_65 : memref<128x128xf32, #tpu.memory_space<hbm>>) dst(%dma_wait3A_63 : memref<128x128xf32, #tpu.memory_space<vmem>>)
      %run_scoped3A = arith.constant 0 : i32
      "tpu.region"() ({
        %run_scoped3A_98 = tpu.sem_alloc : memref<!tpu.dma_semaphore, #tpu.memory_space<semaphore_mem>>
        %dma_start3A_99 = arith.constant 0 : i32
        %dma_start3A_100 = arith.constant 0 : i32
        %dma_start3A_101 = tpu.memref_slice %arg7[%run_scoped3A, %dma_start3A_99, %dma_start3A_100] : memref<2x128x128xf32, #tpu.memory_space<vmem>> -> memref<1x128x128xf32, #tpu.memory_space<vmem>>
        %dma_start3A_102 = tpu.memref_squeeze %dma_start3A_101 : memref<1x128x128xf32, #tpu.memory_space<vmem>> -> memref<128x128xf32, #tpu.memory_space<vmem>>
        %dma_start3A_103 = arith.constant 0 : i32
        %dma_start3A_104 = tpu.memref_slice %arg6[%add3A_50, %dma_start3A_103] : memref<80x128xi32, #tpu.memory_space<vmem>> -> memref<1x128xi32, #tpu.memory_space<vmem>>
        %dma_start3A_105 = tpu.memref_squeeze %dma_start3A_104 : memref<1x128xi32, #tpu.memory_space<vmem>> -> memref<128xi32, #tpu.memory_space<vmem>>
        %dma_start3A_106 = arith.constant 0 : i32
        %dma_start3A_107 = arith.constant 0 : i32
        %dma_start3A_108 = tpu.memref_slice %arg8[%dma_start3A_106, %dma_start3A_107] : memref<10240x128xf32, #tpu.memory_space<vmem_shared>> -> memref<10240x128xf32, #tpu.memory_space<vmem_shared>>
        tpu.enqueue_indirect_dma source(%dma_start3A_102 : memref<128x128xf32, #tpu.memory_space<vmem>>) target(%dma_start3A_108 : memref<10240x128xf32, #tpu.memory_space<vmem_shared>>) offsets(%dma_start3A_105 : memref<128xi32, #tpu.memory_space<vmem>>) semaphore(%run_scoped3A_98 : memref<!tpu.dma_semaphore, #tpu.memory_space<semaphore_mem>>) {add = true}
        %dma_wait3A_109 = arith.constant 0 : i32
        %dma_wait3A_110 = arith.constant 0 : i32
        %dma_wait3A_111 = tpu.memref_slice %arg7[%run_scoped3A, %dma_wait3A_109, %dma_wait3A_110] : memref<2x128x128xf32, #tpu.memory_space<vmem>> -> memref<1x128x128xf32, #tpu.memory_space<vmem>>
        %dma_wait3A_112 = tpu.memref_squeeze %dma_wait3A_111 : memref<1x128x128xf32, #tpu.memory_space<vmem>> -> memref<128x128xf32, #tpu.memory_space<vmem>>
        %dma_wait3A_113 = arith.constant 0 : i32
        %dma_wait3A_114 = tpu.memref_slice %arg6[%add3A_50, %dma_wait3A_113] : memref<80x128xi32, #tpu.memory_space<vmem>> -> memref<1x128xi32, #tpu.memory_space<vmem>>
        %dma_wait3A_115 = tpu.memref_squeeze %dma_wait3A_114 : memref<1x128xi32, #tpu.memory_space<vmem>> -> memref<128xi32, #tpu.memory_space<vmem>>
        %dma_wait3A_116 = arith.constant 0 : i32
        %dma_wait3A_117 = arith.constant 0 : i32
        %dma_wait3A_118 = tpu.memref_slice %arg8[%dma_wait3A_116, %dma_wait3A_117] : memref<10240x128xf32, #tpu.memory_space<vmem_shared>> -> memref<10240x128xf32, #tpu.memory_space<vmem_shared>>
        tpu.wait_indirect_dma semaphore(%run_scoped3A_98 : memref<!tpu.dma_semaphore, #tpu.memory_space<semaphore_mem>>) src(%dma_wait3A_112 : memref<128x128xf32, #tpu.memory_space<vmem>>) dst(%dma_wait3A_118 : memref<10240x128xf32, #tpu.memory_space<vmem_shared>>)
        tpu.yield
      }) : () -> ()
      %add3A_66 = arith.constant 2 : i32
      %add3A_67 = arith.addi %add3A_50, %add3A_66 : i32
      %lt3A = arith.constant 80 : i32
      %lt3A_68 = arith.cmpi slt, %add3A_67, %lt3A : i32
      %convert_element_type3A = arith.extui %lt3A_68 : i1 to i32
      %cond3A = arith.constant 0 : i32
      %cond3A_69 = arith.cmpi ne, %convert_element_type3A, %cond3A : i32
      scf.if %cond3A_69 {
        %mul3A_98 = arith.constant 128 : i32
        %mul3A_99 = arith.muli %add3A_67, %mul3A_98 : i32
        %add3A_100 = arith.addi %mul3A_2, %mul3A_99 : i32
        %dma_start3A_101 = arith.constant 0 : i32
        %dma_start3A_102 = arith.constant 0 : i32
        %dma_start3A_103 = arith.constant 0 : i32
        %dma_start3A_104 = tpu.memref_slice %arg7[%dma_start3A_101, %dma_start3A_102, %dma_start3A_103] : memref<2x128x128xf32, #tpu.memory_space<vmem>> -> memref<1x128x128xf32, #tpu.memory_space<vmem>>
        %dma_start3A_105 = tpu.memref_squeeze %dma_start3A_104 : memref<1x128x128xf32, #tpu.memory_space<vmem>> -> memref<128x128xf32, #tpu.memory_space<vmem>>
        %dma_start3A_106 = arith.constant 0 : i32
        %dma_start3A_107 = tpu.memref_slice %arg2[%add3A_100, %dma_start3A_106] : memref<327680x128xf32, #tpu.memory_space<hbm>> -> memref<128x128xf32, #tpu.memory_space<hbm>>
        %dma_start3A_108 = arith.constant 0 : i32
        %dma_start3A_109 = arith.constant 0 : i32
        %dma_start3A_110 = tpu.memref_slice %arg7[%dma_start3A_101, %dma_start3A_108, %dma_start3A_109] : memref<2x128x128xf32, #tpu.memory_space<vmem>> -> memref<1x128x128xf32, #tpu.memory_space<vmem>>
        %dma_start3A_111 = tpu.memref_squeeze %dma_start3A_110 : memref<1x128x128xf32, #tpu.memory_space<vmem>> -> memref<128x128xf32, #tpu.memory_space<vmem>>
        %dma_start3A_112 = arith.constant 0 : i32
        %dma_start3A_113 = tpu.memref_slice %arg2[%add3A_100, %dma_start3A_112] : memref<327680x128xf32, #tpu.memory_space<hbm>> -> memref<128x128xf32, #tpu.memory_space<hbm>>
        tpu.enqueue_dma source(%dma_start3A_113 : memref<128x128xf32, #tpu.memory_space<hbm>>) target(%dma_start3A_111 : memref<128x128xf32, #tpu.memory_space<vmem>>) target_semaphore(%arg9 : memref<!tpu.dma_semaphore, #tpu.memory_space<semaphore_mem>>)
      } else {
      }
      %mul3A_70 = arith.constant 2 : i32
      %mul3A_71 = arith.muli %scan3A_46, %mul3A_70 : i32
      %add3A_72 = arith.constant 1 : i32
      %add3A_73 = arith.addi %mul3A_71, %add3A_72 : i32
      %mul3A_74 = arith.constant 128 : i32
      %mul3A_75 = arith.muli %add3A_73, %mul3A_74 : i32
      %add3A_76 = arith.addi %mul3A_2, %mul3A_75 : i32
      %dma_wait3A_77 = arith.constant 1 : i32
      %dma_wait3A_78 = arith.constant 0 : i32
      %dma_wait3A_79 = arith.constant 0 : i32
      %dma_wait3A_80 = tpu.memref_slice %arg7[%dma_wait3A_77, %dma_wait3A_78, %dma_wait3A_79] : memref<2x128x128xf32, #tpu.memory_space<vmem>> -> memref<1x128x128xf32, #tpu.memory_space<vmem>>
      %dma_wait3A_81 = tpu.memref_squeeze %dma_wait3A_80 : memref<1x128x128xf32, #tpu.memory_space<vmem>> -> memref<128x128xf32, #tpu.memory_space<vmem>>
      %dma_wait3A_82 = arith.constant 0 : i32
      %dma_wait3A_83 = tpu.memref_slice %arg2[%add3A_76, %dma_wait3A_82] : memref<327680x128xf32, #tpu.memory_space<hbm>> -> memref<128x128xf32, #tpu.memory_space<hbm>>
      %dma_wait3A_84 = arith.constant 0 : i32
      %dma_wait3A_85 = arith.constant 0 : i32
      %dma_wait3A_86 = tpu.memref_slice %arg7[%dma_wait3A_77, %dma_wait3A_84, %dma_wait3A_85] : memref<2x128x128xf32, #tpu.memory_space<vmem>> -> memref<1x128x128xf32, #tpu.memory_space<vmem>>
      %dma_wait3A_87 = tpu.memref_squeeze %dma_wait3A_86 : memref<1x128x128xf32, #tpu.memory_space<vmem>> -> memref<128x128xf32, #tpu.memory_space<vmem>>
      %dma_wait3A_88 = arith.constant 0 : i32
      %dma_wait3A_89 = tpu.memref_slice %arg2[%add3A_76, %dma_wait3A_88] : memref<327680x128xf32, #tpu.memory_space<hbm>> -> memref<128x128xf32, #tpu.memory_space<hbm>>
      tpu.wait_dma2 semaphore(%arg10 : memref<!tpu.dma_semaphore, #tpu.memory_space<semaphore_mem>>) src(%dma_wait3A_89 : memref<128x128xf32, #tpu.memory_space<hbm>>) dst(%dma_wait3A_87 : memref<128x128xf32, #tpu.memory_space<vmem>>)
      %run_scoped3A_90 = arith.constant 1 : i32
      "tpu.region"() ({
        %run_scoped3A_98 = tpu.sem_alloc : memref<!tpu.dma_semaphore, #tpu.memory_space<semaphore_mem>>
        %dma_start3A_99 = arith.constant 0 : i32
        %dma_start3A_100 = arith.constant 0 : i32
        %dma_start3A_101 = tpu.memref_slice %arg7[%run_scoped3A_90, %dma_start3A_99, %dma_start3A_100] : memref<2x128x128xf32, #tpu.memory_space<vmem>> -> memref<1x128x128xf32, #tpu.memory_space<vmem>>
        %dma_start3A_102 = tpu.memref_squeeze %dma_start3A_101 : memref<1x128x128xf32, #tpu.memory_space<vmem>> -> memref<128x128xf32, #tpu.memory_space<vmem>>
        %dma_start3A_103 = arith.constant 0 : i32
        %dma_start3A_104 = tpu.memref_slice %arg6[%add3A_73, %dma_start3A_103] : memref<80x128xi32, #tpu.memory_space<vmem>> -> memref<1x128xi32, #tpu.memory_space<vmem>>
        %dma_start3A_105 = tpu.memref_squeeze %dma_start3A_104 : memref<1x128xi32, #tpu.memory_space<vmem>> -> memref<128xi32, #tpu.memory_space<vmem>>
        %dma_start3A_106 = arith.constant 0 : i32
        %dma_start3A_107 = arith.constant 0 : i32
        %dma_start3A_108 = tpu.memref_slice %arg8[%dma_start3A_106, %dma_start3A_107] : memref<10240x128xf32, #tpu.memory_space<vmem_shared>> -> memref<10240x128xf32, #tpu.memory_space<vmem_shared>>
        tpu.enqueue_indirect_dma source(%dma_start3A_102 : memref<128x128xf32, #tpu.memory_space<vmem>>) target(%dma_start3A_108 : memref<10240x128xf32, #tpu.memory_space<vmem_shared>>) offsets(%dma_start3A_105 : memref<128xi32, #tpu.memory_space<vmem>>) semaphore(%run_scoped3A_98 : memref<!tpu.dma_semaphore, #tpu.memory_space<semaphore_mem>>) {add = true}
        %dma_wait3A_109 = arith.constant 0 : i32
        %dma_wait3A_110 = arith.constant 0 : i32
        %dma_wait3A_111 = tpu.memref_slice %arg7[%run_scoped3A_90, %dma_wait3A_109, %dma_wait3A_110] : memref<2x128x128xf32, #tpu.memory_space<vmem>> -> memref<1x128x128xf32, #tpu.memory_space<vmem>>
        %dma_wait3A_112 = tpu.memref_squeeze %dma_wait3A_111 : memref<1x128x128xf32, #tpu.memory_space<vmem>> -> memref<128x128xf32, #tpu.memory_space<vmem>>
        %dma_wait3A_113 = arith.constant 0 : i32
        %dma_wait3A_114 = tpu.memref_slice %arg6[%add3A_73, %dma_wait3A_113] : memref<80x128xi32, #tpu.memory_space<vmem>> -> memref<1x128xi32, #tpu.memory_space<vmem>>
        %dma_wait3A_115 = tpu.memref_squeeze %dma_wait3A_114 : memref<1x128xi32, #tpu.memory_space<vmem>> -> memref<128xi32, #tpu.memory_space<vmem>>
        %dma_wait3A_116 = arith.constant 0 : i32
        %dma_wait3A_117 = arith.constant 0 : i32
        %dma_wait3A_118 = tpu.memref_slice %arg8[%dma_wait3A_116, %dma_wait3A_117] : memref<10240x128xf32, #tpu.memory_space<vmem_shared>> -> memref<10240x128xf32, #tpu.memory_space<vmem_shared>>
        tpu.wait_indirect_dma semaphore(%run_scoped3A_98 : memref<!tpu.dma_semaphore, #tpu.memory_space<semaphore_mem>>) src(%dma_wait3A_112 : memref<128x128xf32, #tpu.memory_space<vmem>>) dst(%dma_wait3A_118 : memref<10240x128xf32, #tpu.memory_space<vmem_shared>>)
        tpu.yield
      }) : () -> ()
      %add3A_91 = arith.constant 2 : i32
      %add3A_92 = arith.addi %add3A_73, %add3A_91 : i32
      %lt3A_93 = arith.constant 80 : i32
      %lt3A_94 = arith.cmpi slt, %add3A_92, %lt3A_93 : i32
      %convert_element_type3A_95 = arith.extui %lt3A_94 : i1 to i32
      %cond3A_96 = arith.constant 0 : i32
      %cond3A_97 = arith.cmpi ne, %convert_element_type3A_95, %cond3A_96 : i32
      scf.if %cond3A_97 {
        %mul3A_98 = arith.constant 128 : i32
        %mul3A_99 = arith.muli %add3A_92, %mul3A_98 : i32
        %add3A_100 = arith.addi %mul3A_2, %mul3A_99 : i32
        %dma_start3A_101 = arith.constant 1 : i32
        %dma_start3A_102 = arith.constant 0 : i32
        %dma_start3A_103 = arith.constant 0 : i32
        %dma_start3A_104 = tpu.memref_slice %arg7[%dma_start3A_101, %dma_start3A_102, %dma_start3A_103] : memref<2x128x128xf32, #tpu.memory_space<vmem>> -> memref<1x128x128xf32, #tpu.memory_space<vmem>>
        %dma_start3A_105 = tpu.memref_squeeze %dma_start3A_104 : memref<1x128x128xf32, #tpu.memory_space<vmem>> -> memref<128x128xf32, #tpu.memory_space<vmem>>
        %dma_start3A_106 = arith.constant 0 : i32
        %dma_start3A_107 = tpu.memref_slice %arg2[%add3A_100, %dma_start3A_106] : memref<327680x128xf32, #tpu.memory_space<hbm>> -> memref<128x128xf32, #tpu.memory_space<hbm>>
        %dma_start3A_108 = arith.constant 0 : i32
        %dma_start3A_109 = arith.constant 0 : i32
        %dma_start3A_110 = tpu.memref_slice %arg7[%dma_start3A_101, %dma_start3A_108, %dma_start3A_109] : memref<2x128x128xf32, #tpu.memory_space<vmem>> -> memref<1x128x128xf32, #tpu.memory_space<vmem>>
        %dma_start3A_111 = tpu.memref_squeeze %dma_start3A_110 : memref<1x128x128xf32, #tpu.memory_space<vmem>> -> memref<128x128xf32, #tpu.memory_space<vmem>>
        %dma_start3A_112 = arith.constant 0 : i32
        %dma_start3A_113 = tpu.memref_slice %arg2[%add3A_100, %dma_start3A_112] : memref<327680x128xf32, #tpu.memory_space<hbm>> -> memref<128x128xf32, #tpu.memory_space<hbm>>
        tpu.enqueue_dma source(%dma_start3A_113 : memref<128x128xf32, #tpu.memory_space<hbm>>) target(%dma_start3A_111 : memref<128x128xf32, #tpu.memory_space<vmem>>) target_semaphore(%arg10 : memref<!tpu.dma_semaphore, #tpu.memory_space<semaphore_mem>>)
      } else {
      }
    }
    %scan3A_40 = arith.constant 40 : i32
    %barrier3A_41 = arith.constant 0 : index
    tpu.barrier barrier_id(%barrier3A_41)
    %mul3A_42 = arith.constant 640 : i32
    %mul3A_43 = arith.muli %arg1, %mul3A_42 : i32
    %mul3A_44 = arith.constant 640 : i32
    %mul3A_45 = arith.muli %arg1, %mul3A_44 : i32
    "tpu.region"() ({
      %run_scoped3A = tpu.sem_alloc : memref<!tpu.dma_semaphore, #tpu.memory_space<semaphore_mem>>
      %dma_start3A_46 = arith.constant 0 : i32
      %dma_start3A_47 = tpu.memref_slice %arg5[%arg0, %mul3A_45, %dma_start3A_46] : memref<2x10240x128xf32, #tpu.memory_space<hbm>> -> memref<1x640x128xf32, #tpu.memory_space<hbm>>
      %dma_start3A_48 = tpu.memref_squeeze %dma_start3A_47 : memref<1x640x128xf32, #tpu.memory_space<hbm>> -> memref<640x128xf32, #tpu.memory_space<hbm>>
      %dma_start3A_49 = arith.constant 0 : i32
      %dma_start3A_50 = tpu.memref_slice %arg8[%mul3A_43, %dma_start3A_49] : memref<10240x128xf32, #tpu.memory_space<vmem_shared>> -> memref<640x128xf32, #tpu.memory_space<vmem_shared>>
      tpu.enqueue_dma source(%dma_start3A_50 : memref<640x128xf32, #tpu.memory_space<vmem_shared>>) target(%dma_start3A_48 : memref<640x128xf32, #tpu.memory_space<hbm>>) target_semaphore(%run_scoped3A : memref<!tpu.dma_semaphore, #tpu.memory_space<semaphore_mem>>)
      %dma_wait3A = arith.constant 0 : i32
      %dma_wait3A_51 = tpu.memref_slice %arg5[%arg0, %mul3A_45, %dma_wait3A] : memref<2x10240x128xf32, #tpu.memory_space<hbm>> -> memref<1x640x128xf32, #tpu.memory_space<hbm>>
      %dma_wait3A_52 = tpu.memref_squeeze %dma_wait3A_51 : memref<1x640x128xf32, #tpu.memory_space<hbm>> -> memref<640x128xf32, #tpu.memory_space<hbm>>
      %dma_wait3A_53 = arith.constant 0 : i32
      %dma_wait3A_54 = tpu.memref_slice %arg8[%mul3A_43, %dma_wait3A_53] : memref<10240x128xf32, #tpu.memory_space<vmem_shared>> -> memref<640x128xf32, #tpu.memory_space<vmem_shared>>
      tpu.wait_dma2 semaphore(%run_scoped3A : memref<!tpu.dma_semaphore, #tpu.memory_space<semaphore_mem>>) src(%dma_wait3A_54 : memref<640x128xf32, #tpu.memory_space<vmem_shared>>) dst(%dma_wait3A_52 : memref<640x128xf32, #tpu.memory_space<hbm>>)
      tpu.yield
    }) : () -> ()
    return
  }
}

module attributes {stable_mosaic.version = 14 : i64} {
  func.func @_node_enc_body(%arg0: i32, %arg1: memref<1024x128xf32, #tpu.memory_space<vmem>>, %arg2: memref<128x128xf32, #tpu.memory_space<vmem>>, %arg3: memref<1x128xf32, #tpu.memory_space<vmem>>, %arg4: memref<128x128xf32, #tpu.memory_space<vmem>>, %arg5: memref<1x128xf32, #tpu.memory_space<vmem>>, %arg6: memref<128x128xf32, #tpu.memory_space<vmem>>, %arg7: memref<128x128xf32, #tpu.memory_space<vmem>>, %arg8: memref<1024x128xf32, #tpu.memory_space<vmem>>, %arg9: memref<1024x128xf32, #tpu.memory_space<vmem>>, %arg10: memref<1024x128xf32, #tpu.memory_space<vmem>>) attributes {dimension_semantics = [#tpu.dimension_semantics<arbitrary>], iteration_bounds = array<i64: 10>, scalar_prefetch = 0 : i64, scratch_operands = 0 : i64, tpu.core_type = #tpu.core_type<tc>, window_params = [{transform_indices = @transform_0, window_bounds = array<i64: 1024, 128>}, {pipeline_mode = #tpu.pipeline_mode<synchronous>, transform_indices = @transform_1, window_bounds = array<i64: 128, 128>}, {pipeline_mode = #tpu.pipeline_mode<synchronous>, transform_indices = @transform_2, window_bounds = array<i64: 1, 128>}, {pipeline_mode = #tpu.pipeline_mode<synchronous>, transform_indices = @transform_3, window_bounds = array<i64: 128, 128>}, {pipeline_mode = #tpu.pipeline_mode<synchronous>, transform_indices = @transform_4, window_bounds = array<i64: 1, 128>}, {pipeline_mode = #tpu.pipeline_mode<synchronous>, transform_indices = @transform_5, window_bounds = array<i64: 128, 128>}, {pipeline_mode = #tpu.pipeline_mode<synchronous>, transform_indices = @transform_6, window_bounds = array<i64: 128, 128>}, {transform_indices = @transform_7, window_bounds = array<i64: 1024, 128>}, {transform_indices = @transform_8, window_bounds = array<i64: 1024, 128>}, {transform_indices = @transform_9, window_bounds = array<i64: 1024, 128>}]} {
    %get3A = arith.constant 0 : index
    %get3A_0 = arith.constant 0 : index
    %get3A_1 = vector.load %arg1[%get3A, %get3A_0] : memref<1024x128xf32, #tpu.memory_space<vmem>>, vector<1024x128xf32>
    %get3A_2 = arith.constant 0 : index
    %get3A_3 = arith.constant 0 : index
    %get3A_4 = vector.load %arg2[%get3A_2, %get3A_3] : memref<128x128xf32, #tpu.memory_space<vmem>>, vector<128x128xf32>
    %dot_general3A = arith.constant dense<0.000000e+00> : vector<1024x128xf32>
    %dot_general3A_5 = tpu.matmul %get3A_1, %get3A_4, %dot_general3A {dimension_numbers = #tpu.dot_dimension_numbers<[1], [0], [0], [1], [0, 0, 1, 1], [], []>, transpose_lhs_hint = false} : vector<1024x128xf32>, vector<128x128xf32>, vector<1024x128xf32> -> vector<1024x128xf32>
    %get3A_6 = arith.constant 0 : index
    %get3A_7 = arith.constant 0 : index
    %get3A_8 = vector.load %arg3[%get3A_6, %get3A_7] : memref<1x128xf32, #tpu.memory_space<vmem>>, vector<1x128xf32>
    %add3A = vector.broadcast %get3A_8 : vector<1x128xf32> to vector<1024x128xf32>
    %add3A_9 = arith.addf %dot_general3A_5, %add3A : vector<1024x128xf32>
    %custom_jvp_call3A = arith.constant 0.000000e+00 : f32
    %max3A = vector.broadcast %custom_jvp_call3A : f32 to vector<1024x128xf32>
    %max3A_10 = arith.maximumf %add3A_9, %max3A : vector<1024x128xf32>
    %sub3A = vector.broadcast %custom_jvp_call3A : f32 to vector<1024x128xf32>
    %sub3A_11 = arith.subf %add3A_9, %sub3A : vector<1024x128xf32>
    %ne3A = arith.cmpf one, %sub3A_11, %sub3A_11 : vector<1024x128xf32>
    %add3A_12 = vector.broadcast %custom_jvp_call3A : f32 to vector<1024x128xf32>
    %add3A_13 = arith.addf %add3A_9, %add3A_12 : vector<1024x128xf32>
    %abs3A = math.absf %sub3A_11 : vector<1024x128xf32>
    %neg3A = arith.constant 0.000000e+00 : f32
    %neg3A_14 = vector.broadcast %neg3A : f32 to vector<1024x128xf32>
    %neg3A_15 = arith.subf %neg3A_14, %abs3A : vector<1024x128xf32>
    %exp3A = math.exp %neg3A_15 : vector<1024x128xf32>
    %log1p3A = math.log1p %exp3A : vector<1024x128xf32>
    %add3A_16 = arith.addf %max3A_10, %log1p3A : vector<1024x128xf32>
    %select_n3A = arith.select %ne3A, %add3A_13, %add3A_16 : vector<1024x128xi1>, vector<1024x128xf32>
    %tanh3A = math.tanh %select_n3A : vector<1024x128xf32>
    %mul3A = arith.mulf %add3A_9, %tanh3A : vector<1024x128xf32>
    %get3A_17 = arith.constant 0 : index
    %get3A_18 = arith.constant 0 : index
    %get3A_19 = vector.load %arg4[%get3A_17, %get3A_18] : memref<128x128xf32, #tpu.memory_space<vmem>>, vector<128x128xf32>
    %dot_general3A_20 = arith.constant dense<0.000000e+00> : vector<1024x128xf32>
    %dot_general3A_21 = tpu.matmul %mul3A, %get3A_19, %dot_general3A_20 {dimension_numbers = #tpu.dot_dimension_numbers<[1], [0], [0], [1], [0, 0, 1, 1], [], []>, transpose_lhs_hint = false} : vector<1024x128xf32>, vector<128x128xf32>, vector<1024x128xf32> -> vector<1024x128xf32>
    %get3A_22 = arith.constant 0 : index
    %get3A_23 = arith.constant 0 : index
    %get3A_24 = vector.load %arg5[%get3A_22, %get3A_23] : memref<1x128xf32, #tpu.memory_space<vmem>>, vector<1x128xf32>
    %add3A_25 = vector.broadcast %get3A_24 : vector<1x128xf32> to vector<1024x128xf32>
    %add3A_26 = arith.addf %dot_general3A_21, %add3A_25 : vector<1024x128xf32>
    %swap3A = arith.constant 0 : index
    %swap3A_27 = arith.constant 0 : index
    %swap3A_28 = vector.load %arg8[%swap3A, %swap3A_27] : memref<1024x128xf32, #tpu.memory_space<vmem>>, vector<1024x128xf32>
    tpu.vector_store %arg8[%swap3A, %swap3A_27], %add3A_26 {strides = array<i32>} : memref<1024x128xf32, #tpu.memory_space<vmem>>, vector<1024x128xf32>,
    %get3A_29 = arith.constant 0 : index
    %get3A_30 = arith.constant 0 : index
    %get3A_31 = vector.load %arg6[%get3A_29, %get3A_30] : memref<128x128xf32, #tpu.memory_space<vmem>>, vector<128x128xf32>
    %dot_general3A_32 = arith.constant dense<0.000000e+00> : vector<1024x128xf32>
    %dot_general3A_33 = tpu.matmul %add3A_26, %get3A_31, %dot_general3A_32 {dimension_numbers = #tpu.dot_dimension_numbers<[1], [0], [0], [1], [0, 0, 1, 1], [], []>, transpose_lhs_hint = false} : vector<1024x128xf32>, vector<128x128xf32>, vector<1024x128xf32> -> vector<1024x128xf32>
    %swap3A_34 = arith.constant 0 : index
    %swap3A_35 = arith.constant 0 : index
    %swap3A_36 = vector.load %arg9[%swap3A_34, %swap3A_35] : memref<1024x128xf32, #tpu.memory_space<vmem>>, vector<1024x128xf32>
    tpu.vector_store %arg9[%swap3A_34, %swap3A_35], %dot_general3A_33 {strides = array<i32>} : memref<1024x128xf32, #tpu.memory_space<vmem>>, vector<1024x128xf32>,
    %get3A_37 = arith.constant 0 : index
    %get3A_38 = arith.constant 0 : index
    %get3A_39 = vector.load %arg7[%get3A_37, %get3A_38] : memref<128x128xf32, #tpu.memory_space<vmem>>, vector<128x128xf32>
    %dot_general3A_40 = arith.constant dense<0.000000e+00> : vector<1024x128xf32>
    %dot_general3A_41 = tpu.matmul %add3A_26, %get3A_39, %dot_general3A_40 {dimension_numbers = #tpu.dot_dimension_numbers<[1], [0], [0], [1], [0, 0, 1, 1], [], []>, transpose_lhs_hint = false} : vector<1024x128xf32>, vector<128x128xf32>, vector<1024x128xf32> -> vector<1024x128xf32>
    %swap3A_42 = arith.constant 0 : index
    %swap3A_43 = arith.constant 0 : index
    %swap3A_44 = vector.load %arg10[%swap3A_42, %swap3A_43] : memref<1024x128xf32, #tpu.memory_space<vmem>>, vector<1024x128xf32>
    tpu.vector_store %arg10[%swap3A_42, %swap3A_43], %dot_general3A_41 {strides = array<i32>} : memref<1024x128xf32, #tpu.memory_space<vmem>>, vector<1024x128xf32>,
    return
  }
  func.func @transform_0(%arg0: i32) -> (i32, i32) {
    %c0_i32 = arith.constant 0 : i32
    %c0_i32_0 = arith.constant 0 : i32
    return %arg0, %c0_i32 : i32, i32
  }
  func.func @transform_1(%arg0: i32) -> (i32, i32) {
    %c0_i32 = arith.constant 0 : i32
    %c0_i32_0 = arith.constant 0 : i32
    %c0_i32_1 = arith.constant 0 : i32
    return %c0_i32, %c0_i32_0 : i32, i32
  }
  func.func @transform_2(%arg0: i32) -> (i32, i32) {
    %c0_i32 = arith.constant 0 : i32
    %c0_i32_0 = arith.constant 0 : i32
    %c0_i32_1 = arith.constant 0 : i32
    return %c0_i32, %c0_i32_0 : i32, i32
  }
  func.func @transform_3(%arg0: i32) -> (i32, i32) {
    %c0_i32 = arith.constant 0 : i32
    %c0_i32_0 = arith.constant 0 : i32
    %c0_i32_1 = arith.constant 0 : i32
    return %c0_i32, %c0_i32_0 : i32, i32
  }
  func.func @transform_4(%arg0: i32) -> (i32, i32) {
    %c0_i32 = arith.constant 0 : i32
    %c0_i32_0 = arith.constant 0 : i32
    %c0_i32_1 = arith.constant 0 : i32
    return %c0_i32, %c0_i32_0 : i32, i32
  }
  func.func @transform_5(%arg0: i32) -> (i32, i32) {
    %c0_i32 = arith.constant 0 : i32
    %c0_i32_0 = arith.constant 0 : i32
    %c0_i32_1 = arith.constant 0 : i32
    return %c0_i32, %c0_i32_0 : i32, i32
  }
  func.func @transform_6(%arg0: i32) -> (i32, i32) {
    %c0_i32 = arith.constant 0 : i32
    %c0_i32_0 = arith.constant 0 : i32
    %c0_i32_1 = arith.constant 0 : i32
    return %c0_i32, %c0_i32_0 : i32, i32
  }
  func.func @transform_7(%arg0: i32) -> (i32, i32) {
    %c0_i32 = arith.constant 0 : i32
    %c0_i32_0 = arith.constant 0 : i32
    return %arg0, %c0_i32 : i32, i32
  }
  func.func @transform_8(%arg0: i32) -> (i32, i32) {
    %c0_i32 = arith.constant 0 : i32
    %c0_i32_0 = arith.constant 0 : i32
    return %arg0, %c0_i32 : i32, i32
  }
  func.func @transform_9(%arg0: i32) -> (i32, i32) {
    %c0_i32 = arith.constant 0 : i32
    %c0_i32_0 = arith.constant 0 : i32
    return %arg0, %c0_i32 : i32, i32
  }
}

module attributes {stable_mosaic.version = 14 : i64} {
  func.func @_edge_enc_body(%arg0: i32, %arg1: memref<2048x4xf32, #tpu.memory_space<vmem>>, %arg2: memref<4x128xf32, #tpu.memory_space<vmem>>, %arg3: memref<1x128xf32, #tpu.memory_space<vmem>>, %arg4: memref<128x128xf32, #tpu.memory_space<vmem>>, %arg5: memref<1x128xf32, #tpu.memory_space<vmem>>, %arg6: memref<128x128xf32, #tpu.memory_space<vmem>>, %arg7: memref<1x128xf32, #tpu.memory_space<vmem>>, %arg8: memref<2048x128xf32, #tpu.memory_space<vmem>>) attributes {dimension_semantics = [#tpu.dimension_semantics<arbitrary>], iteration_bounds = array<i64: 160>, scalar_prefetch = 0 : i64, scratch_operands = 0 : i64, tpu.core_type = #tpu.core_type<tc>, window_params = [{transform_indices = @transform_0, window_bounds = array<i64: 2048, 4>}, {pipeline_mode = #tpu.pipeline_mode<synchronous>, transform_indices = @transform_1, window_bounds = array<i64: 4, 128>}, {pipeline_mode = #tpu.pipeline_mode<synchronous>, transform_indices = @transform_2, window_bounds = array<i64: 1, 128>}, {pipeline_mode = #tpu.pipeline_mode<synchronous>, transform_indices = @transform_3, window_bounds = array<i64: 128, 128>}, {pipeline_mode = #tpu.pipeline_mode<synchronous>, transform_indices = @transform_4, window_bounds = array<i64: 1, 128>}, {pipeline_mode = #tpu.pipeline_mode<synchronous>, transform_indices = @transform_5, window_bounds = array<i64: 128, 128>}, {pipeline_mode = #tpu.pipeline_mode<synchronous>, transform_indices = @transform_6, window_bounds = array<i64: 1, 128>}, {transform_indices = @transform_7, window_bounds = array<i64: 2048, 128>}]} {
    %get3A = arith.constant 0 : index
    %get3A_0 = arith.constant 0 : index
    %get3A_1 = vector.load %arg1[%get3A, %get3A_0] : memref<2048x4xf32, #tpu.memory_space<vmem>>, vector<2048x4xf32>
    %get3A_2 = arith.constant 0 : index
    %get3A_3 = arith.constant 0 : index
    %get3A_4 = vector.load %arg2[%get3A_2, %get3A_3] : memref<4x128xf32, #tpu.memory_space<vmem>>, vector<4x128xf32>
    %dot_general3A = arith.constant dense<0.000000e+00> : vector<2048x128xf32>
    %dot_general3A_5 = tpu.matmul %get3A_1, %get3A_4, %dot_general3A {dimension_numbers = #tpu.dot_dimension_numbers<[1], [0], [0], [1], [0, 0, 1, 1], [], []>, transpose_lhs_hint = false} : vector<2048x4xf32>, vector<4x128xf32>, vector<2048x128xf32> -> vector<2048x128xf32>
    %get3A_6 = arith.constant 0 : index
    %get3A_7 = arith.constant 0 : index
    %get3A_8 = vector.load %arg3[%get3A_6, %get3A_7] : memref<1x128xf32, #tpu.memory_space<vmem>>, vector<1x128xf32>
    %add3A = vector.broadcast %get3A_8 : vector<1x128xf32> to vector<2048x128xf32>
    %add3A_9 = arith.addf %dot_general3A_5, %add3A : vector<2048x128xf32>
    %custom_jvp_call3A = arith.constant 0.000000e+00 : f32
    %max3A = vector.broadcast %custom_jvp_call3A : f32 to vector<2048x128xf32>
    %max3A_10 = arith.maximumf %add3A_9, %max3A : vector<2048x128xf32>
    %sub3A = vector.broadcast %custom_jvp_call3A : f32 to vector<2048x128xf32>
    %sub3A_11 = arith.subf %add3A_9, %sub3A : vector<2048x128xf32>
    %ne3A = arith.cmpf one, %sub3A_11, %sub3A_11 : vector<2048x128xf32>
    %add3A_12 = vector.broadcast %custom_jvp_call3A : f32 to vector<2048x128xf32>
    %add3A_13 = arith.addf %add3A_9, %add3A_12 : vector<2048x128xf32>
    %abs3A = math.absf %sub3A_11 : vector<2048x128xf32>
    %neg3A = arith.constant 0.000000e+00 : f32
    %neg3A_14 = vector.broadcast %neg3A : f32 to vector<2048x128xf32>
    %neg3A_15 = arith.subf %neg3A_14, %abs3A : vector<2048x128xf32>
    %exp3A = math.exp %neg3A_15 : vector<2048x128xf32>
    %log1p3A = math.log1p %exp3A : vector<2048x128xf32>
    %add3A_16 = arith.addf %max3A_10, %log1p3A : vector<2048x128xf32>
    %select_n3A = arith.select %ne3A, %add3A_13, %add3A_16 : vector<2048x128xi1>, vector<2048x128xf32>
    %tanh3A = math.tanh %select_n3A : vector<2048x128xf32>
    %mul3A = arith.mulf %add3A_9, %tanh3A : vector<2048x128xf32>
    %get3A_17 = arith.constant 0 : index
    %get3A_18 = arith.constant 0 : index
    %get3A_19 = vector.load %arg4[%get3A_17, %get3A_18] : memref<128x128xf32, #tpu.memory_space<vmem>>, vector<128x128xf32>
    %dot_general3A_20 = arith.constant dense<0.000000e+00> : vector<2048x128xf32>
    %dot_general3A_21 = tpu.matmul %mul3A, %get3A_19, %dot_general3A_20 {dimension_numbers = #tpu.dot_dimension_numbers<[1], [0], [0], [1], [0, 0, 1, 1], [], []>, transpose_lhs_hint = false} : vector<2048x128xf32>, vector<128x128xf32>, vector<2048x128xf32> -> vector<2048x128xf32>
    %get3A_22 = arith.constant 0 : index
    %get3A_23 = arith.constant 0 : index
    %get3A_24 = vector.load %arg5[%get3A_22, %get3A_23] : memref<1x128xf32, #tpu.memory_space<vmem>>, vector<1x128xf32>
    %add3A_25 = vector.broadcast %get3A_24 : vector<1x128xf32> to vector<2048x128xf32>
    %add3A_26 = arith.addf %dot_general3A_21, %add3A_25 : vector<2048x128xf32>
    %get3A_27 = arith.constant 0 : index
    %get3A_28 = arith.constant 0 : index
    %get3A_29 = vector.load %arg6[%get3A_27, %get3A_28] : memref<128x128xf32, #tpu.memory_space<vmem>>, vector<128x128xf32>
    %dot_general3A_30 = arith.constant dense<0.000000e+00> : vector<2048x128xf32>
    %dot_general3A_31 = tpu.matmul %add3A_26, %get3A_29, %dot_general3A_30 {dimension_numbers = #tpu.dot_dimension_numbers<[1], [0], [0], [1], [0, 0, 1, 1], [], []>, transpose_lhs_hint = false} : vector<2048x128xf32>, vector<128x128xf32>, vector<2048x128xf32> -> vector<2048x128xf32>
    %get3A_32 = arith.constant 0 : index
    %get3A_33 = arith.constant 0 : index
    %get3A_34 = vector.load %arg7[%get3A_32, %get3A_33] : memref<1x128xf32, #tpu.memory_space<vmem>>, vector<1x128xf32>
    %add3A_35 = vector.broadcast %get3A_34 : vector<1x128xf32> to vector<2048x128xf32>
    %add3A_36 = arith.addf %dot_general3A_31, %add3A_35 : vector<2048x128xf32>
    %swap3A = arith.constant 0 : index
    %swap3A_37 = arith.constant 0 : index
    %swap3A_38 = vector.load %arg8[%swap3A, %swap3A_37] : memref<2048x128xf32, #tpu.memory_space<vmem>>, vector<2048x128xf32>
    tpu.vector_store %arg8[%swap3A, %swap3A_37], %add3A_36 {strides = array<i32>} : memref<2048x128xf32, #tpu.memory_space<vmem>>, vector<2048x128xf32>,
    return
  }
  func.func @transform_0(%arg0: i32) -> (i32, i32) {
    %c0_i32 = arith.constant 0 : i32
    %c0_i32_0 = arith.constant 0 : i32
    return %arg0, %c0_i32 : i32, i32
  }
  func.func @transform_1(%arg0: i32) -> (i32, i32) {
    %c0_i32 = arith.constant 0 : i32
    %c0_i32_0 = arith.constant 0 : i32
    %c0_i32_1 = arith.constant 0 : i32
    return %c0_i32, %c0_i32_0 : i32, i32
  }
  func.func @transform_2(%arg0: i32) -> (i32, i32) {
    %c0_i32 = arith.constant 0 : i32
    %c0_i32_0 = arith.constant 0 : i32
    %c0_i32_1 = arith.constant 0 : i32
    return %c0_i32, %c0_i32_0 : i32, i32
  }
  func.func @transform_3(%arg0: i32) -> (i32, i32) {
    %c0_i32 = arith.constant 0 : i32
    %c0_i32_0 = arith.constant 0 : i32
    %c0_i32_1 = arith.constant 0 : i32
    return %c0_i32, %c0_i32_0 : i32, i32
  }
  func.func @transform_4(%arg0: i32) -> (i32, i32) {
    %c0_i32 = arith.constant 0 : i32
    %c0_i32_0 = arith.constant 0 : i32
    %c0_i32_1 = arith.constant 0 : i32
    return %c0_i32, %c0_i32_0 : i32, i32
  }
  func.func @transform_5(%arg0: i32) -> (i32, i32) {
    %c0_i32 = arith.constant 0 : i32
    %c0_i32_0 = arith.constant 0 : i32
    %c0_i32_1 = arith.constant 0 : i32
    return %c0_i32, %c0_i32_0 : i32, i32
  }
  func.func @transform_6(%arg0: i32) -> (i32, i32) {
    %c0_i32 = arith.constant 0 : i32
    %c0_i32_0 = arith.constant 0 : i32
    %c0_i32_1 = arith.constant 0 : i32
    return %c0_i32, %c0_i32_0 : i32, i32
  }
  func.func @transform_7(%arg0: i32) -> (i32, i32) {
    %c0_i32 = arith.constant 0 : i32
    %c0_i32_0 = arith.constant 0 : i32
    return %arg0, %c0_i32 : i32, i32
  }
}

module attributes {stable_mosaic.version = 14 : i64} {
  func.func @_edge_mega_body(%arg0: i32, %arg1: memref<2048x128xf32, #tpu.memory_space<vmem>>, %arg2: memref<2048x128xf32, #tpu.memory_space<vmem>>, %arg3: memref<128x128xf32, #tpu.memory_space<vmem>>, %arg4: memref<1x128xf32, #tpu.memory_space<vmem>>, %arg5: memref<128x128xf32, #tpu.memory_space<vmem>>, %arg6: memref<1x128xf32, #tpu.memory_space<vmem>>, %arg7: memref<128x128xf32, #tpu.memory_space<vmem>>, %arg8: memref<1x128xf32, #tpu.memory_space<vmem>>, %arg9: memref<128x128xf32, #tpu.memory_space<vmem>>, %arg10: memref<1x128xf32, #tpu.memory_space<vmem>>, %arg11: memref<128x128xf32, #tpu.memory_space<vmem>>, %arg12: memref<1x128xf32, #tpu.memory_space<vmem>>, %arg13: memref<128x128xf32, #tpu.memory_space<vmem>>, %arg14: memref<1x128xf32, #tpu.memory_space<vmem>>, %arg15: memref<128x128xf32, #tpu.memory_space<vmem>>, %arg16: memref<1x128xf32, #tpu.memory_space<vmem>>, %arg17: memref<2048x128xf32, #tpu.memory_space<vmem>>, %arg18: memref<2048x128xf32, #tpu.memory_space<vmem>>) attributes {dimension_semantics = [#tpu.dimension_semantics<arbitrary>], iteration_bounds = array<i64: 160>, scalar_prefetch = 0 : i64, scratch_operands = 0 : i64, tpu.core_type = #tpu.core_type<tc>, window_params = [{transform_indices = @transform_0, window_bounds = array<i64: 2048, 128>}, {transform_indices = @transform_1, window_bounds = array<i64: 2048, 128>}, {pipeline_mode = #tpu.pipeline_mode<synchronous>, transform_indices = @transform_2, window_bounds = array<i64: 128, 128>}, {pipeline_mode = #tpu.pipeline_mode<synchronous>, transform_indices = @transform_3, window_bounds = array<i64: 1, 128>}, {pipeline_mode = #tpu.pipeline_mode<synchronous>, transform_indices = @transform_4, window_bounds = array<i64: 128, 128>}, {pipeline_mode = #tpu.pipeline_mode<synchronous>, transform_indices = @transform_5, window_bounds = array<i64: 1, 128>}, {pipeline_mode = #tpu.pipeline_mode<synchronous>, transform_indices = @transform_6, window_bounds = array<i64: 128, 128>}, {pipeline_mode = #tpu.pipeline_mode<synchronous>, transform_indices = @transform_7, window_bounds = array<i64: 1, 128>}, {pipeline_mode = #tpu.pipeline_mode<synchronous>, transform_indices = @transform_8, window_bounds = array<i64: 128, 128>}, {pipeline_mode = #tpu.pipeline_mode<synchronous>, transform_indices = @transform_9, window_bounds = array<i64: 1, 128>}, {pipeline_mode = #tpu.pipeline_mode<synchronous>, transform_indices = @transform_10, window_bounds = array<i64: 128, 128>}, {pipeline_mode = #tpu.pipeline_mode<synchronous>, transform_indices = @transform_11, window_bounds = array<i64: 1, 128>}, {pipeline_mode = #tpu.pipeline_mode<synchronous>, transform_indices = @transform_12, window_bounds = array<i64: 128, 128>}, {pipeline_mode = #tpu.pipeline_mode<synchronous>, transform_indices = @transform_13, window_bounds = array<i64: 1, 128>}, {pipeline_mode = #tpu.pipeline_mode<synchronous>, transform_indices = @transform_14, window_bounds = array<i64: 128, 128>}, {pipeline_mode = #tpu.pipeline_mode<synchronous>, transform_indices = @transform_15, window_bounds = array<i64: 1, 128>}, {transform_indices = @transform_16, window_bounds = array<i64: 2048, 128>}, {transform_indices = @transform_17, window_bounds = array<i64: 2048, 128>}]} {
    %get3A = arith.constant 0 : index
    %get3A_0 = arith.constant 0 : index
    %get3A_1 = vector.load %arg1[%get3A, %get3A_0] : memref<2048x128xf32, #tpu.memory_space<vmem>>, vector<2048x128xf32>
    %get3A_2 = arith.constant 0 : index
    %get3A_3 = arith.constant 0 : index
    %get3A_4 = vector.load %arg2[%get3A_2, %get3A_3] : memref<2048x128xf32, #tpu.memory_space<vmem>>, vector<2048x128xf32>
    %add3A = arith.addf %get3A_1, %get3A_4 : vector<2048x128xf32>
    %max3A = arith.constant 0.000000e+00 : f32
    %max3A_5 = vector.broadcast %max3A : f32 to vector<2048x128xf32>
    %max3A_6 = arith.maximumf %add3A, %max3A_5 : vector<2048x128xf32>
    %get3A_7 = arith.constant 0 : index
    %get3A_8 = arith.constant 0 : index
    %get3A_9 = vector.load %arg3[%get3A_7, %get3A_8] : memref<128x128xf32, #tpu.memory_space<vmem>>, vector<128x128xf32>
    %dot_general3A = arith.constant dense<0.000000e+00> : vector<2048x128xf32>
    %dot_general3A_10 = tpu.matmul %max3A_6, %get3A_9, %dot_general3A {dimension_numbers = #tpu.dot_dimension_numbers<[1], [0], [0], [1], [0, 0, 1, 1], [], []>, transpose_lhs_hint = false} : vector<2048x128xf32>, vector<128x128xf32>, vector<2048x128xf32> -> vector<2048x128xf32>
    %get3A_11 = arith.constant 0 : index
    %get3A_12 = arith.constant 0 : index
    %get3A_13 = vector.load %arg4[%get3A_11, %get3A_12] : memref<1x128xf32, #tpu.memory_space<vmem>>, vector<1x128xf32>
    %add3A_14 = vector.broadcast %get3A_13 : vector<1x128xf32> to vector<2048x128xf32>
    %add3A_15 = arith.addf %dot_general3A_10, %add3A_14 : vector<2048x128xf32>
    %max3A_16 = arith.constant 0.000000e+00 : f32
    %max3A_17 = vector.broadcast %max3A_16 : f32 to vector<2048x128xf32>
    %max3A_18 = arith.maximumf %add3A_15, %max3A_17 : vector<2048x128xf32>
    %get3A_19 = arith.constant 0 : index
    %get3A_20 = arith.constant 0 : index
    %get3A_21 = vector.load %arg5[%get3A_19, %get3A_20] : memref<128x128xf32, #tpu.memory_space<vmem>>, vector<128x128xf32>
    %dot_general3A_22 = arith.constant dense<0.000000e+00> : vector<2048x128xf32>
    %dot_general3A_23 = tpu.matmul %max3A_18, %get3A_21, %dot_general3A_22 {dimension_numbers = #tpu.dot_dimension_numbers<[1], [0], [0], [1], [0, 0, 1, 1], [], []>, transpose_lhs_hint = false} : vector<2048x128xf32>, vector<128x128xf32>, vector<2048x128xf32> -> vector<2048x128xf32>
    %get3A_24 = arith.constant 0 : index
    %get3A_25 = arith.constant 0 : index
    %get3A_26 = vector.load %arg6[%get3A_24, %get3A_25] : memref<1x128xf32, #tpu.memory_space<vmem>>, vector<1x128xf32>
    %add3A_27 = vector.broadcast %get3A_26 : vector<1x128xf32> to vector<2048x128xf32>
    %add3A_28 = arith.addf %dot_general3A_23, %add3A_27 : vector<2048x128xf32>
    %swap3A = arith.constant 0 : index
    %swap3A_29 = arith.constant 0 : index
    %swap3A_30 = vector.load %arg17[%swap3A, %swap3A_29] : memref<2048x128xf32, #tpu.memory_space<vmem>>, vector<2048x128xf32>
    tpu.vector_store %arg17[%swap3A, %swap3A_29], %add3A_28 {strides = array<i32>} : memref<2048x128xf32, #tpu.memory_space<vmem>>, vector<2048x128xf32>,
    %get3A_31 = arith.constant 0 : index
    %get3A_32 = arith.constant 0 : index
    %get3A_33 = vector.load %arg7[%get3A_31, %get3A_32] : memref<128x128xf32, #tpu.memory_space<vmem>>, vector<128x128xf32>
    %dot_general3A_34 = arith.constant dense<0.000000e+00> : vector<2048x128xf32>
    %dot_general3A_35 = tpu.matmul %add3A_28, %get3A_33, %dot_general3A_34 {dimension_numbers = #tpu.dot_dimension_numbers<[1], [0], [0], [1], [0, 0, 1, 1], [], []>, transpose_lhs_hint = false} : vector<2048x128xf32>, vector<128x128xf32>, vector<2048x128xf32> -> vector<2048x128xf32>
    %get3A_36 = arith.constant 0 : index
    %get3A_37 = arith.constant 0 : index
    %get3A_38 = vector.load %arg8[%get3A_36, %get3A_37] : memref<1x128xf32, #tpu.memory_space<vmem>>, vector<1x128xf32>
    %add3A_39 = vector.broadcast %get3A_38 : vector<1x128xf32> to vector<2048x128xf32>
    %add3A_40 = arith.addf %dot_general3A_35, %add3A_39 : vector<2048x128xf32>
    %max3A_41 = arith.constant 0.000000e+00 : f32
    %max3A_42 = vector.broadcast %max3A_41 : f32 to vector<2048x128xf32>
    %max3A_43 = arith.maximumf %add3A_40, %max3A_42 : vector<2048x128xf32>
    %get3A_44 = arith.constant 0 : index
    %get3A_45 = arith.constant 0 : index
    %get3A_46 = vector.load %arg9[%get3A_44, %get3A_45] : memref<128x128xf32, #tpu.memory_space<vmem>>, vector<128x128xf32>
    %dot_general3A_47 = arith.constant dense<0.000000e+00> : vector<2048x128xf32>
    %dot_general3A_48 = tpu.matmul %max3A_43, %get3A_46, %dot_general3A_47 {dimension_numbers = #tpu.dot_dimension_numbers<[1], [0], [0], [1], [0, 0, 1, 1], [], []>, transpose_lhs_hint = false} : vector<2048x128xf32>, vector<128x128xf32>, vector<2048x128xf32> -> vector<2048x128xf32>
    %get3A_49 = arith.constant 0 : index
    %get3A_50 = arith.constant 0 : index
    %get3A_51 = vector.load %arg10[%get3A_49, %get3A_50] : memref<1x128xf32, #tpu.memory_space<vmem>>, vector<1x128xf32>
    %add3A_52 = vector.broadcast %get3A_51 : vector<1x128xf32> to vector<2048x128xf32>
    %add3A_53 = arith.addf %dot_general3A_48, %add3A_52 : vector<2048x128xf32>
    %max3A_54 = arith.constant 0.000000e+00 : f32
    %max3A_55 = vector.broadcast %max3A_54 : f32 to vector<2048x128xf32>
    %max3A_56 = arith.maximumf %add3A_53, %max3A_55 : vector<2048x128xf32>
    %get3A_57 = arith.constant 0 : index
    %get3A_58 = arith.constant 0 : index
    %get3A_59 = vector.load %arg11[%get3A_57, %get3A_58] : memref<128x128xf32, #tpu.memory_space<vmem>>, vector<128x128xf32>
    %dot_general3A_60 = arith.constant dense<0.000000e+00> : vector<2048x128xf32>
    %dot_general3A_61 = tpu.matmul %max3A_56, %get3A_59, %dot_general3A_60 {dimension_numbers = #tpu.dot_dimension_numbers<[1], [0], [0], [1], [0, 0, 1, 1], [], []>, transpose_lhs_hint = false} : vector<2048x128xf32>, vector<128x128xf32>, vector<2048x128xf32> -> vector<2048x128xf32>
    %get3A_62 = arith.constant 0 : index
    %get3A_63 = arith.constant 0 : index
    %get3A_64 = vector.load %arg12[%get3A_62, %get3A_63] : memref<1x128xf32, #tpu.memory_space<vmem>>, vector<1x128xf32>
    %add3A_65 = vector.broadcast %get3A_64 : vector<1x128xf32> to vector<2048x128xf32>
    %add3A_66 = arith.addf %dot_general3A_61, %add3A_65 : vector<2048x128xf32>
    %get3A_67 = arith.constant 0 : index
    %get3A_68 = arith.constant 0 : index
    %get3A_69 = vector.load %arg13[%get3A_67, %get3A_68] : memref<128x128xf32, #tpu.memory_space<vmem>>, vector<128x128xf32>
    %dot_general3A_70 = arith.constant dense<0.000000e+00> : vector<2048x128xf32>
    %dot_general3A_71 = tpu.matmul %add3A_66, %get3A_69, %dot_general3A_70 {dimension_numbers = #tpu.dot_dimension_numbers<[1], [0], [0], [1], [0, 0, 1, 1], [], []>, transpose_lhs_hint = false} : vector<2048x128xf32>, vector<128x128xf32>, vector<2048x128xf32> -> vector<2048x128xf32>
    %get3A_72 = arith.constant 0 : index
    %get3A_73 = arith.constant 0 : index
    %get3A_74 = vector.load %arg14[%get3A_72, %get3A_73] : memref<1x128xf32, #tpu.memory_space<vmem>>, vector<1x128xf32>
    %add3A_75 = vector.broadcast %get3A_74 : vector<1x128xf32> to vector<2048x128xf32>
    %add3A_76 = arith.addf %dot_general3A_71, %add3A_75 : vector<2048x128xf32>
    %swap3A_77 = arith.constant 0 : index
    %swap3A_78 = arith.constant 0 : index
    %swap3A_79 = vector.load %arg18[%swap3A_77, %swap3A_78] : memref<2048x128xf32, #tpu.memory_space<vmem>>, vector<2048x128xf32>
    tpu.vector_store %arg18[%swap3A_77, %swap3A_78], %add3A_76 {strides = array<i32>} : memref<2048x128xf32, #tpu.memory_space<vmem>>, vector<2048x128xf32>,
    return
  }
  func.func @transform_0(%arg0: i32) -> (i32, i32) {
    %c0_i32 = arith.constant 0 : i32
    %c0_i32_0 = arith.constant 0 : i32
    return %arg0, %c0_i32 : i32, i32
  }
  func.func @transform_1(%arg0: i32) -> (i32, i32) {
    %c0_i32 = arith.constant 0 : i32
    %c0_i32_0 = arith.constant 0 : i32
    return %arg0, %c0_i32 : i32, i32
  }
  func.func @transform_2(%arg0: i32) -> (i32, i32) {
    %c0_i32 = arith.constant 0 : i32
    %c0_i32_0 = arith.constant 0 : i32
    %c0_i32_1 = arith.constant 0 : i32
    return %c0_i32, %c0_i32_0 : i32, i32
  }
  func.func @transform_3(%arg0: i32) -> (i32, i32) {
    %c0_i32 = arith.constant 0 : i32
    %c0_i32_0 = arith.constant 0 : i32
    %c0_i32_1 = arith.constant 0 : i32
    return %c0_i32, %c0_i32_0 : i32, i32
  }
  func.func @transform_4(%arg0: i32) -> (i32, i32) {
    %c0_i32 = arith.constant 0 : i32
    %c0_i32_0 = arith.constant 0 : i32
    %c0_i32_1 = arith.constant 0 : i32
    return %c0_i32, %c0_i32_0 : i32, i32
  }
  func.func @transform_5(%arg0: i32) -> (i32, i32) {
    %c0_i32 = arith.constant 0 : i32
    %c0_i32_0 = arith.constant 0 : i32
    %c0_i32_1 = arith.constant 0 : i32
    return %c0_i32, %c0_i32_0 : i32, i32
  }
  func.func @transform_6(%arg0: i32) -> (i32, i32) {
    %c0_i32 = arith.constant 0 : i32
    %c0_i32_0 = arith.constant 0 : i32
    %c0_i32_1 = arith.constant 0 : i32
    return %c0_i32, %c0_i32_0 : i32, i32
  }
  func.func @transform_7(%arg0: i32) -> (i32, i32) {
    %c0_i32 = arith.constant 0 : i32
    %c0_i32_0 = arith.constant 0 : i32
    %c0_i32_1 = arith.constant 0 : i32
    return %c0_i32, %c0_i32_0 : i32, i32
  }
  func.func @transform_8(%arg0: i32) -> (i32, i32) {
    %c0_i32 = arith.constant 0 : i32
    %c0_i32_0 = arith.constant 0 : i32
    %c0_i32_1 = arith.constant 0 : i32
    return %c0_i32, %c0_i32_0 : i32, i32
  }
  func.func @transform_9(%arg0: i32) -> (i32, i32) {
    %c0_i32 = arith.constant 0 : i32
    %c0_i32_0 = arith.constant 0 : i32
    %c0_i32_1 = arith.constant 0 : i32
    return %c0_i32, %c0_i32_0 : i32, i32
  }
  func.func @transform_10(%arg0: i32) -> (i32, i32) {
    %c0_i32 = arith.constant 0 : i32
    %c0_i32_0 = arith.constant 0 : i32
    %c0_i32_1 = arith.constant 0 : i32
    return %c0_i32, %c0_i32_0 : i32, i32
  }
  func.func @transform_11(%arg0: i32) -> (i32, i32) {
    %c0_i32 = arith.constant 0 : i32
    %c0_i32_0 = arith.constant 0 : i32
    %c0_i32_1 = arith.constant 0 : i32
    return %c0_i32, %c0_i32_0 : i32, i32
  }
  func.func @transform_12(%arg0: i32) -> (i32, i32) {
    %c0_i32 = arith.constant 0 : i32
    %c0_i32_0 = arith.constant 0 : i32
    %c0_i32_1 = arith.constant 0 : i32
    return %c0_i32, %c0_i32_0 : i32, i32
  }
  func.func @transform_13(%arg0: i32) -> (i32, i32) {
    %c0_i32 = arith.constant 0 : i32
    %c0_i32_0 = arith.constant 0 : i32
    %c0_i32_1 = arith.constant 0 : i32
    return %c0_i32, %c0_i32_0 : i32, i32
  }
  func.func @transform_14(%arg0: i32) -> (i32, i32) {
    %c0_i32 = arith.constant 0 : i32
    %c0_i32_0 = arith.constant 0 : i32
    %c0_i32_1 = arith.constant 0 : i32
    return %c0_i32, %c0_i32_0 : i32, i32
  }
  func.func @transform_15(%arg0: i32) -> (i32, i32) {
    %c0_i32 = arith.constant 0 : i32
    %c0_i32_0 = arith.constant 0 : i32
    %c0_i32_1 = arith.constant 0 : i32
    return %c0_i32, %c0_i32_0 : i32, i32
  }
  func.func @transform_16(%arg0: i32) -> (i32, i32) {
    %c0_i32 = arith.constant 0 : i32
    %c0_i32_0 = arith.constant 0 : i32
    return %arg0, %c0_i32 : i32, i32
  }
  func.func @transform_17(%arg0: i32) -> (i32, i32) {
    %c0_i32 = arith.constant 0 : i32
    %c0_i32_0 = arith.constant 0 : i32
    return %arg0, %c0_i32 : i32, i32
  }
}

module attributes {stable_mosaic.version = 14 : i64} {
  func.func @_node_fn_body(%arg0: i32, %arg1: memref<1024x128xf32, #tpu.memory_space<vmem>>, %arg2: memref<1024x128xf32, #tpu.memory_space<vmem>>, %arg3: memref<1024x128xf32, #tpu.memory_space<vmem>>, %arg4: memref<128x128xf32, #tpu.memory_space<vmem>>, %arg5: memref<128x128xf32, #tpu.memory_space<vmem>>, %arg6: memref<1x128xf32, #tpu.memory_space<vmem>>, %arg7: memref<128x128xf32, #tpu.memory_space<vmem>>, %arg8: memref<1x128xf32, #tpu.memory_space<vmem>>, %arg9: memref<128x128xf32, #tpu.memory_space<vmem>>, %arg10: memref<1x128xf32, #tpu.memory_space<vmem>>, %arg11: memref<128x128xf32, #tpu.memory_space<vmem>>, %arg12: memref<1x128xf32, #tpu.memory_space<vmem>>, %arg13: memref<128x128xf32, #tpu.memory_space<vmem>>, %arg14: memref<1x128xf32, #tpu.memory_space<vmem>>, %arg15: memref<1024x128xf32, #tpu.memory_space<vmem>>, %arg16: memref<1024x128xf32, #tpu.memory_space<vmem>>, %arg17: memref<1024x128xf32, #tpu.memory_space<vmem>>) attributes {dimension_semantics = [#tpu.dimension_semantics<arbitrary>], iteration_bounds = array<i64: 10>, scalar_prefetch = 0 : i64, scratch_operands = 0 : i64, tpu.core_type = #tpu.core_type<tc>, window_params = [{transform_indices = @transform_0, window_bounds = array<i64: 1024, 128>}, {transform_indices = @transform_1, window_bounds = array<i64: 1024, 128>}, {transform_indices = @transform_2, window_bounds = array<i64: 1024, 128>}, {pipeline_mode = #tpu.pipeline_mode<synchronous>, transform_indices = @transform_3, window_bounds = array<i64: 128, 128>}, {pipeline_mode = #tpu.pipeline_mode<synchronous>, transform_indices = @transform_4, window_bounds = array<i64: 128, 128>}, {pipeline_mode = #tpu.pipeline_mode<synchronous>, transform_indices = @transform_5, window_bounds = array<i64: 1, 128>}, {pipeline_mode = #tpu.pipeline_mode<synchronous>, transform_indices = @transform_6, window_bounds = array<i64: 128, 128>}, {pipeline_mode = #tpu.pipeline_mode<synchronous>, transform_indices = @transform_7, window_bounds = array<i64: 1, 128>}, {pipeline_mode = #tpu.pipeline_mode<synchronous>, transform_indices = @transform_8, window_bounds = array<i64: 128, 128>}, {pipeline_mode = #tpu.pipeline_mode<synchronous>, transform_indices = @transform_9, window_bounds = array<i64: 1, 128>}, {pipeline_mode = #tpu.pipeline_mode<synchronous>, transform_indices = @transform_10, window_bounds = array<i64: 128, 128>}, {pipeline_mode = #tpu.pipeline_mode<synchronous>, transform_indices = @transform_11, window_bounds = array<i64: 1, 128>}, {pipeline_mode = #tpu.pipeline_mode<synchronous>, transform_indices = @transform_12, window_bounds = array<i64: 128, 128>}, {pipeline_mode = #tpu.pipeline_mode<synchronous>, transform_indices = @transform_13, window_bounds = array<i64: 1, 128>}, {transform_indices = @transform_14, window_bounds = array<i64: 1024, 128>}, {transform_indices = @transform_15, window_bounds = array<i64: 1024, 128>}, {transform_indices = @transform_16, window_bounds = array<i64: 1024, 128>}]} {
    %get3A = arith.constant 0 : index
    %get3A_0 = arith.constant 0 : index
    %get3A_1 = vector.load %arg2[%get3A, %get3A_0] : memref<1024x128xf32, #tpu.memory_space<vmem>>, vector<1024x128xf32>
    %get3A_2 = arith.constant 0 : index
    %get3A_3 = arith.constant 0 : index
    %get3A_4 = vector.load %arg3[%get3A_2, %get3A_3] : memref<1024x128xf32, #tpu.memory_space<vmem>>, vector<1024x128xf32>
    %add3A = arith.addf %get3A_1, %get3A_4 : vector<1024x128xf32>
    %get3A_5 = arith.constant 0 : index
    %get3A_6 = arith.constant 0 : index
    %get3A_7 = vector.load %arg1[%get3A_5, %get3A_6] : memref<1024x128xf32, #tpu.memory_space<vmem>>, vector<1024x128xf32>
    %get3A_8 = arith.constant 0 : index
    %get3A_9 = arith.constant 0 : index
    %get3A_10 = vector.load %arg4[%get3A_8, %get3A_9] : memref<128x128xf32, #tpu.memory_space<vmem>>, vector<128x128xf32>
    %dot_general3A = arith.constant dense<0.000000e+00> : vector<1024x128xf32>
    %dot_general3A_11 = tpu.matmul %get3A_7, %get3A_10, %dot_general3A {dimension_numbers = #tpu.dot_dimension_numbers<[1], [0], [0], [1], [0, 0, 1, 1], [], []>, transpose_lhs_hint = false} : vector<1024x128xf32>, vector<128x128xf32>, vector<1024x128xf32> -> vector<1024x128xf32>
    %get3A_12 = arith.constant 0 : index
    %get3A_13 = arith.constant 0 : index
    %get3A_14 = vector.load %arg5[%get3A_12, %get3A_13] : memref<128x128xf32, #tpu.memory_space<vmem>>, vector<128x128xf32>
    %dot_general3A_15 = arith.constant dense<0.000000e+00> : vector<1024x128xf32>
    %dot_general3A_16 = tpu.matmul %add3A, %get3A_14, %dot_general3A_15 {dimension_numbers = #tpu.dot_dimension_numbers<[1], [0], [0], [1], [0, 0, 1, 1], [], []>, transpose_lhs_hint = false} : vector<1024x128xf32>, vector<128x128xf32>, vector<1024x128xf32> -> vector<1024x128xf32>
    %add3A_17 = arith.addf %dot_general3A_11, %dot_general3A_16 : vector<1024x128xf32>
    %get3A_18 = arith.constant 0 : index
    %get3A_19 = arith.constant 0 : index
    %get3A_20 = vector.load %arg6[%get3A_18, %get3A_19] : memref<1x128xf32, #tpu.memory_space<vmem>>, vector<1x128xf32>
    %add3A_21 = vector.broadcast %get3A_20 : vector<1x128xf32> to vector<1024x128xf32>
    %add3A_22 = arith.addf %add3A_17, %add3A_21 : vector<1024x128xf32>
    %max3A = arith.constant 0.000000e+00 : f32
    %max3A_23 = vector.broadcast %max3A : f32 to vector<1024x128xf32>
    %max3A_24 = arith.maximumf %add3A_22, %max3A_23 : vector<1024x128xf32>
    %get3A_25 = arith.constant 0 : index
    %get3A_26 = arith.constant 0 : index
    %get3A_27 = vector.load %arg7[%get3A_25, %get3A_26] : memref<128x128xf32, #tpu.memory_space<vmem>>, vector<128x128xf32>
    %dot_general3A_28 = arith.constant dense<0.000000e+00> : vector<1024x128xf32>
    %dot_general3A_29 = tpu.matmul %max3A_24, %get3A_27, %dot_general3A_28 {dimension_numbers = #tpu.dot_dimension_numbers<[1], [0], [0], [1], [0, 0, 1, 1], [], []>, transpose_lhs_hint = false} : vector<1024x128xf32>, vector<128x128xf32>, vector<1024x128xf32> -> vector<1024x128xf32>
    %get3A_30 = arith.constant 0 : index
    %get3A_31 = arith.constant 0 : index
    %get3A_32 = vector.load %arg8[%get3A_30, %get3A_31] : memref<1x128xf32, #tpu.memory_space<vmem>>, vector<1x128xf32>
    %add3A_33 = vector.broadcast %get3A_32 : vector<1x128xf32> to vector<1024x128xf32>
    %add3A_34 = arith.addf %dot_general3A_29, %add3A_33 : vector<1024x128xf32>
    %max3A_35 = arith.constant 0.000000e+00 : f32
    %max3A_36 = vector.broadcast %max3A_35 : f32 to vector<1024x128xf32>
    %max3A_37 = arith.maximumf %add3A_34, %max3A_36 : vector<1024x128xf32>
    %get3A_38 = arith.constant 0 : index
    %get3A_39 = arith.constant 0 : index
    %get3A_40 = vector.load %arg9[%get3A_38, %get3A_39] : memref<128x128xf32, #tpu.memory_space<vmem>>, vector<128x128xf32>
    %dot_general3A_41 = arith.constant dense<0.000000e+00> : vector<1024x128xf32>
    %dot_general3A_42 = tpu.matmul %max3A_37, %get3A_40, %dot_general3A_41 {dimension_numbers = #tpu.dot_dimension_numbers<[1], [0], [0], [1], [0, 0, 1, 1], [], []>, transpose_lhs_hint = false} : vector<1024x128xf32>, vector<128x128xf32>, vector<1024x128xf32> -> vector<1024x128xf32>
    %get3A_43 = arith.constant 0 : index
    %get3A_44 = arith.constant 0 : index
    %get3A_45 = vector.load %arg10[%get3A_43, %get3A_44] : memref<1x128xf32, #tpu.memory_space<vmem>>, vector<1x128xf32>
    %add3A_46 = vector.broadcast %get3A_45 : vector<1x128xf32> to vector<1024x128xf32>
    %add3A_47 = arith.addf %dot_general3A_42, %add3A_46 : vector<1024x128xf32>
    %swap3A = arith.constant 0 : index
    %swap3A_48 = arith.constant 0 : index
    %swap3A_49 = vector.load %arg15[%swap3A, %swap3A_48] : memref<1024x128xf32, #tpu.memory_space<vmem>>, vector<1024x128xf32>
    tpu.vector_store %arg15[%swap3A, %swap3A_48], %add3A_47 {strides = array<i32>} : memref<1024x128xf32, #tpu.memory_space<vmem>>, vector<1024x128xf32>,
    %get3A_50 = arith.constant 0 : index
    %get3A_51 = arith.constant 0 : index
    %get3A_52 = vector.load %arg11[%get3A_50, %get3A_51] : memref<128x128xf32, #tpu.memory_space<vmem>>, vector<128x128xf32>
    %dot_general3A_53 = arith.constant dense<0.000000e+00> : vector<1024x128xf32>
    %dot_general3A_54 = tpu.matmul %add3A_47, %get3A_52, %dot_general3A_53 {dimension_numbers = #tpu.dot_dimension_numbers<[1], [0], [0], [1], [0, 0, 1, 1], [], []>, transpose_lhs_hint = false} : vector<1024x128xf32>, vector<128x128xf32>, vector<1024x128xf32> -> vector<1024x128xf32>
    %swap3A_55 = arith.constant 0 : index
    %swap3A_56 = arith.constant 0 : index
    %swap3A_57 = vector.load %arg16[%swap3A_55, %swap3A_56] : memref<1024x128xf32, #tpu.memory_space<vmem>>, vector<1024x128xf32>
    tpu.vector_store %arg16[%swap3A_55, %swap3A_56], %dot_general3A_54 {strides = array<i32>} : memref<1024x128xf32, #tpu.memory_space<vmem>>, vector<1024x128xf32>,
    %get3A_58 = arith.constant 0 : index
    %get3A_59 = arith.constant 0 : index
    %get3A_60 = vector.load %arg13[%get3A_58, %get3A_59] : memref<128x128xf32, #tpu.memory_space<vmem>>, vector<128x128xf32>
    %dot_general3A_61 = arith.constant dense<0.000000e+00> : vector<1024x128xf32>
    %dot_general3A_62 = tpu.matmul %add3A_47, %get3A_60, %dot_general3A_61 {dimension_numbers = #tpu.dot_dimension_numbers<[1], [0], [0], [1], [0, 0, 1, 1], [], []>, transpose_lhs_hint = false} : vector<1024x128xf32>, vector<128x128xf32>, vector<1024x128xf32> -> vector<1024x128xf32>
    %swap3A_63 = arith.constant 0 : index
    %swap3A_64 = arith.constant 0 : index
    %swap3A_65 = vector.load %arg17[%swap3A_63, %swap3A_64] : memref<1024x128xf32, #tpu.memory_space<vmem>>, vector<1024x128xf32>
    tpu.vector_store %arg17[%swap3A_63, %swap3A_64], %dot_general3A_62 {strides = array<i32>} : memref<1024x128xf32, #tpu.memory_space<vmem>>, vector<1024x128xf32>,
    return
  }
  func.func @transform_0(%arg0: i32) -> (i32, i32) {
    %c0_i32 = arith.constant 0 : i32
    %c0_i32_0 = arith.constant 0 : i32
    return %arg0, %c0_i32 : i32, i32
  }
  func.func @transform_1(%arg0: i32) -> (i32, i32) {
    %c0_i32 = arith.constant 0 : i32
    %c0_i32_0 = arith.constant 0 : i32
    return %arg0, %c0_i32 : i32, i32
  }
  func.func @transform_2(%arg0: i32) -> (i32, i32) {
    %c0_i32 = arith.constant 0 : i32
    %c0_i32_0 = arith.constant 0 : i32
    return %arg0, %c0_i32 : i32, i32
  }
  func.func @transform_3(%arg0: i32) -> (i32, i32) {
    %c0_i32 = arith.constant 0 : i32
    %c0_i32_0 = arith.constant 0 : i32
    %c0_i32_1 = arith.constant 0 : i32
    return %c0_i32, %c0_i32_0 : i32, i32
  }
  func.func @transform_4(%arg0: i32) -> (i32, i32) {
    %c0_i32 = arith.constant 0 : i32
    %c0_i32_0 = arith.constant 0 : i32
    %c0_i32_1 = arith.constant 0 : i32
    return %c0_i32, %c0_i32_0 : i32, i32
  }
  func.func @transform_5(%arg0: i32) -> (i32, i32) {
    %c0_i32 = arith.constant 0 : i32
    %c0_i32_0 = arith.constant 0 : i32
    %c0_i32_1 = arith.constant 0 : i32
    return %c0_i32, %c0_i32_0 : i32, i32
  }
  func.func @transform_6(%arg0: i32) -> (i32, i32) {
    %c0_i32 = arith.constant 0 : i32
    %c0_i32_0 = arith.constant 0 : i32
    %c0_i32_1 = arith.constant 0 : i32
    return %c0_i32, %c0_i32_0 : i32, i32
  }
  func.func @transform_7(%arg0: i32) -> (i32, i32) {
    %c0_i32 = arith.constant 0 : i32
    %c0_i32_0 = arith.constant 0 : i32
    %c0_i32_1 = arith.constant 0 : i32
    return %c0_i32, %c0_i32_0 : i32, i32
  }
  func.func @transform_8(%arg0: i32) -> (i32, i32) {
    %c0_i32 = arith.constant 0 : i32
    %c0_i32_0 = arith.constant 0 : i32
    %c0_i32_1 = arith.constant 0 : i32
    return %c0_i32, %c0_i32_0 : i32, i32
  }
  func.func @transform_9(%arg0: i32) -> (i32, i32) {
    %c0_i32 = arith.constant 0 : i32
    %c0_i32_0 = arith.constant 0 : i32
    %c0_i32_1 = arith.constant 0 : i32
    return %c0_i32, %c0_i32_0 : i32, i32
  }
  func.func @transform_10(%arg0: i32) -> (i32, i32) {
    %c0_i32 = arith.constant 0 : i32
    %c0_i32_0 = arith.constant 0 : i32
    %c0_i32_1 = arith.constant 0 : i32
    return %c0_i32, %c0_i32_0 : i32, i32
  }
  func.func @transform_11(%arg0: i32) -> (i32, i32) {
    %c0_i32 = arith.constant 0 : i32
    %c0_i32_0 = arith.constant 0 : i32
    %c0_i32_1 = arith.constant 0 : i32
    return %c0_i32, %c0_i32_0 : i32, i32
  }
  func.func @transform_12(%arg0: i32) -> (i32, i32) {
    %c0_i32 = arith.constant 0 : i32
    %c0_i32_0 = arith.constant 0 : i32
    %c0_i32_1 = arith.constant 0 : i32
    return %c0_i32, %c0_i32_0 : i32, i32
  }
  func.func @transform_13(%arg0: i32) -> (i32, i32) {
    %c0_i32 = arith.constant 0 : i32
    %c0_i32_0 = arith.constant 0 : i32
    %c0_i32_1 = arith.constant 0 : i32
    return %c0_i32, %c0_i32_0 : i32, i32
  }
  func.func @transform_14(%arg0: i32) -> (i32, i32) {
    %c0_i32 = arith.constant 0 : i32
    %c0_i32_0 = arith.constant 0 : i32
    return %arg0, %c0_i32 : i32, i32
  }
  func.func @transform_15(%arg0: i32) -> (i32, i32) {
    %c0_i32 = arith.constant 0 : i32
    %c0_i32_0 = arith.constant 0 : i32
    return %arg0, %c0_i32 : i32, i32
  }
  func.func @transform_16(%arg0: i32) -> (i32, i32) {
    %c0_i32 = arith.constant 0 : i32
    %c0_i32_0 = arith.constant 0 : i32
    return %arg0, %c0_i32 : i32, i32
  }
}

module attributes {stable_mosaic.version = 14 : i64} {
  func.func @_edge_mega_body(%arg0: i32, %arg1: memref<2048x128xf32, #tpu.memory_space<vmem>>, %arg2: memref<2048x128xf32, #tpu.memory_space<vmem>>, %arg3: memref<128x128xf32, #tpu.memory_space<vmem>>, %arg4: memref<1x128xf32, #tpu.memory_space<vmem>>, %arg5: memref<128x128xf32, #tpu.memory_space<vmem>>, %arg6: memref<1x128xf32, #tpu.memory_space<vmem>>, %arg7: memref<128x128xf32, #tpu.memory_space<vmem>>, %arg8: memref<1x128xf32, #tpu.memory_space<vmem>>, %arg9: memref<128x128xf32, #tpu.memory_space<vmem>>, %arg10: memref<1x128xf32, #tpu.memory_space<vmem>>, %arg11: memref<128x128xf32, #tpu.memory_space<vmem>>, %arg12: memref<1x128xf32, #tpu.memory_space<vmem>>, %arg13: memref<128x128xf32, #tpu.memory_space<vmem>>, %arg14: memref<1x128xf32, #tpu.memory_space<vmem>>, %arg15: memref<128x4xf32, #tpu.memory_space<vmem>>, %arg16: memref<1x4xf32, #tpu.memory_space<vmem>>, %arg17: memref<2048x128xf32, #tpu.memory_space<vmem>>, %arg18: memref<2048x4xf32, #tpu.memory_space<vmem>>) attributes {dimension_semantics = [#tpu.dimension_semantics<arbitrary>], iteration_bounds = array<i64: 160>, scalar_prefetch = 0 : i64, scratch_operands = 0 : i64, tpu.core_type = #tpu.core_type<tc>, window_params = [{transform_indices = @transform_0, window_bounds = array<i64: 2048, 128>}, {transform_indices = @transform_1, window_bounds = array<i64: 2048, 128>}, {pipeline_mode = #tpu.pipeline_mode<synchronous>, transform_indices = @transform_2, window_bounds = array<i64: 128, 128>}, {pipeline_mode = #tpu.pipeline_mode<synchronous>, transform_indices = @transform_3, window_bounds = array<i64: 1, 128>}, {pipeline_mode = #tpu.pipeline_mode<synchronous>, transform_indices = @transform_4, window_bounds = array<i64: 128, 128>}, {pipeline_mode = #tpu.pipeline_mode<synchronous>, transform_indices = @transform_5, window_bounds = array<i64: 1, 128>}, {pipeline_mode = #tpu.pipeline_mode<synchronous>, transform_indices = @transform_6, window_bounds = array<i64: 128, 128>}, {pipeline_mode = #tpu.pipeline_mode<synchronous>, transform_indices = @transform_7, window_bounds = array<i64: 1, 128>}, {pipeline_mode = #tpu.pipeline_mode<synchronous>, transform_indices = @transform_8, window_bounds = array<i64: 128, 128>}, {pipeline_mode = #tpu.pipeline_mode<synchronous>, transform_indices = @transform_9, window_bounds = array<i64: 1, 128>}, {pipeline_mode = #tpu.pipeline_mode<synchronous>, transform_indices = @transform_10, window_bounds = array<i64: 128, 128>}, {pipeline_mode = #tpu.pipeline_mode<synchronous>, transform_indices = @transform_11, window_bounds = array<i64: 1, 128>}, {pipeline_mode = #tpu.pipeline_mode<synchronous>, transform_indices = @transform_12, window_bounds = array<i64: 128, 128>}, {pipeline_mode = #tpu.pipeline_mode<synchronous>, transform_indices = @transform_13, window_bounds = array<i64: 1, 128>}, {pipeline_mode = #tpu.pipeline_mode<synchronous>, transform_indices = @transform_14, window_bounds = array<i64: 128, 4>}, {pipeline_mode = #tpu.pipeline_mode<synchronous>, transform_indices = @transform_15, window_bounds = array<i64: 1, 4>}, {transform_indices = @transform_16, window_bounds = array<i64: 2048, 128>}, {transform_indices = @transform_17, window_bounds = array<i64: 2048, 4>}]} {
    %get3A = arith.constant 0 : index
    %get3A_0 = arith.constant 0 : index
    %get3A_1 = vector.load %arg1[%get3A, %get3A_0] : memref<2048x128xf32, #tpu.memory_space<vmem>>, vector<2048x128xf32>
    %get3A_2 = arith.constant 0 : index
    %get3A_3 = arith.constant 0 : index
    %get3A_4 = vector.load %arg2[%get3A_2, %get3A_3] : memref<2048x128xf32, #tpu.memory_space<vmem>>, vector<2048x128xf32>
    %add3A = arith.addf %get3A_1, %get3A_4 : vector<2048x128xf32>
    %max3A = arith.constant 0.000000e+00 : f32
    %max3A_5 = vector.broadcast %max3A : f32 to vector<2048x128xf32>
    %max3A_6 = arith.maximumf %add3A, %max3A_5 : vector<2048x128xf32>
    %get3A_7 = arith.constant 0 : index
    %get3A_8 = arith.constant 0 : index
    %get3A_9 = vector.load %arg3[%get3A_7, %get3A_8] : memref<128x128xf32, #tpu.memory_space<vmem>>, vector<128x128xf32>
    %dot_general3A = arith.constant dense<0.000000e+00> : vector<2048x128xf32>
    %dot_general3A_10 = tpu.matmul %max3A_6, %get3A_9, %dot_general3A {dimension_numbers = #tpu.dot_dimension_numbers<[1], [0], [0], [1], [0, 0, 1, 1], [], []>, transpose_lhs_hint = false} : vector<2048x128xf32>, vector<128x128xf32>, vector<2048x128xf32> -> vector<2048x128xf32>
    %get3A_11 = arith.constant 0 : index
    %get3A_12 = arith.constant 0 : index
    %get3A_13 = vector.load %arg4[%get3A_11, %get3A_12] : memref<1x128xf32, #tpu.memory_space<vmem>>, vector<1x128xf32>
    %add3A_14 = vector.broadcast %get3A_13 : vector<1x128xf32> to vector<2048x128xf32>
    %add3A_15 = arith.addf %dot_general3A_10, %add3A_14 : vector<2048x128xf32>
    %max3A_16 = arith.constant 0.000000e+00 : f32
    %max3A_17 = vector.broadcast %max3A_16 : f32 to vector<2048x128xf32>
    %max3A_18 = arith.maximumf %add3A_15, %max3A_17 : vector<2048x128xf32>
    %get3A_19 = arith.constant 0 : index
    %get3A_20 = arith.constant 0 : index
    %get3A_21 = vector.load %arg5[%get3A_19, %get3A_20] : memref<128x128xf32, #tpu.memory_space<vmem>>, vector<128x128xf32>
    %dot_general3A_22 = arith.constant dense<0.000000e+00> : vector<2048x128xf32>
    %dot_general3A_23 = tpu.matmul %max3A_18, %get3A_21, %dot_general3A_22 {dimension_numbers = #tpu.dot_dimension_numbers<[1], [0], [0], [1], [0, 0, 1, 1], [], []>, transpose_lhs_hint = false} : vector<2048x128xf32>, vector<128x128xf32>, vector<2048x128xf32> -> vector<2048x128xf32>
    %get3A_24 = arith.constant 0 : index
    %get3A_25 = arith.constant 0 : index
    %get3A_26 = vector.load %arg6[%get3A_24, %get3A_25] : memref<1x128xf32, #tpu.memory_space<vmem>>, vector<1x128xf32>
    %add3A_27 = vector.broadcast %get3A_26 : vector<1x128xf32> to vector<2048x128xf32>
    %add3A_28 = arith.addf %dot_general3A_23, %add3A_27 : vector<2048x128xf32>
    %swap3A = arith.constant 0 : index
    %swap3A_29 = arith.constant 0 : index
    %swap3A_30 = vector.load %arg17[%swap3A, %swap3A_29] : memref<2048x128xf32, #tpu.memory_space<vmem>>, vector<2048x128xf32>
    tpu.vector_store %arg17[%swap3A, %swap3A_29], %add3A_28 {strides = array<i32>} : memref<2048x128xf32, #tpu.memory_space<vmem>>, vector<2048x128xf32>,
    %get3A_31 = arith.constant 0 : index
    %get3A_32 = arith.constant 0 : index
    %get3A_33 = vector.load %arg7[%get3A_31, %get3A_32] : memref<128x128xf32, #tpu.memory_space<vmem>>, vector<128x128xf32>
    %dot_general3A_34 = arith.constant dense<0.000000e+00> : vector<2048x128xf32>
    %dot_general3A_35 = tpu.matmul %add3A_28, %get3A_33, %dot_general3A_34 {dimension_numbers = #tpu.dot_dimension_numbers<[1], [0], [0], [1], [0, 0, 1, 1], [], []>, transpose_lhs_hint = false} : vector<2048x128xf32>, vector<128x128xf32>, vector<2048x128xf32> -> vector<2048x128xf32>
    %get3A_36 = arith.constant 0 : index
    %get3A_37 = arith.constant 0 : index
    %get3A_38 = vector.load %arg8[%get3A_36, %get3A_37] : memref<1x128xf32, #tpu.memory_space<vmem>>, vector<1x128xf32>
    %add3A_39 = vector.broadcast %get3A_38 : vector<1x128xf32> to vector<2048x128xf32>
    %add3A_40 = arith.addf %dot_general3A_35, %add3A_39 : vector<2048x128xf32>
    %max3A_41 = arith.constant 0.000000e+00 : f32
    %max3A_42 = vector.broadcast %max3A_41 : f32 to vector<2048x128xf32>
    %max3A_43 = arith.maximumf %add3A_40, %max3A_42 : vector<2048x128xf32>
    %get3A_44 = arith.constant 0 : index
    %get3A_45 = arith.constant 0 : index
    %get3A_46 = vector.load %arg9[%get3A_44, %get3A_45] : memref<128x128xf32, #tpu.memory_space<vmem>>, vector<128x128xf32>
    %dot_general3A_47 = arith.constant dense<0.000000e+00> : vector<2048x128xf32>
    %dot_general3A_48 = tpu.matmul %max3A_43, %get3A_46, %dot_general3A_47 {dimension_numbers = #tpu.dot_dimension_numbers<[1], [0], [0], [1], [0, 0, 1, 1], [], []>, transpose_lhs_hint = false} : vector<2048x128xf32>, vector<128x128xf32>, vector<2048x128xf32> -> vector<2048x128xf32>
    %get3A_49 = arith.constant 0 : index
    %get3A_50 = arith.constant 0 : index
    %get3A_51 = vector.load %arg10[%get3A_49, %get3A_50] : memref<1x128xf32, #tpu.memory_space<vmem>>, vector<1x128xf32>
    %add3A_52 = vector.broadcast %get3A_51 : vector<1x128xf32> to vector<2048x128xf32>
    %add3A_53 = arith.addf %dot_general3A_48, %add3A_52 : vector<2048x128xf32>
    %max3A_54 = arith.constant 0.000000e+00 : f32
    %max3A_55 = vector.broadcast %max3A_54 : f32 to vector<2048x128xf32>
    %max3A_56 = arith.maximumf %add3A_53, %max3A_55 : vector<2048x128xf32>
    %get3A_57 = arith.constant 0 : index
    %get3A_58 = arith.constant 0 : index
    %get3A_59 = vector.load %arg11[%get3A_57, %get3A_58] : memref<128x128xf32, #tpu.memory_space<vmem>>, vector<128x128xf32>
    %dot_general3A_60 = arith.constant dense<0.000000e+00> : vector<2048x128xf32>
    %dot_general3A_61 = tpu.matmul %max3A_56, %get3A_59, %dot_general3A_60 {dimension_numbers = #tpu.dot_dimension_numbers<[1], [0], [0], [1], [0, 0, 1, 1], [], []>, transpose_lhs_hint = false} : vector<2048x128xf32>, vector<128x128xf32>, vector<2048x128xf32> -> vector<2048x128xf32>
    %get3A_62 = arith.constant 0 : index
    %get3A_63 = arith.constant 0 : index
    %get3A_64 = vector.load %arg12[%get3A_62, %get3A_63] : memref<1x128xf32, #tpu.memory_space<vmem>>, vector<1x128xf32>
    %add3A_65 = vector.broadcast %get3A_64 : vector<1x128xf32> to vector<2048x128xf32>
    %add3A_66 = arith.addf %dot_general3A_61, %add3A_65 : vector<2048x128xf32>
    %get3A_67 = arith.constant 0 : index
    %get3A_68 = arith.constant 0 : index
    %get3A_69 = vector.load %arg13[%get3A_67, %get3A_68] : memref<128x128xf32, #tpu.memory_space<vmem>>, vector<128x128xf32>
    %dot_general3A_70 = arith.constant dense<0.000000e+00> : vector<2048x128xf32>
    %dot_general3A_71 = tpu.matmul %add3A_66, %get3A_69, %dot_general3A_70 {dimension_numbers = #tpu.dot_dimension_numbers<[1], [0], [0], [1], [0, 0, 1, 1], [], []>, transpose_lhs_hint = false} : vector<2048x128xf32>, vector<128x128xf32>, vector<2048x128xf32> -> vector<2048x128xf32>
    %get3A_72 = arith.constant 0 : index
    %get3A_73 = arith.constant 0 : index
    %get3A_74 = vector.load %arg14[%get3A_72, %get3A_73] : memref<1x128xf32, #tpu.memory_space<vmem>>, vector<1x128xf32>
    %add3A_75 = vector.broadcast %get3A_74 : vector<1x128xf32> to vector<2048x128xf32>
    %add3A_76 = arith.addf %dot_general3A_71, %add3A_75 : vector<2048x128xf32>
    %custom_jvp_call3A = arith.constant 0.000000e+00 : f32
    %max3A_77 = vector.broadcast %custom_jvp_call3A : f32 to vector<2048x128xf32>
    %max3A_78 = arith.maximumf %add3A_76, %max3A_77 : vector<2048x128xf32>
    %sub3A = vector.broadcast %custom_jvp_call3A : f32 to vector<2048x128xf32>
    %sub3A_79 = arith.subf %add3A_76, %sub3A : vector<2048x128xf32>
    %ne3A = arith.cmpf one, %sub3A_79, %sub3A_79 : vector<2048x128xf32>
    %add3A_80 = vector.broadcast %custom_jvp_call3A : f32 to vector<2048x128xf32>
    %add3A_81 = arith.addf %add3A_76, %add3A_80 : vector<2048x128xf32>
    %abs3A = math.absf %sub3A_79 : vector<2048x128xf32>
    %neg3A = arith.constant 0.000000e+00 : f32
    %neg3A_82 = vector.broadcast %neg3A : f32 to vector<2048x128xf32>
    %neg3A_83 = arith.subf %neg3A_82, %abs3A : vector<2048x128xf32>
    %exp3A = math.exp %neg3A_83 : vector<2048x128xf32>
    %log1p3A = math.log1p %exp3A : vector<2048x128xf32>
    %add3A_84 = arith.addf %max3A_78, %log1p3A : vector<2048x128xf32>
    %select_n3A = arith.select %ne3A, %add3A_81, %add3A_84 : vector<2048x128xi1>, vector<2048x128xf32>
    %tanh3A = math.tanh %select_n3A : vector<2048x128xf32>
    %mul3A = arith.mulf %add3A_76, %tanh3A : vector<2048x128xf32>
    %get3A_85 = arith.constant 0 : index
    %get3A_86 = arith.constant 0 : index
    %get3A_87 = vector.load %arg15[%get3A_85, %get3A_86] : memref<128x4xf32, #tpu.memory_space<vmem>>, vector<128x4xf32>
    %dot_general3A_88 = arith.constant dense<0.000000e+00> : vector<2048x4xf32>
    %dot_general3A_89 = tpu.matmul %mul3A, %get3A_87, %dot_general3A_88 {dimension_numbers = #tpu.dot_dimension_numbers<[1], [0], [0], [1], [0, 0, 1, 1], [], []>, transpose_lhs_hint = false} : vector<2048x128xf32>, vector<128x4xf32>, vector<2048x4xf32> -> vector<2048x4xf32>
    %get3A_90 = arith.constant 0 : index
    %get3A_91 = arith.constant 0 : index
    %get3A_92 = vector.load %arg16[%get3A_90, %get3A_91] : memref<1x4xf32, #tpu.memory_space<vmem>>, vector<1x4xf32>
    %add3A_93 = vector.broadcast %get3A_92 : vector<1x4xf32> to vector<2048x4xf32>
    %add3A_94 = arith.addf %dot_general3A_89, %add3A_93 : vector<2048x4xf32>
    %swap3A_95 = arith.constant 0 : index
    %swap3A_96 = arith.constant 0 : index
    %swap3A_97 = vector.load %arg18[%swap3A_95, %swap3A_96] : memref<2048x4xf32, #tpu.memory_space<vmem>>, vector<2048x4xf32>
    tpu.vector_store %arg18[%swap3A_95, %swap3A_96], %add3A_94 {strides = array<i32>} : memref<2048x4xf32, #tpu.memory_space<vmem>>, vector<2048x4xf32>,
    return
  }
  func.func @transform_0(%arg0: i32) -> (i32, i32) {
    %c0_i32 = arith.constant 0 : i32
    %c0_i32_0 = arith.constant 0 : i32
    return %arg0, %c0_i32 : i32, i32
  }
  func.func @transform_1(%arg0: i32) -> (i32, i32) {
    %c0_i32 = arith.constant 0 : i32
    %c0_i32_0 = arith.constant 0 : i32
    return %arg0, %c0_i32 : i32, i32
  }
  func.func @transform_2(%arg0: i32) -> (i32, i32) {
    %c0_i32 = arith.constant 0 : i32
    %c0_i32_0 = arith.constant 0 : i32
    %c0_i32_1 = arith.constant 0 : i32
    return %c0_i32, %c0_i32_0 : i32, i32
  }
  func.func @transform_3(%arg0: i32) -> (i32, i32) {
    %c0_i32 = arith.constant 0 : i32
    %c0_i32_0 = arith.constant 0 : i32
    %c0_i32_1 = arith.constant 0 : i32
    return %c0_i32, %c0_i32_0 : i32, i32
  }
  func.func @transform_4(%arg0: i32) -> (i32, i32) {
    %c0_i32 = arith.constant 0 : i32
    %c0_i32_0 = arith.constant 0 : i32
    %c0_i32_1 = arith.constant 0 : i32
    return %c0_i32, %c0_i32_0 : i32, i32
  }
  func.func @transform_5(%arg0: i32) -> (i32, i32) {
    %c0_i32 = arith.constant 0 : i32
    %c0_i32_0 = arith.constant 0 : i32
    %c0_i32_1 = arith.constant 0 : i32
    return %c0_i32, %c0_i32_0 : i32, i32
  }
  func.func @transform_6(%arg0: i32) -> (i32, i32) {
    %c0_i32 = arith.constant 0 : i32
    %c0_i32_0 = arith.constant 0 : i32
    %c0_i32_1 = arith.constant 0 : i32
    return %c0_i32, %c0_i32_0 : i32, i32
  }
  func.func @transform_7(%arg0: i32) -> (i32, i32) {
    %c0_i32 = arith.constant 0 : i32
    %c0_i32_0 = arith.constant 0 : i32
    %c0_i32_1 = arith.constant 0 : i32
    return %c0_i32, %c0_i32_0 : i32, i32
  }
  func.func @transform_8(%arg0: i32) -> (i32, i32) {
    %c0_i32 = arith.constant 0 : i32
    %c0_i32_0 = arith.constant 0 : i32
    %c0_i32_1 = arith.constant 0 : i32
    return %c0_i32, %c0_i32_0 : i32, i32
  }
  func.func @transform_9(%arg0: i32) -> (i32, i32) {
    %c0_i32 = arith.constant 0 : i32
    %c0_i32_0 = arith.constant 0 : i32
    %c0_i32_1 = arith.constant 0 : i32
    return %c0_i32, %c0_i32_0 : i32, i32
  }
  func.func @transform_10(%arg0: i32) -> (i32, i32) {
    %c0_i32 = arith.constant 0 : i32
    %c0_i32_0 = arith.constant 0 : i32
    %c0_i32_1 = arith.constant 0 : i32
    return %c0_i32, %c0_i32_0 : i32, i32
  }
  func.func @transform_11(%arg0: i32) -> (i32, i32) {
    %c0_i32 = arith.constant 0 : i32
    %c0_i32_0 = arith.constant 0 : i32
    %c0_i32_1 = arith.constant 0 : i32
    return %c0_i32, %c0_i32_0 : i32, i32
  }
  func.func @transform_12(%arg0: i32) -> (i32, i32) {
    %c0_i32 = arith.constant 0 : i32
    %c0_i32_0 = arith.constant 0 : i32
    %c0_i32_1 = arith.constant 0 : i32
    return %c0_i32, %c0_i32_0 : i32, i32
  }
  func.func @transform_13(%arg0: i32) -> (i32, i32) {
    %c0_i32 = arith.constant 0 : i32
    %c0_i32_0 = arith.constant 0 : i32
    %c0_i32_1 = arith.constant 0 : i32
    return %c0_i32, %c0_i32_0 : i32, i32
  }
  func.func @transform_14(%arg0: i32) -> (i32, i32) {
    %c0_i32 = arith.constant 0 : i32
    %c0_i32_0 = arith.constant 0 : i32
    %c0_i32_1 = arith.constant 0 : i32
    return %c0_i32, %c0_i32_0 : i32, i32
  }
  func.func @transform_15(%arg0: i32) -> (i32, i32) {
    %c0_i32 = arith.constant 0 : i32
    %c0_i32_0 = arith.constant 0 : i32
    %c0_i32_1 = arith.constant 0 : i32
    return %c0_i32, %c0_i32_0 : i32, i32
  }
  func.func @transform_16(%arg0: i32) -> (i32, i32) {
    %c0_i32 = arith.constant 0 : i32
    %c0_i32_0 = arith.constant 0 : i32
    return %arg0, %c0_i32 : i32, i32
  }
  func.func @transform_17(%arg0: i32) -> (i32, i32) {
    %c0_i32 = arith.constant 0 : i32
    %c0_i32_0 = arith.constant 0 : i32
    return %arg0, %c0_i32 : i32, i32
  }
}

module attributes {stable_mosaic.version = 14 : i64} {
  func.func @_node_fn_body(%arg0: i32, %arg1: memref<1024x128xf32, #tpu.memory_space<vmem>>, %arg2: memref<1024x128xf32, #tpu.memory_space<vmem>>, %arg3: memref<1024x128xf32, #tpu.memory_space<vmem>>, %arg4: memref<128x128xf32, #tpu.memory_space<vmem>>, %arg5: memref<128x128xf32, #tpu.memory_space<vmem>>, %arg6: memref<1x128xf32, #tpu.memory_space<vmem>>, %arg7: memref<128x128xf32, #tpu.memory_space<vmem>>, %arg8: memref<1x128xf32, #tpu.memory_space<vmem>>, %arg9: memref<128x128xf32, #tpu.memory_space<vmem>>, %arg10: memref<1x128xf32, #tpu.memory_space<vmem>>, %arg11: memref<128x128xf32, #tpu.memory_space<vmem>>, %arg12: memref<1x128xf32, #tpu.memory_space<vmem>>, %arg13: memref<128x3xf32, #tpu.memory_space<vmem>>, %arg14: memref<1x3xf32, #tpu.memory_space<vmem>>, %arg15: memref<1024x3xf32, #tpu.memory_space<vmem>>) attributes {dimension_semantics = [#tpu.dimension_semantics<arbitrary>], iteration_bounds = array<i64: 10>, scalar_prefetch = 0 : i64, scratch_operands = 0 : i64, tpu.core_type = #tpu.core_type<tc>, window_params = [{transform_indices = @transform_0, window_bounds = array<i64: 1024, 128>}, {transform_indices = @transform_1, window_bounds = array<i64: 1024, 128>}, {transform_indices = @transform_2, window_bounds = array<i64: 1024, 128>}, {pipeline_mode = #tpu.pipeline_mode<synchronous>, transform_indices = @transform_3, window_bounds = array<i64: 128, 128>}, {pipeline_mode = #tpu.pipeline_mode<synchronous>, transform_indices = @transform_4, window_bounds = array<i64: 128, 128>}, {pipeline_mode = #tpu.pipeline_mode<synchronous>, transform_indices = @transform_5, window_bounds = array<i64: 1, 128>}, {pipeline_mode = #tpu.pipeline_mode<synchronous>, transform_indices = @transform_6, window_bounds = array<i64: 128, 128>}, {pipeline_mode = #tpu.pipeline_mode<synchronous>, transform_indices = @transform_7, window_bounds = array<i64: 1, 128>}, {pipeline_mode = #tpu.pipeline_mode<synchronous>, transform_indices = @transform_8, window_bounds = array<i64: 128, 128>}, {pipeline_mode = #tpu.pipeline_mode<synchronous>, transform_indices = @transform_9, window_bounds = array<i64: 1, 128>}, {pipeline_mode = #tpu.pipeline_mode<synchronous>, transform_indices = @transform_10, window_bounds = array<i64: 128, 128>}, {pipeline_mode = #tpu.pipeline_mode<synchronous>, transform_indices = @transform_11, window_bounds = array<i64: 1, 128>}, {pipeline_mode = #tpu.pipeline_mode<synchronous>, transform_indices = @transform_12, window_bounds = array<i64: 128, 3>}, {pipeline_mode = #tpu.pipeline_mode<synchronous>, transform_indices = @transform_13, window_bounds = array<i64: 1, 3>}, {transform_indices = @transform_14, window_bounds = array<i64: 1024, 3>}]} {
    %get3A = arith.constant 0 : index
    %get3A_0 = arith.constant 0 : index
    %get3A_1 = vector.load %arg2[%get3A, %get3A_0] : memref<1024x128xf32, #tpu.memory_space<vmem>>, vector<1024x128xf32>
    %get3A_2 = arith.constant 0 : index
    %get3A_3 = arith.constant 0 : index
    %get3A_4 = vector.load %arg3[%get3A_2, %get3A_3] : memref<1024x128xf32, #tpu.memory_space<vmem>>, vector<1024x128xf32>
    %add3A = arith.addf %get3A_1, %get3A_4 : vector<1024x128xf32>
    %get3A_5 = arith.constant 0 : index
    %get3A_6 = arith.constant 0 : index
    %get3A_7 = vector.load %arg1[%get3A_5, %get3A_6] : memref<1024x128xf32, #tpu.memory_space<vmem>>, vector<1024x128xf32>
    %get3A_8 = arith.constant 0 : index
    %get3A_9 = arith.constant 0 : index
    %get3A_10 = vector.load %arg4[%get3A_8, %get3A_9] : memref<128x128xf32, #tpu.memory_space<vmem>>, vector<128x128xf32>
    %dot_general3A = arith.constant dense<0.000000e+00> : vector<1024x128xf32>
    %dot_general3A_11 = tpu.matmul %get3A_7, %get3A_10, %dot_general3A {dimension_numbers = #tpu.dot_dimension_numbers<[1], [0], [0], [1], [0, 0, 1, 1], [], []>, transpose_lhs_hint = false} : vector<1024x128xf32>, vector<128x128xf32>, vector<1024x128xf32> -> vector<1024x128xf32>
    %get3A_12 = arith.constant 0 : index
    %get3A_13 = arith.constant 0 : index
    %get3A_14 = vector.load %arg5[%get3A_12, %get3A_13] : memref<128x128xf32, #tpu.memory_space<vmem>>, vector<128x128xf32>
    %dot_general3A_15 = arith.constant dense<0.000000e+00> : vector<1024x128xf32>
    %dot_general3A_16 = tpu.matmul %add3A, %get3A_14, %dot_general3A_15 {dimension_numbers = #tpu.dot_dimension_numbers<[1], [0], [0], [1], [0, 0, 1, 1], [], []>, transpose_lhs_hint = false} : vector<1024x128xf32>, vector<128x128xf32>, vector<1024x128xf32> -> vector<1024x128xf32>
    %add3A_17 = arith.addf %dot_general3A_11, %dot_general3A_16 : vector<1024x128xf32>
    %get3A_18 = arith.constant 0 : index
    %get3A_19 = arith.constant 0 : index
    %get3A_20 = vector.load %arg6[%get3A_18, %get3A_19] : memref<1x128xf32, #tpu.memory_space<vmem>>, vector<1x128xf32>
    %add3A_21 = vector.broadcast %get3A_20 : vector<1x128xf32> to vector<1024x128xf32>
    %add3A_22 = arith.addf %add3A_17, %add3A_21 : vector<1024x128xf32>
    %max3A = arith.constant 0.000000e+00 : f32
    %max3A_23 = vector.broadcast %max3A : f32 to vector<1024x128xf32>
    %max3A_24 = arith.maximumf %add3A_22, %max3A_23 : vector<1024x128xf32>
    %get3A_25 = arith.constant 0 : index
    %get3A_26 = arith.constant 0 : index
    %get3A_27 = vector.load %arg7[%get3A_25, %get3A_26] : memref<128x128xf32, #tpu.memory_space<vmem>>, vector<128x128xf32>
    %dot_general3A_28 = arith.constant dense<0.000000e+00> : vector<1024x128xf32>
    %dot_general3A_29 = tpu.matmul %max3A_24, %get3A_27, %dot_general3A_28 {dimension_numbers = #tpu.dot_dimension_numbers<[1], [0], [0], [1], [0, 0, 1, 1], [], []>, transpose_lhs_hint = false} : vector<1024x128xf32>, vector<128x128xf32>, vector<1024x128xf32> -> vector<1024x128xf32>
    %get3A_30 = arith.constant 0 : index
    %get3A_31 = arith.constant 0 : index
    %get3A_32 = vector.load %arg8[%get3A_30, %get3A_31] : memref<1x128xf32, #tpu.memory_space<vmem>>, vector<1x128xf32>
    %add3A_33 = vector.broadcast %get3A_32 : vector<1x128xf32> to vector<1024x128xf32>
    %add3A_34 = arith.addf %dot_general3A_29, %add3A_33 : vector<1024x128xf32>
    %max3A_35 = arith.constant 0.000000e+00 : f32
    %max3A_36 = vector.broadcast %max3A_35 : f32 to vector<1024x128xf32>
    %max3A_37 = arith.maximumf %add3A_34, %max3A_36 : vector<1024x128xf32>
    %get3A_38 = arith.constant 0 : index
    %get3A_39 = arith.constant 0 : index
    %get3A_40 = vector.load %arg9[%get3A_38, %get3A_39] : memref<128x128xf32, #tpu.memory_space<vmem>>, vector<128x128xf32>
    %dot_general3A_41 = arith.constant dense<0.000000e+00> : vector<1024x128xf32>
    %dot_general3A_42 = tpu.matmul %max3A_37, %get3A_40, %dot_general3A_41 {dimension_numbers = #tpu.dot_dimension_numbers<[1], [0], [0], [1], [0, 0, 1, 1], [], []>, transpose_lhs_hint = false} : vector<1024x128xf32>, vector<128x128xf32>, vector<1024x128xf32> -> vector<1024x128xf32>
    %get3A_43 = arith.constant 0 : index
    %get3A_44 = arith.constant 0 : index
    %get3A_45 = vector.load %arg10[%get3A_43, %get3A_44] : memref<1x128xf32, #tpu.memory_space<vmem>>, vector<1x128xf32>
    %add3A_46 = vector.broadcast %get3A_45 : vector<1x128xf32> to vector<1024x128xf32>
    %add3A_47 = arith.addf %dot_general3A_42, %add3A_46 : vector<1024x128xf32>
    %get3A_48 = arith.constant 0 : index
    %get3A_49 = arith.constant 0 : index
    %get3A_50 = vector.load %arg11[%get3A_48, %get3A_49] : memref<128x128xf32, #tpu.memory_space<vmem>>, vector<128x128xf32>
    %dot_general3A_51 = arith.constant dense<0.000000e+00> : vector<1024x128xf32>
    %dot_general3A_52 = tpu.matmul %add3A_47, %get3A_50, %dot_general3A_51 {dimension_numbers = #tpu.dot_dimension_numbers<[1], [0], [0], [1], [0, 0, 1, 1], [], []>, transpose_lhs_hint = false} : vector<1024x128xf32>, vector<128x128xf32>, vector<1024x128xf32> -> vector<1024x128xf32>
    %get3A_53 = arith.constant 0 : index
    %get3A_54 = arith.constant 0 : index
    %get3A_55 = vector.load %arg12[%get3A_53, %get3A_54] : memref<1x128xf32, #tpu.memory_space<vmem>>, vector<1x128xf32>
    %add3A_56 = vector.broadcast %get3A_55 : vector<1x128xf32> to vector<1024x128xf32>
    %add3A_57 = arith.addf %dot_general3A_52, %add3A_56 : vector<1024x128xf32>
    %custom_jvp_call3A = arith.constant 0.000000e+00 : f32
    %max3A_58 = vector.broadcast %custom_jvp_call3A : f32 to vector<1024x128xf32>
    %max3A_59 = arith.maximumf %add3A_57, %max3A_58 : vector<1024x128xf32>
    %sub3A = vector.broadcast %custom_jvp_call3A : f32 to vector<1024x128xf32>
    %sub3A_60 = arith.subf %add3A_57, %sub3A : vector<1024x128xf32>
    %ne3A = arith.cmpf one, %sub3A_60, %sub3A_60 : vector<1024x128xf32>
    %add3A_61 = vector.broadcast %custom_jvp_call3A : f32 to vector<1024x128xf32>
    %add3A_62 = arith.addf %add3A_57, %add3A_61 : vector<1024x128xf32>
    %abs3A = math.absf %sub3A_60 : vector<1024x128xf32>
    %neg3A = arith.constant 0.000000e+00 : f32
    %neg3A_63 = vector.broadcast %neg3A : f32 to vector<1024x128xf32>
    %neg3A_64 = arith.subf %neg3A_63, %abs3A : vector<1024x128xf32>
    %exp3A = math.exp %neg3A_64 : vector<1024x128xf32>
    %log1p3A = math.log1p %exp3A : vector<1024x128xf32>
    %add3A_65 = arith.addf %max3A_59, %log1p3A : vector<1024x128xf32>
    %select_n3A = arith.select %ne3A, %add3A_62, %add3A_65 : vector<1024x128xi1>, vector<1024x128xf32>
    %tanh3A = math.tanh %select_n3A : vector<1024x128xf32>
    %mul3A = arith.mulf %add3A_57, %tanh3A : vector<1024x128xf32>
    %get3A_66 = arith.constant 0 : index
    %get3A_67 = arith.constant 0 : index
    %get3A_68 = vector.load %arg13[%get3A_66, %get3A_67] : memref<128x3xf32, #tpu.memory_space<vmem>>, vector<128x3xf32>
    %dot_general3A_69 = arith.constant dense<0.000000e+00> : vector<1024x3xf32>
    %dot_general3A_70 = tpu.matmul %mul3A, %get3A_68, %dot_general3A_69 {dimension_numbers = #tpu.dot_dimension_numbers<[1], [0], [0], [1], [0, 0, 1, 1], [], []>, transpose_lhs_hint = false} : vector<1024x128xf32>, vector<128x3xf32>, vector<1024x3xf32> -> vector<1024x3xf32>
    %get3A_71 = arith.constant 0 : index
    %get3A_72 = arith.constant 0 : index
    %get3A_73 = vector.load %arg14[%get3A_71, %get3A_72] : memref<1x3xf32, #tpu.memory_space<vmem>>, vector<1x3xf32>
    %add3A_74 = vector.broadcast %get3A_73 : vector<1x3xf32> to vector<1024x3xf32>
    %add3A_75 = arith.addf %dot_general3A_70, %add3A_74 : vector<1024x3xf32>
    %swap3A = arith.constant 0 : index
    %swap3A_76 = arith.constant 0 : index
    %swap3A_77 = vector.load %arg15[%swap3A, %swap3A_76] : memref<1024x3xf32, #tpu.memory_space<vmem>>, vector<1024x3xf32>
    tpu.vector_store %arg15[%swap3A, %swap3A_76], %add3A_75 {strides = array<i32>} : memref<1024x3xf32, #tpu.memory_space<vmem>>, vector<1024x3xf32>,
    return
  }
  func.func @transform_0(%arg0: i32) -> (i32, i32) {
    %c0_i32 = arith.constant 0 : i32
    %c0_i32_0 = arith.constant 0 : i32
    return %arg0, %c0_i32 : i32, i32
  }
  func.func @transform_1(%arg0: i32) -> (i32, i32) {
    %c0_i32 = arith.constant 0 : i32
    %c0_i32_0 = arith.constant 0 : i32
    return %arg0, %c0_i32 : i32, i32
  }
  func.func @transform_2(%arg0: i32) -> (i32, i32) {
    %c0_i32 = arith.constant 0 : i32
    %c0_i32_0 = arith.constant 0 : i32
    return %arg0, %c0_i32 : i32, i32
  }
  func.func @transform_3(%arg0: i32) -> (i32, i32) {
    %c0_i32 = arith.constant 0 : i32
    %c0_i32_0 = arith.constant 0 : i32
    %c0_i32_1 = arith.constant 0 : i32
    return %c0_i32, %c0_i32_0 : i32, i32
  }
  func.func @transform_4(%arg0: i32) -> (i32, i32) {
    %c0_i32 = arith.constant 0 : i32
    %c0_i32_0 = arith.constant 0 : i32
    %c0_i32_1 = arith.constant 0 : i32
    return %c0_i32, %c0_i32_0 : i32, i32
  }
  func.func @transform_5(%arg0: i32) -> (i32, i32) {
    %c0_i32 = arith.constant 0 : i32
    %c0_i32_0 = arith.constant 0 : i32
    %c0_i32_1 = arith.constant 0 : i32
    return %c0_i32, %c0_i32_0 : i32, i32
  }
  func.func @transform_6(%arg0: i32) -> (i32, i32) {
    %c0_i32 = arith.constant 0 : i32
    %c0_i32_0 = arith.constant 0 : i32
    %c0_i32_1 = arith.constant 0 : i32
    return %c0_i32, %c0_i32_0 : i32, i32
  }
  func.func @transform_7(%arg0: i32) -> (i32, i32) {
    %c0_i32 = arith.constant 0 : i32
    %c0_i32_0 = arith.constant 0 : i32
    %c0_i32_1 = arith.constant 0 : i32
    return %c0_i32, %c0_i32_0 : i32, i32
  }
  func.func @transform_8(%arg0: i32) -> (i32, i32) {
    %c0_i32 = arith.constant 0 : i32
    %c0_i32_0 = arith.constant 0 : i32
    %c0_i32_1 = arith.constant 0 : i32
    return %c0_i32, %c0_i32_0 : i32, i32
  }
  func.func @transform_9(%arg0: i32) -> (i32, i32) {
    %c0_i32 = arith.constant 0 : i32
    %c0_i32_0 = arith.constant 0 : i32
    %c0_i32_1 = arith.constant 0 : i32
    return %c0_i32, %c0_i32_0 : i32, i32
  }
  func.func @transform_10(%arg0: i32) -> (i32, i32) {
    %c0_i32 = arith.constant 0 : i32
    %c0_i32_0 = arith.constant 0 : i32
    %c0_i32_1 = arith.constant 0 : i32
    return %c0_i32, %c0_i32_0 : i32, i32
  }
  func.func @transform_11(%arg0: i32) -> (i32, i32) {
    %c0_i32 = arith.constant 0 : i32
    %c0_i32_0 = arith.constant 0 : i32
    %c0_i32_1 = arith.constant 0 : i32
    return %c0_i32, %c0_i32_0 : i32, i32
  }
  func.func @transform_12(%arg0: i32) -> (i32, i32) {
    %c0_i32 = arith.constant 0 : i32
    %c0_i32_0 = arith.constant 0 : i32
    %c0_i32_1 = arith.constant 0 : i32
    return %c0_i32, %c0_i32_0 : i32, i32
  }
  func.func @transform_13(%arg0: i32) -> (i32, i32) {
    %c0_i32 = arith.constant 0 : i32
    %c0_i32_0 = arith.constant 0 : i32
    %c0_i32_1 = arith.constant 0 : i32
    return %c0_i32, %c0_i32_0 : i32, i32
  }
  func.func @transform_14(%arg0: i32) -> (i32, i32) {
    %c0_i32 = arith.constant 0 : i32
    %c0_i32_0 = arith.constant 0 : i32
    return %arg0, %c0_i32 : i32, i32
  }
}

</mosaic_0001>

<sc_bundles>
// kernel: kernel.12.cloned.1.call-start
scs
__scs_entry_jumppad:
0x0: {  	(pc) =	sbr.rel $0x88, $3  }
0x1: {  	(tag) =	ssettag $0x0;
	lr =	simm.s32 $0x1  }
0x2: {  	[smem:$0x3F6A] =	sst lr;
	_ =	strace $0xD0000000  }
0x3: {  	_ = 	snop  }
0x4: {  	_ = 	snop  }
0x5: {  	_ = 	snop  }
0x6: {  	_ = 	snop  }
0x7: {  	_ = 	snop  }
__scs_overlays_trampoline_lowered:
0x8: {  	[smem:$0x3F79] =	sst s0  }
0x9: {  	[smem:$0x3F7A] =	sst s1  }
0xa: {  	[smem:$0x3F7B] =	sst s2  }
0xb: {  	[smem:$0x3F7C] =	sst s3  }
0xc: {  	[smem:$0x3F7D] =	sst s4  }
0xd: {  	[smem:$0x3F7E] =	sst s5  }
0xe: {  	[smem:$0x3F7F] =	sst s6  }
0xf: {  	[smem:$0x3F80] =	sst s7  }
0x10: {  	[smem:$0x3F81] =	sst s8  }
0x11: {  	[smem:$0x3F82] =	sst s9;
	s0 =	simm.s32 @!p0 $0x0  }
0x12: {  	s1 =	sld [smem:$0x3F68];
	s0 =	simm.s32 @p0 $0x1  }
0x13: {  	[smem:$0x3F83] =	sst s0;
	s0 =	simm.s32 @!p1 $0x0  }
0x14: {  	s2 =	sld [smem:$0x3F67];
	s0 =	simm.s32 @p1 $0x1  }
0x15: {  	[smem:$0x3F84] =	sst s0;
	s0 =	simm.s32 @!p2 $0x0  }
0x16: {  	s3 =	sld [smem:$0x3FDB];
	s0 =	simm.s32 @p2 $0x1  }
0x17: {  	s4 =	simm.s32 $0x1BF5;
	[smem:$0x3F86] =	sst s0  }
0x18: {  	s0 =	sld [smem:$0x3F69];
	_ =	swait.ge [sflag:s4], $0x0  }
0x19: {  	s7 =	sld [smem:$0x3F6A]  }
0x1a: {  	s8 =	sadd.s32 $0xFFFFE003, lr  }
0x1b: {  	s9 =	sadd.s32 $0xFFFFFEF7, lr;
	s5 =	simm.s32 $0xFFFFFFFF;
	p2 =	slt.u32 s8, $0xFFFFF086  }
0x1c: {  	p1 =	slt.u32 s9, $0xF7A;
	s5 =	simm.s32 @!p2 $0x0  }
0x1d: {  	s5 =	simm.s32 @p1 $0x1;
	p0 =	seq.s32 s7, s2  }
0x1e: {  	s7 =	smul.u32 @!p0 $0xF7A, s2;
	p2 =	seq.s32 @!p0 s5, $0x0  }
0x1f: {  	s9 =	smul.u32 $0xF7A, s1;
	s8 =	simm.s32 @!p0 $0x1BF5;
	p2 =	por !p2, p0  }
0x20: {  	[sflag:s8] =	ssyncset.s32 @!p0 $0xFFFFF086;
	s6 =	sadd.s32 @!p0 s3, s7;
	s7 =	simm.s32 @!p0 $0x108  }
0x21: {  	s3 =	sadd.s32 s3, s9;
	s6 =	sadd.s32 @!p0 $0x88, s6;
	s7 =	simm.s32 @p2 $0x1082  }
0x22: {  	[simem:s7], [sflag:s8] =	dma.local @!p0 [hbm:s6], $0xF7A  }
0x23: {  	s9 =	sor.u32 $0xD0000000, s2;
	s6 =	simm.s32 $0x108;
	_ =	swait.ge @!p0 [sflag:s8], $0x0  }
0x24: {  	s3 =	sadd.s32 $0x88, s3;
	s6 =	simm.s32 @!p1 $0x1082;
	[sflag:s4] =	ssyncset.s32 $0xFFFFF086  }
0x25: {  	[simem:s6], [sflag:s4] =	dma.local [hbm:s3], $0xF7A  }
0x26: {  	[smem:$0x3F6A] =	sst s1;
	(tag) =	ssettag s2;
	_ =	strace s9  }
0x27: {  	s1 =	sld [smem:$0x3F7A]  }
0x28: {  	s2 =	sld [smem:$0x3F7B]  }
0x29: {  	s4 =	sld [smem:$0x3F7D]  }
0x2a: {  	p0 =	seq.s32 s5, $0x0;
	s5 =	sld [smem:$0x3F7E]  }
0x2b: {  	s6 =	sld [smem:$0x3F7F]  }
0x2c: {  	s7 =	sld [smem:$0x3F80]  }
0x2d: {  	s3 =	simm.s32 $0x108;
	s8 =	sld [smem:$0x3F81]  }
0x2e: {  	s3 =	simm.s32 @!p0 $0x1082;
	s9 =	sld [smem:$0x3F82]  }
0x2f: {  	lr =	sadd.s32 s0, s3;
	s0 =	sld [smem:$0x3F79]  }
0x30: {  	s3 =	sld [smem:$0x3F7C]  }
0x31: {  	[smem:$0x3F85] =	sst s10  }
0x32: {  	s10 =	sld [smem:$0x3F83];
	_ =	sdelay $0x3  }
0x33: {  	p0 =	seq.s32 s10, $0x1;
	s10 =	sld [smem:$0x3F85];
	_ =	sdelay $0x3  }
0x34: {  	[smem:$0x3F85] =	sst s10  }
0x35: {  	s10 =	sld [smem:$0x3F84];
	_ =	sdelay $0x3  }
0x36: {  	p1 =	seq.s32 s10, $0x1;
	s10 =	sld [smem:$0x3F85];
	_ =	sdelay $0x3  }
0x37: {  	[smem:$0x3F85] =	sst s10  }
0x38: {  	s10 =	sld [smem:$0x3F86]  }
0x39: {  	_ = 	snop;
	(pc) =	sbr.ind lr, $3  }
0x3a: {  	_ = 	snop  }
0x3b: {  	_ = 	snop  }
0x3c: {  	p2 =	seq.s32 s10, $0x1;
	s10 =	sld [smem:$0x3F85]  }
0x3d: {  	_ =	shalt  }
0x3e: {  	_ =	shalt  }
0x3f: {  	_ =	shalt  }
0x40: {  	_ =	shalt  }
0x41: {  	_ =	shalt  }
0x42: {  	_ =	shalt  }
0x43: {  	_ =	shalt  }
0x44: {  	_ =	shalt  }
0x45: {  	_ =	shalt  }
0x46: {  	_ =	shalt  }
0x47: {  	_ =	shalt  }
0x48: {  	_ =	shalt  }
0x49: {  	_ =	shalt  }
0x4a: {  	_ =	shalt  }
0x4b: {  	_ =	shalt  }
0x4c: {  	_ =	shalt  }
0x4d: {  	_ =	shalt  }
0x4e: {  	_ =	shalt  }
0x4f: {  	_ =	shalt  }
0x50: {  	_ =	shalt  }
0x51: {  	_ =	shalt  }
0x52: {  	_ =	shalt  }
0x53: {  	_ =	shalt  }
0x54: {  	_ =	shalt  }
0x55: {  	_ =	shalt  }
0x56: {  	_ =	shalt  }
0x57: {  	_ =	shalt  }
0x58: {  	_ =	shalt  }
0x59: {  	_ =	shalt  }
0x5a: {  	_ =	shalt  }
0x5b: {  	_ =	shalt  }
0x5c: {  	_ =	shalt  }
0x5d: {  	_ =	shalt  }
0x5e: {  	_ =	shalt  }
0x5f: {  	_ =	shalt  }
0x60: {  	_ =	shalt  }
0x61: {  	_ =	shalt  }
0x62: {  	_ =	shalt  }
0x63: {  	_ =	shalt  }
0x64: {  	_ =	shalt  }
0x65: {  	_ =	shalt  }
0x66: {  	_ =	shalt  }
0x67: {  	_ =	shalt  }
0x68: {  	_ =	shalt  }
0x69: {  	_ =	shalt  }
0x6a: {  	_ =	shalt  }
0x6b: {  	_ =	shalt  }
0x6c: {  	_ =	shalt  }
0x6d: {  	_ =	shalt  }
0x6e: {  	_ =	shalt  }
0x6f: {  	_ =	shalt  }
0x70: {  	_ =	shalt  }
0x71: {  	_ =	shalt  }
0x72: {  	_ =	shalt  }
0x73: {  	_ =	shalt  }
0x74: {  	_ =	shalt  }
0x75: {  	_ =	shalt  }
0x76: {  	_ =	shalt  }
0x77: {  	_ =	shalt  }
0x78: {  	_ =	shalt  }
0x79: {  	_ =	shalt  }
0x7a: {  	_ =	shalt  }
0x7b: {  	_ =	shalt  }
0x7c: {  	_ =	shalt  }
0x7d: {  	_ =	shalt  }
0x7e: {  	_ =	shalt  }
0x7f: {  	_ =	shalt  }
0x80: {  	_ =	shalt  }
0x81: {  	_ =	shalt  }
0x82: {  	_ =	shalt  }
0x83: {  	_ =	shalt  }
0x84: {  	_ =	shalt  }
0x85: {  	_ =	shalt  }
0x86: {  	_ =	shalt  }
0x87: {  	_ =	shalt  }
.Lfunc_end0:
.L_simem_size_0:
called_computation_lowered:
.L_overlay_start_0:
0x88: {  	s2 =	sld [smem:$0x3FD9]  }
0x89: {  	s3 =	sld [smem:$0x3FFE];
	_ =	sdelay $0x1  }
0x8a: {  	s1 =	srdreg.scid  }
0x8b: {  	s0 =	sand.u32 $0x1, s1  }
0x8c: {  	s14 =	sshll.u32 s0, $0xA;
	s2 =	sadd.s32 s3, s2  }
0x8d: {  	s2 =	sadd.s32 s2, s14  }
0x8e: {  	[smem:$0x3F91] =	sst s2  }
0x8f: {  	_ = 	snop  }
0x90: {  	s2 =	sld [smem:$0x3FD0];
	_ =	sdelay $0x2  }
0x91: {  	s15 =	simm.s32 $0xA;
	s4 =	simm.s32 $0x10  }
0x92: {  	[smem:s4], [sflag:s15] =	dma.local [hbm:s2], $0x1  }
0x93: {  	_ =	swait.eq [sflag:s15], $0x1  }
0x94: {  	[sflag:s15] =	ssyncset.done $0x0  }
0x95: {  	[sflag:s15] =	ssyncadd.s32 $0xFFFFFFFF  }
0x96: {  	s16 =	sld [smem:$0x11];
	(tm) =	ssettm $0x1  }
0x97: {  	s17 =	sld [smem:$0x3FFB];
	_ =	sdelay $0x3  }
0x98: {  	_ =	strace s17  }
0x99: {  	s3 =	sld [smem:$0x3FFC];
	_ =	sdelay $0x3  }
0x9a: {  	_ =	strace s3  }
0x9b: {  	s3 =	sld [smem:$0x3FFD];
	_ =	sdelay $0x3  }
0x9c: {  	_ =	strace s3  }
0x9d: {  	_ =	strace $0x8FFFFFFF  }
0x9e: {  	s18 =	sld [smem:$0x3FDB];
	_ =	sdelay $0x1  }
0x9f: {  	s19 =	simm.s32 $_scs_section_size  }
0xa0: {  	s5 =	simm.s32 $_size__tile_overlayer_lowered;
	s6 =	simm.s32 $_tile_overlayer_lowered  }
0xa1: {  	s22 =	simm.s32 $0x1BFF;
	s21 =	sshll.u32 s6, $0x1;
	s3 =	sadd.s32 s19, s18  }
0xa2: {  	s7 =	simm.s32 $0x0;
	s20 =	sshll.u32 s5, $0x1;
	s5 =	sadd.s32 s21, s3  }
0xa3: {  	[timem:s7], [sflag:s22] =	dma.local [hbm:s5], s20  }
0xa4: {  	_ =	swait.ge [sflag:s22], s20  }
0xa5: {  	s4 =	ssub.s32 $0x0, s20;
	[sflag:s22] =	ssyncset.done $0x0  }
0xa6: {  	[sflag:s22] =	ssyncadd.s32 s4;
	_ =	sdelay $0x1  }
0xa7: {  	s23 =	simm.s32 $0x1B8B  }
0xa8: {  	_ =	swait.ge [sflag:s23], $0x1  }
0xa9: {  	[sflag:s23] =	ssyncset.done $0x0  }
0xaa: {  	s25 =	simm.s32 $0x1B8E;
	s24 =	sld [smem:$0x3FFE];
	[sflag:s23] =	ssyncadd.s32 $0xFFFFFFFF  }
0xab: {  	s26 =	simm.s32 $execute0_lowered;
	[smem:$0x3FD2] =	sst s25  }
0xac: {  	s5 =	sshll.u32 s26, $0x1;
	_ =	strace $0x80000046;
	[dreg:$0x1] =	wrdreg $0xFFFFFFFF  }
0xad: {  	s28 =	simm.s32 $_size_execute0_lowered;
	s3 =	sadd.s32 s3, s5;
	[dreg:$0x0] =	wrdreg $0x0  }
0xae: {  	s5 =	sshll.u32 s28, $0x1;
	[dreg:$0x2] =	wrdreg s3  }
0xaf: {  	[dreg:$0x3] =	wrdreg s5  }
0xb0: {  	[dreg:$0x4] =	wrdreg $0xC0  }
0xb1: {  	_ =	task [dreg:s7], $0x5FFFF  }
0xb2: {  	[dreg:$0x1] =	wrdreg $0xFFFFFFFF  }
0xb3: {  	[dreg:$0x0] =	wrdreg $0x60  }
0xb4: {  	[dreg:$0x2] =	wrdreg s24  }
0xb5: {  	[dreg:$0x3] =	wrdreg s16  }
0xb6: {  	[dreg:$0x4] =	wrdreg $0x9  }
0xb7: {  	_ =	task.clear_ibuf [dreg:s7], $0x5FFFF;
	_ =	strace $0x90000046  }
0xb8: {  	s29 =	simm.s32 $0x9;
	_ =	strace $0x80000048  }
0xb9: {  	_ =	swait.ge [sflag:s29], $0x1  }
0xba: {  	[sflag:s29] =	ssyncadd.s32 $0xFFFFFFFF  }
0xbb: {  	_ =	strace $0x90000048  }
0xbc: {  	_ =	sfence  }
0xbd: {  	s30 =	sld [smem:$0x0];
	_ =	sdelay $0x2  }
0xbe: {  	s31 =	sshll.u32 s1, $0xD;
	s1 =	sshrl.u32 s1, $0x2  }
0xbf: {  	s3 =	sand.u32 $0x4000, s31;
	s1 =	sadd.s32 s1, s30  }
0xc0: {  	s0 =	sor.u32 s3, s0;
	s1 =	sshll.u32 s1, $0x11  }
0xc1: {  	s0 =	sor.u32 s1, s0  }
0xc2: {  	s0 =	sadd.s32 $0x8F2B, s0  }
0xc3: {  	[sflag:s0] =	ssyncadd.remote.s32 $0x1  }
0xc4: {  	_ =	sfence.sel $0xFFFF  }
0xc5: {  	[dreg:$0x0] =	wrdreg $0xFFFFFFFF;
	(pc) =	sbr.abs _section_cstart, $3  }
0xc6: {  	[dreg:$0x1] =	wrdreg $0xFFFFFFFF  }
0xc7: {  	_ =	task.clear_ibuf [dreg:s7], $0x2FFFF;
	_ =	strace $0x9FFFFFFF  }
0xc8: {  	(tm) =	ssettm $0x7FFFFFFF  }
0xc9: {  	_ =	shalt  }
tec
execute0_lowered:
.L_overlay_start_1:
0x0: {  	(tag) =	ssettag $0x1  }
0x1: {  	s5 =	rddreg [dreg:$0x0];
	s1 =	srdreg.scid  }
0x2: {  	s0 =	stileid.u32;
	s6 =	rddreg [dreg:$0x1]  }
0x3: {  	s2 =	simm.s32 $0x0;
	s16 =	simm.s32 $0x9000;
	s17 =	simm.s32 $0x1  }
0x4: {  	s18 =	simm.s32 $0x3;
	s19 =	simm.s32 $0x2;
	s20 =	simm.s32 $0x4  }
0x5: {  	s21 =	simm.s32 $0x4F00;
	s22 =	simm.s32 $0x4F80;
	s15 =	smul.u32 $0x280000, s0  }
0x6: {  	s8 =	sand.u32 $0x1, s1;
	s1 =	rddreg [dreg:$0x2];
	s26 =	smul.u32 $0x50000, s0  }
0x7: {  	s3 =	sshll.u32 s0, $0x1;
	[smem:$0x7FF] =	sst s2;
	s25 =	smul.u32 $0x140000, s8  }
0x8: {  	s4 =	sadd.s32 $0x3C800, s5;
	s7 =	sor.u32 s8, s3;
	s28 =	smul.u32 $0x28000, s8  }
0x9: {  	s14 =	sadd.s32 $0x8C800, s5;
	_ =	strace $0x80000047;
	s9 =	smul.u32 $0x2800, s7  }
0xa: {  	s3 =	sadd.s32 $0x14800, s5;
	s12 =	ssub.s32 $0x2, s8;
	s10 =	smul.u32 $0x140000, s7  }
0xb: {  	s13 =	smul.u32 $0x28000, s7;
	s23 =	sshrl.u32 s12, $0x1;
	s29 =	sadd.s32 s26, s14  }
0xc: {  	s24 =	ssub.s32 s12, s23;
	s12 =	sadd.s32 s28, s29;
	s23 =	simm.s32 $0x0  }
0xd: {  	s9 =	sshrl.u32 s9, $0x3;
	s10 =	sshrl.u32 s10, $0x3;
	s7 =	smax.u32 s24, $0x1  }
0xe: {  	s30 =	sadd.s32 s14, s13;
	s13 =	simm.s32 $0x2800;
	s11 =	sadd.s32 s9, s5  }
0xf: {  	s5 =	sadd.s32 s6, s9;
	s10 =	sadd.s32 s14, s10;
	s9 =	sadd.s32 s25, s15  }
0x10: {  	s15 =	simm.s32 $0x5000;
	s6 =	sadd.s32 $0xA800, s11;
	s8 =	sadd.s32 $0x27000, s10  }
0x11: {  	s31 =	sshrl.u32 s9, $0x3;
	s9 =	sadd.s32 $0x27800, s30;
	s11 =	sadd.s32 $0x800, s12  }
0x12: {  	s12 =	simm.s32 $0x5;
	s10 =	sadd.s32 s31, s14;
	s14 =	simm.s32 $0x80  }
.LBB2_1:
0x13: {  	[tilespmem:s2], [sflag:$0x5] =	stream.linear.gather [hbm4b:s5+s2], $0x2800, $0x38;
	[tilespmem:$0xD000] =	vst v63  }
0x14: {  	_ =	swait.ge [sflag:s12], $0x2800  }
0x15: {  	[sflag:s12] =	ssyncset.done $0x0  }
0x16: {  	[sflag:s12] =	ssyncadd.s32 $0xFFFFD800  }
0x17: {  	[tilespmem:s13], [sflag:$0x5] =	stream.linear.gather [hbm4b:s6+s2], $0x2800, $0x38;
	[tilespmem:$0xD000] =	vst v63  }
0x18: {  	_ =	swait.ge [sflag:s12], $0x2800  }
0x19: {  	[sflag:s12] =	ssyncset.done $0x0  }
0x1a: {  	[sflag:s12] =	ssyncadd.s32 $0xFFFFD800  }
0x1b: {  	[tilespmem:s15], [sflag:$0x1] =	stream.indirect.gather [hbm4b:s3+s14], $0x80, s2, s14, $0xb8;
	[tilespmem:$0xD000] =	vst v63  }
0x1c: {  	_ = 	snop  }
0x1d: {  	[tilespmem:s16], [sflag:$0x2] =	stream.indirect.gather [hbm4b:s3+s14], $0x80, s14, s14, $0xb8;
	[tilespmem:$0xD000] =	vst v63  }
0x1e: {  	_ =	swait.ge [sflag:s17], $0x4000  }
0x1f: {  	[sflag:s17] =	ssyncset.done $0x0  }
0x20: {  	s24 =	simm.s32 $0x2800;
	[sflag:s17] =	ssyncadd.s32 $0xFFFFC000  }
0x21: {  	[tilespmem:s15], [sflag:$0x5] =	stream.indirect.gather.add.f32 [hbm:s4], $0x80, s24, s14, $0xb8;
	[tilespmem:$0xD000] =	vst v63  }
0x22: {  	_ =	swait.ge [sflag:s12], $0x4000  }
0x23: {  	[sflag:s12] =	ssyncset.done $0x0  }
0x24: {  	[sflag:s12] =	ssyncadd.s32 $0xFFFFC000  }
0x25: {  	[hbm4b:s10+s2] =	stream.linear.scatter [tilespmem:s15], [sflag:$0x3], $0x4000, $0x38;
	[tilespmem:$0xD000] =	vst v63  }
0x26: {  	_ =	swait.ge [sflag:s18], $0x4000  }
0x27: {  	[sflag:s18] =	ssyncset.done $0x0  }
0x28: {  	s30 =	simm.s32 $0x100;
	[sflag:s18] =	ssyncadd.s32 $0xFFFFC000  }
0x29: {  	[tilespmem:s15], [sflag:$0x1] =	stream.indirect.gather [hbm4b:s3+s14], $0x80, s30, s14, $0xb8;
	[tilespmem:$0xD000] =	vst v63  }
0x2a: {  	_ =	swait.ge [sflag:s19], $0x4000  }
0x2b: {  	[sflag:s19] =	ssyncset.done $0x0  }
0x2c: {  	s31 =	simm.s32 $0x2880;
	[sflag:s19] =	ssyncadd.s32 $0xFFFFC000  }
0x2d: {  	[tilespmem:s16], [sflag:$0x5] =	stream.indirect.gather.add.f32 [hbm:s4], $0x80, s31, s14, $0xb8;
	[tilespmem:$0xD000] =	vst v63  }
0x2e: {  	_ =	swait.ge [sflag:s12], $0x4000  }
0x2f: {  	[sflag:s12] =	ssyncset.done $0x0  }
0x30: {  	[sflag:s12] =	ssyncadd.s32 $0xFFFFC000  }
0x31: {  	[hbm4b:s11+s2] =	stream.linear.scatter [tilespmem:s16], [sflag:$0x4], $0x4000, $0x38;
	[tilespmem:$0xD000] =	vst v63  }
0x32: {  	_ =	swait.ge [sflag:s20], $0x4000  }
0x33: {  	s25 =	sadd.s32 $0x1000, s11;
	s28 =	simm.s32 $0x180;
	[sflag:s20] =	ssyncset.done $0x0  }
0x34: {  	s26 =	sadd.s32 $0x1000, s10;
	s24 =	simm.s32 $0x400;
	[sflag:s20] =	ssyncadd.s32 $0xFFFFC000  }
.LBB2_2:
0x35: {  	[tilespmem:s16], [sflag:$0x2] =	stream.indirect.gather [hbm4b:s3+s14], $0x80, s28, s14, $0xb8;
	[tilespmem:$0xD000] =	vst v63  }
0x36: {  	s28 =	smov.u32 s24  }
0x37: {  	p0 =	sne.s32 s24, $0x9800;
	s24 =	sadd.s32 $0x400, s24;
	_ =	swait.ge [sflag:s17], $0x4000  }
0x38: {  	s28 =	sshra.s32 s28, $0x2;
	[sflag:s17] =	ssyncset.done $0x0  }
0x39: {  	s29 =	sadd.s32 $0x2800, s28;
	[sflag:s17] =	ssyncadd.s32 $0xFFFFC000  }
0x3a: {  	[tilespmem:s15], [sflag:$0x5] =	stream.indirect.gather.add.f32 [hbm:s4], $0x80, s29, s14, $0xb8;
	[tilespmem:$0xD000] =	vst v63  }
0x3b: {  	_ =	swait.ge [sflag:s12], $0x4000  }
0x3c: {  	[sflag:s12] =	ssyncset.done $0x0  }
0x3d: {  	[sflag:s12] =	ssyncadd.s32 $0xFFFFC000  }
0x3e: {  	[hbm4b:s26+s2] =	stream.linear.scatter [tilespmem:s15], [sflag:$0x3], $0x4000, $0x38;
	[tilespmem:$0xD000] =	vst v63  }
0x3f: {  	_ =	swait.ge [sflag:s18], $0x4000  }
0x40: {  	[sflag:s18] =	ssyncset.done $0x0  }
0x41: {  	s29 =	sadd.s32 $0x100, s28;
	[sflag:s18] =	ssyncadd.s32 $0xFFFFC000  }
0x42: {  	[tilespmem:s15], [sflag:$0x1] =	stream.indirect.gather [hbm4b:s3+s14], $0x80, s29, s14, $0xb8;
	[tilespmem:$0xD000] =	vst v63  }
0x43: {  	_ =	swait.ge [sflag:s19], $0x4000  }
0x44: {  	[sflag:s19] =	ssyncset.done $0x0  }
0x45: {  	s29 =	sadd.s32 $0x2880, s28;
	[sflag:s19] =	ssyncadd.s32 $0xFFFFC000  }
0x46: {  	[tilespmem:s16], [sflag:$0x5] =	stream.indirect.gather.add.f32 [hbm:s4], $0x80, s29, s14, $0xb8;
	[tilespmem:$0xD000] =	vst v63  }
0x47: {  	_ =	swait.ge [sflag:s12], $0x4000  }
0x48: {  	[sflag:s12] =	ssyncset.done $0x0  }
.Ltmp0:
0x49: {  	[sflag:s12] =	ssyncadd.s32 $0xFFFFC000;
	(pc) =	sbr.rel @p0 .LBB2_2-.Ltmp0, $4  }
0x4a: {  	[hbm4b:s25+s2] =	stream.linear.scatter [tilespmem:s16], [sflag:$0x4], $0x4000, $0x38;
	[tilespmem:$0xD000] =	vst v63  }
0x4b: {  	_ =	swait.ge [sflag:s20], $0x4000  }
0x4c: {  	s25 =	sadd.s32 $0x1000, s25;
	[sflag:s20] =	ssyncset.done $0x0  }
0x4d: {  	s26 =	sadd.s32 $0x1000, s26;
	s28 =	sadd.s32 $0x180, s28;
	[sflag:s20] =	ssyncadd.s32 $0xFFFFC000  }
0x4e: {  	[tilespmem:s16], [sflag:$0x2] =	stream.indirect.gather [hbm4b:s3+s14], $0x80, s28, s14, $0xb8;
	[tilespmem:$0xD000] =	vst v63  }
0x4f: {  	_ =	swait.ge [sflag:s17], $0x4000  }
0x50: {  	[sflag:s17] =	ssyncset.done $0x0  }
0x51: {  	[sflag:s17] =	ssyncadd.s32 $0xFFFFC000  }
0x52: {  	[tilespmem:s15], [sflag:$0x5] =	stream.indirect.gather.add.f32 [hbm:s4], $0x80, s21, s14, $0xb8;
	[tilespmem:$0xD000] =	vst v63  }
0x53: {  	_ =	swait.ge [sflag:s12], $0x4000  }
0x54: {  	[sflag:s12] =	ssyncset.done $0x0  }
0x55: {  	[sflag:s12] =	ssyncadd.s32 $0xFFFFC000  }
0x56: {  	[hbm4b:s8+s2] =	stream.linear.scatter [tilespmem:s15], [sflag:$0x3], $0x4000, $0x38;
	[tilespmem:$0xD000] =	vst v63  }
0x57: {  	_ =	swait.ge [sflag:s19], $0x4000  }
0x58: {  	[sflag:s19] =	ssyncset.done $0x0  }
0x59: {  	[sflag:s19] =	ssyncadd.s32 $0xFFFFC000  }
0x5a: {  	[tilespmem:s16], [sflag:$0x5] =	stream.indirect.gather.add.f32 [hbm:s4], $0x80, s22, s14, $0xb8;
	[tilespmem:$0xD000] =	vst v63  }
0x5b: {  	_ =	swait.ge [sflag:s12], $0x4000  }
0x5c: {  	[sflag:s12] =	ssyncset.done $0x0  }
0x5d: {  	s23 =	sadd.s32 $0x1, s23;
	[sflag:s12] =	ssyncadd.s32 $0xFFFFC000  }
0x5e: {  	[hbm4b:s9+s2] =	stream.linear.scatter [tilespmem:s16], [sflag:$0x4], $0x4000, $0x38;
	[tilespmem:$0xD000] =	vst v63  }
0x5f: {  	p0 =	sne.s32 s23, s7;
	_ =	swait.ge [sflag:s18], $0x4000  }
.Ltmp1:
0x60: {  	[sflag:s18] =	ssyncset.done $0x0;
	(pc) =	sbr.rel @p0 .LBB2_1-.Ltmp1, $4  }
0x61: {  	[sflag:s18] =	ssyncadd.s32 $0xFFFFC000  }
0x62: {  	_ =	swait.ge [sflag:s20], $0x4000  }
0x63: {  	[sflag:s20] =	ssyncset.done $0x0  }
0x64: {  	[sflag:s20] =	ssyncadd.s32 $0xFFFFC000  }
0x65: {  	_ =	sfence.sel $0x180000  }
0x66: {  	[bflag:$0x0] =	sbarrier.arrive $0xFFFF  }
0x67: {  	p0 =	sne.s32 s0, $0x0;
	_ =	strace $0x90000047  }
0x68: {  	s0 =	sadd.s32 @!p0 $0x100000, s1;
	[bflag:$0x2] =	sbarrier.arrive $0xFFFF  }
0x69: {  	[sflag:s0] =	ssyncadd.tile.s32 @!p0 $0x1;
	_ =	shalt  }
.Lfunc_end2:
_tile_overlayer_lowered:
.L_overlay_start_2:
0x6a: {  	(tag) =	ssettag $0x2  }
0x6b: {  	s0 =	rddreg [dreg:$0x0];
	s2 =	stileid.u32  }
0x6c: {  	s1 =	rddreg [dreg:$0x1];
	p0 =	sne.s32 s2, $0x0  }
0x6d: {  	s3 =	rddreg [dreg:$0x2];
	[bflag:$0x3] =	sbarrier.arrive $0xFFFF;
	s2 =	simm.s32 @!p0 $0x1C05  }
0x6e: {  	[timem:s3], [sflag:s2] =	dma.local @!p0 [hbm:s0], s1  }
0x6f: {  	s0 =	simm.s32 @!p0 $0x5  }
0x70: {  	_ =	swait.ge @!p0 [sflag:s0], s1  }
0x71: {  	s1 =	ssub.s32 @!p0 $0x0, s1;
	[sflag:s0] =	ssyncset.done @!p0 $0x0  }
0x72: {  	[sflag:s0] =	ssyncadd.s32 @!p0 s1  }
0x73: {  	[bflag:$0x3] =	sbarrier.arrive $0xFFFF  }
0x74: {  	_ =	shalt  }

// kernel: kernel.15.cloned.1.call-start
scs
__scs_entry_jumppad:
0x0: {  	(pc) =	sbr.rel $0x88, $3  }
0x1: {  	(tag) =	ssettag $0x0;
	lr =	simm.s32 $0x1  }
0x2: {  	[smem:$0x3F6A] =	sst lr;
	_ =	strace $0xD0000000  }
0x3: {  	_ = 	snop  }
0x4: {  	_ = 	snop  }
0x5: {  	_ = 	snop  }
0x6: {  	_ = 	snop  }
0x7: {  	_ = 	snop  }
__scs_overlays_trampoline_lowered:
0x8: {  	[smem:$0x3F79] =	sst s0  }
0x9: {  	[smem:$0x3F7A] =	sst s1  }
0xa: {  	[smem:$0x3F7B] =	sst s2  }
0xb: {  	[smem:$0x3F7C] =	sst s3  }
0xc: {  	[smem:$0x3F7D] =	sst s4  }
0xd: {  	[smem:$0x3F7E] =	sst s5  }
0xe: {  	[smem:$0x3F7F] =	sst s6  }
0xf: {  	[smem:$0x3F80] =	sst s7  }
0x10: {  	[smem:$0x3F81] =	sst s8  }
0x11: {  	[smem:$0x3F82] =	sst s9;
	s0 =	simm.s32 @!p0 $0x0  }
0x12: {  	s1 =	sld [smem:$0x3F68];
	s0 =	simm.s32 @p0 $0x1  }
0x13: {  	[smem:$0x3F83] =	sst s0;
	s0 =	simm.s32 @!p1 $0x0  }
0x14: {  	s2 =	sld [smem:$0x3F67];
	s0 =	simm.s32 @p1 $0x1  }
0x15: {  	[smem:$0x3F84] =	sst s0;
	s0 =	simm.s32 @!p2 $0x0  }
0x16: {  	s3 =	sld [smem:$0x3FDB];
	s0 =	simm.s32 @p2 $0x1  }
0x17: {  	s4 =	simm.s32 $0x1BF5;
	[smem:$0x3F86] =	sst s0  }
0x18: {  	s0 =	sld [smem:$0x3F69];
	_ =	swait.ge [sflag:s4], $0x0  }
0x19: {  	s7 =	sld [smem:$0x3F6A]  }
0x1a: {  	s8 =	sadd.s32 $0xFFFFE003, lr  }
0x1b: {  	s9 =	sadd.s32 $0xFFFFFEF7, lr;
	s5 =	simm.s32 $0xFFFFFFFF;
	p2 =	slt.u32 s8, $0xFFFFF086  }
0x1c: {  	p1 =	slt.u32 s9, $0xF7A;
	s5 =	simm.s32 @!p2 $0x0  }
0x1d: {  	s5 =	simm.s32 @p1 $0x1;
	p0 =	seq.s32 s7, s2  }
0x1e: {  	s7 =	smul.u32 @!p0 $0xF7A, s2;
	p2 =	seq.s32 @!p0 s5, $0x0  }
0x1f: {  	s9 =	smul.u32 $0xF7A, s1;
	s8 =	simm.s32 @!p0 $0x1BF5;
	p2 =	por !p2, p0  }
0x20: {  	[sflag:s8] =	ssyncset.s32 @!p0 $0xFFFFF086;
	s6 =	sadd.s32 @!p0 s3, s7;
	s7 =	simm.s32 @!p0 $0x108  }
0x21: {  	s3 =	sadd.s32 s3, s9;
	s6 =	sadd.s32 @!p0 $0x88, s6;
	s7 =	simm.s32 @p2 $0x1082  }
0x22: {  	[simem:s7], [sflag:s8] =	dma.local @!p0 [hbm:s6], $0xF7A  }
0x23: {  	s9 =	sor.u32 $0xD0000000, s2;
	s6 =	simm.s32 $0x108;
	_ =	swait.ge @!p0 [sflag:s8], $0x0  }
0x24: {  	s3 =	sadd.s32 $0x88, s3;
	s6 =	simm.s32 @!p1 $0x1082;
	[sflag:s4] =	ssyncset.s32 $0xFFFFF086  }
0x25: {  	[simem:s6], [sflag:s4] =	dma.local [hbm:s3], $0xF7A  }
0x26: {  	[smem:$0x3F6A] =	sst s1;
	(tag) =	ssettag s2;
	_ =	strace s9  }
0x27: {  	s1 =	sld [smem:$0x3F7A]  }
0x28: {  	s2 =	sld [smem:$0x3F7B]  }
0x29: {  	s4 =	sld [smem:$0x3F7D]  }
0x2a: {  	p0 =	seq.s32 s5, $0x0;
	s5 =	sld [smem:$0x3F7E]  }
0x2b: {  	s6 =	sld [smem:$0x3F7F]  }
0x2c: {  	s7 =	sld [smem:$0x3F80]  }
0x2d: {  	s3 =	simm.s32 $0x108;
	s8 =	sld [smem:$0x3F81]  }
0x2e: {  	s3 =	simm.s32 @!p0 $0x1082;
	s9 =	sld [smem:$0x3F82]  }
0x2f: {  	lr =	sadd.s32 s0, s3;
	s0 =	sld [smem:$0x3F79]  }
0x30: {  	s3 =	sld [smem:$0x3F7C]  }
0x31: {  	[smem:$0x3F85] =	sst s10  }
0x32: {  	s10 =	sld [smem:$0x3F83];
	_ =	sdelay $0x3  }
0x33: {  	p0 =	seq.s32 s10, $0x1;
	s10 =	sld [smem:$0x3F85];
	_ =	sdelay $0x3  }
0x34: {  	[smem:$0x3F85] =	sst s10  }
0x35: {  	s10 =	sld [smem:$0x3F84];
	_ =	sdelay $0x3  }
0x36: {  	p1 =	seq.s32 s10, $0x1;
	s10 =	sld [smem:$0x3F85];
	_ =	sdelay $0x3  }
0x37: {  	[smem:$0x3F85] =	sst s10  }
0x38: {  	s10 =	sld [smem:$0x3F86]  }
0x39: {  	_ = 	snop;
	(pc) =	sbr.ind lr, $3  }
0x3a: {  	_ = 	snop  }
0x3b: {  	_ = 	snop  }
0x3c: {  	p2 =	seq.s32 s10, $0x1;
	s10 =	sld [smem:$0x3F85]  }
0x3d: {  	_ =	shalt  }
0x3e: {  	_ =	shalt  }
0x3f: {  	_ =	shalt  }
0x40: {  	_ =	shalt  }
0x41: {  	_ =	shalt  }
0x42: {  	_ =	shalt  }
0x43: {  	_ =	shalt  }
0x44: {  	_ =	shalt  }
0x45: {  	_ =	shalt  }
0x46: {  	_ =	shalt  }
0x47: {  	_ =	shalt  }
0x48: {  	_ =	shalt  }
0x49: {  	_ =	shalt  }
0x4a: {  	_ =	shalt  }
0x4b: {  	_ =	shalt  }
0x4c: {  	_ =	shalt  }
0x4d: {  	_ =	shalt  }
0x4e: {  	_ =	shalt  }
0x4f: {  	_ =	shalt  }
0x50: {  	_ =	shalt  }
0x51: {  	_ =	shalt  }
0x52: {  	_ =	shalt  }
0x53: {  	_ =	shalt  }
0x54: {  	_ =	shalt  }
0x55: {  	_ =	shalt  }
0x56: {  	_ =	shalt  }
0x57: {  	_ =	shalt  }
0x58: {  	_ =	shalt  }
0x59: {  	_ =	shalt  }
0x5a: {  	_ =	shalt  }
0x5b: {  	_ =	shalt  }
0x5c: {  	_ =	shalt  }
0x5d: {  	_ =	shalt  }
0x5e: {  	_ =	shalt  }
0x5f: {  	_ =	shalt  }
0x60: {  	_ =	shalt  }
0x61: {  	_ =	shalt  }
0x62: {  	_ =	shalt  }
0x63: {  	_ =	shalt  }
0x64: {  	_ =	shalt  }
0x65: {  	_ =	shalt  }
0x66: {  	_ =	shalt  }
0x67: {  	_ =	shalt  }
0x68: {  	_ =	shalt  }
0x69: {  	_ =	shalt  }
0x6a: {  	_ =	shalt  }
0x6b: {  	_ =	shalt  }
0x6c: {  	_ =	shalt  }
0x6d: {  	_ =	shalt  }
0x6e: {  	_ =	shalt  }
0x6f: {  	_ =	shalt  }
0x70: {  	_ =	shalt  }
0x71: {  	_ =	shalt  }
0x72: {  	_ =	shalt  }
0x73: {  	_ =	shalt  }
0x74: {  	_ =	shalt  }
0x75: {  	_ =	shalt  }
0x76: {  	_ =	shalt  }
0x77: {  	_ =	shalt  }
0x78: {  	_ =	shalt  }
0x79: {  	_ =	shalt  }
0x7a: {  	_ =	shalt  }
0x7b: {  	_ =	shalt  }
0x7c: {  	_ =	shalt  }
0x7d: {  	_ =	shalt  }
0x7e: {  	_ =	shalt  }
0x7f: {  	_ =	shalt  }
0x80: {  	_ =	shalt  }
0x81: {  	_ =	shalt  }
0x82: {  	_ =	shalt  }
0x83: {  	_ =	shalt  }
0x84: {  	_ =	shalt  }
0x85: {  	_ =	shalt  }
0x86: {  	_ =	shalt  }
0x87: {  	_ =	shalt  }
.Lfunc_end0:
.L_simem_size_0:
called_computation.1_lowered:
.L_overlay_start_0:
0x88: {  	s2 =	sld [smem:$0x3FD9]  }
0x89: {  	s3 =	sld [smem:$0x3FFE];
	_ =	sdelay $0x1  }
0x8a: {  	s1 =	srdreg.scid  }
0x8b: {  	s0 =	sand.u32 $0x1, s1  }
0x8c: {  	s16 =	sshll.u32 s0, $0xA;
	s2 =	sadd.s32 s3, s2  }
0x8d: {  	s2 =	sadd.s32 s2, s16  }
0x8e: {  	[smem:$0x3F91] =	sst s2  }
0x8f: {  	_ = 	snop  }
0x90: {  	(tm) =	ssettm $0x1  }
0x91: {  	s17 =	sld [smem:$0x3FFB];
	_ =	sdelay $0x3  }
0x92: {  	_ =	strace s17  }
0x93: {  	s2 =	sld [smem:$0x3FFC];
	_ =	sdelay $0x3  }
0x94: {  	_ =	strace s2  }
0x95: {  	s2 =	sld [smem:$0x3FFD];
	_ =	sdelay $0x3  }
0x96: {  	_ =	strace s2  }
0x97: {  	_ =	strace $0x8FFFFFFF  }
0x98: {  	s18 =	sld [smem:$0x3FDB];
	_ =	sdelay $0x1  }
0x99: {  	s19 =	simm.s32 $_scs_section_size  }
0x9a: {  	s4 =	simm.s32 $_size__tile_overlayer_lowered;
	s5 =	simm.s32 $_tile_overlayer_lowered  }
0x9b: {  	s22 =	simm.s32 $0x1BFF;
	s21 =	sshll.u32 s5, $0x1;
	s2 =	sadd.s32 s19, s18  }
0x9c: {  	s6 =	simm.s32 $0x0;
	s20 =	sshll.u32 s4, $0x1;
	s4 =	sadd.s32 s21, s2  }
0x9d: {  	[timem:s6], [sflag:s22] =	dma.local [hbm:s4], s20  }
0x9e: {  	_ =	swait.ge [sflag:s22], s20  }
0x9f: {  	s3 =	ssub.s32 $0x0, s20;
	[sflag:s22] =	ssyncset.done $0x0  }
0xa0: {  	[sflag:s22] =	ssyncadd.s32 s3;
	_ =	sdelay $0x1  }
0xa1: {  	s23 =	simm.s32 $0x1B8B  }
0xa2: {  	_ =	swait.ge [sflag:s23], $0x1  }
0xa3: {  	[sflag:s23] =	ssyncset.done $0x0  }
0xa4: {  	s25 =	simm.s32 $0x1B8E;
	s24 =	sld [smem:$0x3FFE];
	[sflag:s23] =	ssyncadd.s32 $0xFFFFFFFF  }
0xa5: {  	s26 =	simm.s32 $execute0_lowered;
	[smem:$0x3FD2] =	sst s25  }
0xa6: {  	s4 =	sshll.u32 s26, $0x1;
	_ =	strace $0x80000049;
	[dreg:$0x1] =	wrdreg $0xFFFFFFFF  }
0xa7: {  	s28 =	simm.s32 $_size_execute0_lowered;
	s2 =	sadd.s32 s2, s4;
	[dreg:$0x0] =	wrdreg $0x0  }
0xa8: {  	s4 =	sshll.u32 s28, $0x1;
	[dreg:$0x2] =	wrdreg s2  }
0xa9: {  	[dreg:$0x3] =	wrdreg s4  }
0xaa: {  	[dreg:$0x4] =	wrdreg $0xC0  }
0xab: {  	_ =	task [dreg:s6], $0x5FFFF  }
0xac: {  	[dreg:$0x1] =	wrdreg $0xFFFFFFFF  }
0xad: {  	[dreg:$0x0] =	wrdreg $0x60  }
0xae: {  	[dreg:$0x2] =	wrdreg s24  }
0xaf: {  	[dreg:$0x3] =	wrdreg $0xA8000  }
0xb0: {  	[dreg:$0x4] =	wrdreg $0x9  }
0xb1: {  	_ =	task.clear_ibuf [dreg:s6], $0x5FFFF;
	_ =	strace $0x90000049  }
0xb2: {  	s29 =	simm.s32 $0x9;
	_ =	strace $0x8000004B  }
0xb3: {  	_ =	swait.ge [sflag:s29], $0x1  }
0xb4: {  	[sflag:s29] =	ssyncadd.s32 $0xFFFFFFFF  }
0xb5: {  	_ =	strace $0x9000004B  }
0xb6: {  	_ =	sfence  }
0xb7: {  	s30 =	sld [smem:$0x0];
	_ =	sdelay $0x2  }
0xb8: {  	s31 =	sshll.u32 s1, $0xD;
	s1 =	sshrl.u32 s1, $0x2  }
0xb9: {  	s3 =	sand.u32 $0x4000, s31;
	s1 =	sadd.s32 s1, s30  }
0xba: {  	s0 =	sor.u32 s3, s0;
	s1 =	sshll.u32 s1, $0x11  }
0xbb: {  	s0 =	sor.u32 s1, s0  }
0xbc: {  	s0 =	sadd.s32 $0x8F2B, s0  }
0xbd: {  	[sflag:s0] =	ssyncadd.remote.s32 $0x1  }
0xbe: {  	_ =	sfence.sel $0xFFFF  }
0xbf: {  	[dreg:$0x0] =	wrdreg $0xFFFFFFFF;
	(pc) =	sbr.abs _section_cstart, $3  }
0xc0: {  	[dreg:$0x1] =	wrdreg $0xFFFFFFFF  }
0xc1: {  	_ =	task.clear_ibuf [dreg:s6], $0x2FFFF;
	_ =	strace $0x9FFFFFFF  }
0xc2: {  	(tm) =	ssettm $0x7FFFFFFF  }
0xc3: {  	_ =	shalt  }
tec
execute0_lowered:
.L_overlay_start_1:
0x0: {  	(tag) =	ssettag $0x1  }
0x1: {  	s1 =	srdreg.scid  }
0x2: {  	s0 =	stileid.u32;
	s5 =	rddreg [dreg:$0x0]  }
0x3: {  	s2 =	rddreg [dreg:$0x1];
	s3 =	simm.s32 $0x0;
	s16 =	simm.s32 $0x6800  }
0x4: {  	s17 =	simm.s32 $0x1;
	s18 =	simm.s32 $0x80;
	s19 =	simm.s32 $0x2  }
0x5: {  	s20 =	simm.s32 $0x2700;
	s21 =	simm.s32 $0x2780;
	s22 =	simm.s32 $0x0  }
0x6: {  	s4 =	sand.u32 $0x1, s1;
	s1 =	rddreg [dreg:$0x2];
	s8 =	smul.u32 $0x14000, s0  }
0x7: {  	s25 =	sshll.u32 s0, $0x1;
	[smem:$0x7FF] =	sst s3;
	s12 =	smul.u32 $0x50000, s0  }
0x8: {  	s11 =	sadd.s32 $0x58E000, s5;
	s13 =	smul.u32 $0x280000, s0;
	s31 =	sshll.u32 s0, $0x6  }
0x9: {  	s6 =	sor.u32 s4, s25;
	s9 =	smul.u32 $0x140000, s4;
	_ =	strace $0x8000004A  }
0xa: {  	s4 =	ssub.s32 $0x2, s4;
	s7 =	smul.u32 $0x500, s6;
	s10 =	sshrl.u32 s8, $0x3  }
0xb: {  	s6 =	smul.u32 $0x28000, s6;
	s26 =	sshrl.u32 s4, $0x1;
	s12 =	sshrl.u32 s12, $0x2  }
0xc: {  	s8 =	sadd.s32 s8, s9;
	s10 =	sadd.s32 s10, s5;
	s14 =	ssub.s32 s4, s26  }
0xd: {  	s15 =	sadd.s32 s12, s2;
	s28 =	sadd.s32 s9, s13;
	s7 =	sadd.s32 s7, s5  }
0xe: {  	s8 =	sshrl.u32 s8, $0x3;
	s6 =	sadd.s32 s11, s6;
	s29 =	sor.u32 $0xC000, s28  }
0xf: {  	s9 =	smax.u32 s14, $0x1;
	s13 =	sor.u32 $0x8000, s28;
	s14 =	sshrl.u32 s15, $0x3  }
0x10: {  	s15 =	simm.s32 $0x2800;
	s8 =	sadd.s32 s8, s5;
	s4 =	sadd.s32 $0xA800, s7  }
0x11: {  	s5 =	sadd.s32 $0x14800, s10;
	s7 =	sadd.s32 $0x800, s6;
	s12 =	sshrl.u32 s29, $0x3  }
0x12: {  	s30 =	sshrl.u32 s13, $0x3;
	s13 =	sor.u32 $0x1C03, s31;
	s8 =	sadd.s32 $0x8C800, s8  }
0x13: {  	s10 =	sadd.s32 s12, s11;
	s11 =	sadd.s32 s30, s11;
	s12 =	simm.s32 $0x3  }
.LBB2_1:
0x14: {  	[tilespmem:s3], [sflag:$0x3] =	stream.linear.gather [hbm4b:s4+s3], $0x2800, $0x38;
	[tilespmem:$0x1E800] =	vst v63  }
0x15: {  	_ =	swait.ge [sflag:s12], $0x2800  }
0x16: {  	[sflag:s12] =	ssyncset.done $0x0  }
0x17: {  	[sflag:s12] =	ssyncadd.s32 $0xFFFFD800  }
0x18: {  	[spmem:s14], [sflag:s13] =	dma.local [hbm:s5], $0x2800  }
0x19: {  	_ =	swait.ge [sflag:s12], $0x2800  }
0x1a: {  	[sflag:s12] =	ssyncset.done $0x0  }
0x1b: {  	[sflag:s12] =	ssyncadd.s32 $0xFFFFD800  }
0x1c: {  	[bflag:$0x0] =	sbarrier.arrive $0xFFFF  }
0x1d: {  	[tilespmem:s15], [sflag:$0x1] =	stream.linear.gather [hbm4b:s6+s3], $0x4000, $0x38;
	[tilespmem:$0x1E800] =	vst v63  }
0x1e: {  	_ = 	snop  }
0x1f: {  	[tilespmem:s16], [sflag:$0x2] =	stream.linear.gather [hbm4b:s7+s3], $0x4000, $0x38;
	[tilespmem:$0x1E800] =	vst v63  }
0x20: {  	_ =	swait.ge [sflag:s17], $0x4000  }
0x21: {  	[sflag:s17] =	ssyncset.done $0x0  }
0x22: {  	s23 =	simm.s32 $0x0;
	[sflag:s17] =	ssyncadd.s32 $0xFFFFC000  }
0x23: {  	[spmem:s2] =	stream.indirect.scatter.add.f32 [tilespmem:s15], [sflag:$0x3], $0x80, s23, s18, $0xb8;
	[tilespmem:$0x1E800] =	vst v63  }
0x24: {  	_ =	swait.ge [sflag:s12], $0x4000  }
0x25: {  	[sflag:s12] =	ssyncset.done $0x0  }
0x26: {  	s31 =	sadd.s32 $0x0, s11;
	[sflag:s12] =	ssyncadd.s32 $0xFFFFC000  }
0x27: {  	[tilespmem:s15], [sflag:$0x1] =	stream.linear.gather [hbm4b:s31+s3], $0x4000, $0x38;
	[tilespmem:$0x1E800] =	vst v63  }
0x28: {  	_ =	swait.ge [sflag:s19], $0x4000  }
0x29: {  	[sflag:s19] =	ssyncset.done $0x0  }
0x2a: {  	[sflag:s19] =	ssyncadd.s32 $0xFFFFC000  }
0x2b: {  	[spmem:s2] =	stream.indirect.scatter.add.f32 [tilespmem:s16], [sflag:$0x3], $0x80, s18, s18, $0xb8;
	[tilespmem:$0x1E800] =	vst v63  }
0x2c: {  	_ =	swait.ge [sflag:s12], $0x4000  }
0x2d: {  	s25 =	sadd.s32 $0x0, s10;
	[sflag:s12] =	ssyncset.done $0x0  }
0x2e: {  	s24 =	simm.s32 $0x180;
	s23 =	simm.s32 $0x1000;
	[sflag:s12] =	ssyncadd.s32 $0xFFFFC000  }
.LBB2_2:
0x2f: {  	[tilespmem:s16], [sflag:$0x2] =	stream.linear.gather [hbm4b:s25+s3], $0x4000, $0x38;
	[tilespmem:$0x1E800] =	vst v63  }
0x30: {  	s25 =	smov.u32 s23  }
0x31: {  	p0 =	sne.s32 s23, $0x26000;
	s23 =	sadd.s32 $0x1000, s23;
	_ =	swait.ge [sflag:s17], $0x4000  }
0x32: {  	[sflag:s17] =	ssyncset.done $0x0  }
0x33: {  	s26 =	sadd.s32 $0xFFFFFF80, s24;
	[sflag:s17] =	ssyncadd.s32 $0xFFFFC000  }
0x34: {  	[spmem:s2] =	stream.indirect.scatter.add.f32 [tilespmem:s15], [sflag:$0x3], $0x80, s26, s18, $0xb8;
	[tilespmem:$0x1E800] =	vst v63  }
0x35: {  	_ =	swait.ge [sflag:s12], $0x4000  }
0x36: {  	[sflag:s12] =	ssyncset.done $0x0  }
0x37: {  	s26 =	sadd.s32 s25, s11;
	[sflag:s12] =	ssyncadd.s32 $0xFFFFC000  }
0x38: {  	[tilespmem:s15], [sflag:$0x1] =	stream.linear.gather [hbm4b:s26+s3], $0x4000, $0x38;
	[tilespmem:$0x1E800] =	vst v63  }
0x39: {  	_ =	swait.ge [sflag:s19], $0x4000  }
0x3a: {  	[sflag:s19] =	ssyncset.done $0x0  }
.Ltmp0:
0x3b: {  	[sflag:s19] =	ssyncadd.s32 $0xFFFFC000;
	(pc) =	sbr.rel @p0 .LBB2_2-.Ltmp0, $4  }
0x3c: {  	[spmem:s2] =	stream.indirect.scatter.add.f32 [tilespmem:s16], [sflag:$0x3], $0x80, s24, s18, $0xb8;
	[tilespmem:$0x1E800] =	vst v63  }
0x3d: {  	_ =	swait.ge [sflag:s12], $0x4000  }
0x3e: {  	[sflag:s12] =	ssyncset.done $0x0  }
0x3f: {  	s25 =	sadd.s32 s25, s10;
	s24 =	sadd.s32 $0x100, s24;
	[sflag:s12] =	ssyncadd.s32 $0xFFFFC000  }
0x40: {  	[tilespmem:s16], [sflag:$0x2] =	stream.linear.gather [hbm4b:s25+s3], $0x4000, $0x38;
	[tilespmem:$0x1E800] =	vst v63  }
0x41: {  	_ =	swait.ge [sflag:s17], $0x4000  }
0x42: {  	[sflag:s17] =	ssyncset.done $0x0  }
0x43: {  	[sflag:s17] =	ssyncadd.s32 $0xFFFFC000  }
0x44: {  	[spmem:s2] =	stream.indirect.scatter.add.f32 [tilespmem:s15], [sflag:$0x3], $0x80, s20, s18, $0xb8;
	[tilespmem:$0x1E800] =	vst v63  }
0x45: {  	_ =	swait.ge [sflag:s12], $0x4000  }
0x46: {  	[sflag:s12] =	ssyncset.done $0x0  }
0x47: {  	[sflag:s12] =	ssyncadd.s32 $0xFFFFC000  }
0x48: {  	_ =	swait.ge [sflag:s19], $0x4000  }
0x49: {  	[sflag:s19] =	ssyncset.done $0x0  }
0x4a: {  	[sflag:s19] =	ssyncadd.s32 $0xFFFFC000  }
0x4b: {  	[spmem:s2] =	stream.indirect.scatter.add.f32 [tilespmem:s16], [sflag:$0x3], $0x80, s21, s18, $0xb8;
	[tilespmem:$0x1E800] =	vst v63  }
0x4c: {  	_ =	swait.ge [sflag:s12], $0x4000  }
0x4d: {  	s22 =	sadd.s32 $0x1, s22;
	[sflag:s12] =	ssyncset.done $0x0  }
0x4e: {  	p0 =	sne.s32 s22, s9;
	[sflag:s12] =	ssyncadd.s32 $0xFFFFC000  }
.Ltmp1:
0x4f: {  	[bflag:$0x0] =	sbarrier.arrive $0xFFFF;
	(pc) =	sbr.rel @p0 .LBB2_1-.Ltmp1, $4  }
0x50: {  	[hbm:s8], [sflag:s13] =	dma.local [spmem:s14], $0x2800  }
0x51: {  	_ =	swait.ge [sflag:s12], $0x2800  }
0x52: {  	[sflag:s12] =	ssyncset.done $0x0  }
0x53: {  	[sflag:s12] =	ssyncadd.s32 $0xFFFFD800  }
0x54: {  	_ =	sfence.sel $0x180000  }
0x55: {  	[bflag:$0x0] =	sbarrier.arrive $0xFFFF  }
0x56: {  	p0 =	sne.s32 s0, $0x0;
	_ =	strace $0x9000004A  }
0x57: {  	s0 =	sadd.s32 @!p0 $0x100000, s1;
	[bflag:$0x2] =	sbarrier.arrive $0xFFFF  }
0x58: {  	[sflag:s0] =	ssyncadd.tile.s32 @!p0 $0x1;
	_ =	shalt  }
.Lfunc_end2:
_tile_overlayer_lowered:
.L_overlay_start_2:
0x59: {  	(tag) =	ssettag $0x2  }
0x5a: {  	s0 =	rddreg [dreg:$0x0];
	s2 =	stileid.u32  }
0x5b: {  	s1 =	rddreg [dreg:$0x1];
	p0 =	sne.s32 s2, $0x0  }
0x5c: {  	s3 =	rddreg [dreg:$0x2];
	[bflag:$0x3] =	sbarrier.arrive $0xFFFF;
	s2 =	simm.s32 @!p0 $0x1C03  }
0x5d: {  	[timem:s3], [sflag:s2] =	dma.local @!p0 [hbm:s0], s1  }
0x5e: {  	s0 =	simm.s32 @!p0 $0x3  }
0x5f: {  	_ =	swait.ge @!p0 [sflag:s0], s1  }
0x60: {  	s1 =	ssub.s32 @!p0 $0x0, s1;
	[sflag:s0] =	ssyncset.done @!p0 $0x0  }
0x61: {  	[sflag:s0] =	ssyncadd.s32 @!p0 s1  }
0x62: {  	[bflag:$0x3] =	sbarrier.arrive $0xFFFF  }
0x63: {  	_ =	shalt  }

// kernel: kernel.18.cloned.1.call-start
scs
__scs_entry_jumppad:
0x0: {  	(pc) =	sbr.rel $0x88, $3  }
0x1: {  	(tag) =	ssettag $0x0;
	lr =	simm.s32 $0x1  }
0x2: {  	[smem:$0x3F6A] =	sst lr;
	_ =	strace $0xD0000000  }
0x3: {  	_ = 	snop  }
0x4: {  	_ = 	snop  }
0x5: {  	_ = 	snop  }
0x6: {  	_ = 	snop  }
0x7: {  	_ = 	snop  }
__scs_overlays_trampoline_lowered:
0x8: {  	[smem:$0x3F79] =	sst s0  }
0x9: {  	[smem:$0x3F7A] =	sst s1  }
0xa: {  	[smem:$0x3F7B] =	sst s2  }
0xb: {  	[smem:$0x3F7C] =	sst s3  }
0xc: {  	[smem:$0x3F7D] =	sst s4  }
0xd: {  	[smem:$0x3F7E] =	sst s5  }
0xe: {  	[smem:$0x3F7F] =	sst s6  }
0xf: {  	[smem:$0x3F80] =	sst s7  }
0x10: {  	[smem:$0x3F81] =	sst s8  }
0x11: {  	[smem:$0x3F82] =	sst s9;
	s0 =	simm.s32 @!p0 $0x0  }
0x12: {  	s1 =	sld [smem:$0x3F68];
	s0 =	simm.s32 @p0 $0x1  }
0x13: {  	[smem:$0x3F83] =	sst s0;
	s0 =	simm.s32 @!p1 $0x0  }
0x14: {  	s2 =	sld [smem:$0x3F67];
	s0 =	simm.s32 @p1 $0x1  }
0x15: {  	[smem:$0x3F84] =	sst s0;
	s0 =	simm.s32 @!p2 $0x0  }
0x16: {  	s3 =	sld [smem:$0x3FDB];
	s0 =	simm.s32 @p2 $0x1  }
0x17: {  	s4 =	simm.s32 $0x1BF5;
	[smem:$0x3F86] =	sst s0  }
0x18: {  	s0 =	sld [smem:$0x3F69];
	_ =	swait.ge [sflag:s4], $0x0  }
0x19: {  	s7 =	sld [smem:$0x3F6A]  }
0x1a: {  	s8 =	sadd.s32 $0xFFFFE003, lr  }
0x1b: {  	s9 =	sadd.s32 $0xFFFFFEF7, lr;
	s5 =	simm.s32 $0xFFFFFFFF;
	p2 =	slt.u32 s8, $0xFFFFF086  }
0x1c: {  	p1 =	slt.u32 s9, $0xF7A;
	s5 =	simm.s32 @!p2 $0x0  }
0x1d: {  	s5 =	simm.s32 @p1 $0x1;
	p0 =	seq.s32 s7, s2  }
0x1e: {  	s7 =	smul.u32 @!p0 $0xF7A, s2;
	p2 =	seq.s32 @!p0 s5, $0x0  }
0x1f: {  	s9 =	smul.u32 $0xF7A, s1;
	s8 =	simm.s32 @!p0 $0x1BF5;
	p2 =	por !p2, p0  }
0x20: {  	[sflag:s8] =	ssyncset.s32 @!p0 $0xFFFFF086;
	s6 =	sadd.s32 @!p0 s3, s7;
	s7 =	simm.s32 @!p0 $0x108  }
0x21: {  	s3 =	sadd.s32 s3, s9;
	s6 =	sadd.s32 @!p0 $0x88, s6;
	s7 =	simm.s32 @p2 $0x1082  }
0x22: {  	[simem:s7], [sflag:s8] =	dma.local @!p0 [hbm:s6], $0xF7A  }
0x23: {  	s9 =	sor.u32 $0xD0000000, s2;
	s6 =	simm.s32 $0x108;
	_ =	swait.ge @!p0 [sflag:s8], $0x0  }
0x24: {  	s3 =	sadd.s32 $0x88, s3;
	s6 =	simm.s32 @!p1 $0x1082;
	[sflag:s4] =	ssyncset.s32 $0xFFFFF086  }
0x25: {  	[simem:s6], [sflag:s4] =	dma.local [hbm:s3], $0xF7A  }
0x26: {  	[smem:$0x3F6A] =	sst s1;
	(tag) =	ssettag s2;
	_ =	strace s9  }
0x27: {  	s1 =	sld [smem:$0x3F7A]  }
0x28: {  	s2 =	sld [smem:$0x3F7B]  }
0x29: {  	s4 =	sld [smem:$0x3F7D]  }
0x2a: {  	p0 =	seq.s32 s5, $0x0;
	s5 =	sld [smem:$0x3F7E]  }
0x2b: {  	s6 =	sld [smem:$0x3F7F]  }
0x2c: {  	s7 =	sld [smem:$0x3F80]  }
0x2d: {  	s3 =	simm.s32 $0x108;
	s8 =	sld [smem:$0x3F81]  }
0x2e: {  	s3 =	simm.s32 @!p0 $0x1082;
	s9 =	sld [smem:$0x3F82]  }
0x2f: {  	lr =	sadd.s32 s0, s3;
	s0 =	sld [smem:$0x3F79]  }
0x30: {  	s3 =	sld [smem:$0x3F7C]  }
0x31: {  	[smem:$0x3F85] =	sst s10  }
0x32: {  	s10 =	sld [smem:$0x3F83];
	_ =	sdelay $0x3  }
0x33: {  	p0 =	seq.s32 s10, $0x1;
	s10 =	sld [smem:$0x3F85];
	_ =	sdelay $0x3  }
0x34: {  	[smem:$0x3F85] =	sst s10  }
0x35: {  	s10 =	sld [smem:$0x3F84];
	_ =	sdelay $0x3  }
0x36: {  	p1 =	seq.s32 s10, $0x1;
	s10 =	sld [smem:$0x3F85];
	_ =	sdelay $0x3  }
0x37: {  	[smem:$0x3F85] =	sst s10  }
0x38: {  	s10 =	sld [smem:$0x3F86]  }
0x39: {  	_ = 	snop;
	(pc) =	sbr.ind lr, $3  }
0x3a: {  	_ = 	snop  }
0x3b: {  	_ = 	snop  }
0x3c: {  	p2 =	seq.s32 s10, $0x1;
	s10 =	sld [smem:$0x3F85]  }
0x3d: {  	_ =	shalt  }
0x3e: {  	_ =	shalt  }
0x3f: {  	_ =	shalt  }
0x40: {  	_ =	shalt  }
0x41: {  	_ =	shalt  }
0x42: {  	_ =	shalt  }
0x43: {  	_ =	shalt  }
0x44: {  	_ =	shalt  }
0x45: {  	_ =	shalt  }
0x46: {  	_ =	shalt  }
0x47: {  	_ =	shalt  }
0x48: {  	_ =	shalt  }
0x49: {  	_ =	shalt  }
0x4a: {  	_ =	shalt  }
0x4b: {  	_ =	shalt  }
0x4c: {  	_ =	shalt  }
0x4d: {  	_ =	shalt  }
0x4e: {  	_ =	shalt  }
0x4f: {  	_ =	shalt  }
0x50: {  	_ =	shalt  }
0x51: {  	_ =	shalt  }
0x52: {  	_ =	shalt  }
0x53: {  	_ =	shalt  }
0x54: {  	_ =	shalt  }
0x55: {  	_ =	shalt  }
0x56: {  	_ =	shalt  }
0x57: {  	_ =	shalt  }
0x58: {  	_ =	shalt  }
0x59: {  	_ =	shalt  }
0x5a: {  	_ =	shalt  }
0x5b: {  	_ =	shalt  }
0x5c: {  	_ =	shalt  }
0x5d: {  	_ =	shalt  }
0x5e: {  	_ =	shalt  }
0x5f: {  	_ =	shalt  }
0x60: {  	_ =	shalt  }
0x61: {  	_ =	shalt  }
0x62: {  	_ =	shalt  }
0x63: {  	_ =	shalt  }
0x64: {  	_ =	shalt  }
0x65: {  	_ =	shalt  }
0x66: {  	_ =	shalt  }
0x67: {  	_ =	shalt  }
0x68: {  	_ =	shalt  }
0x69: {  	_ =	shalt  }
0x6a: {  	_ =	shalt  }
0x6b: {  	_ =	shalt  }
0x6c: {  	_ =	shalt  }
0x6d: {  	_ =	shalt  }
0x6e: {  	_ =	shalt  }
0x6f: {  	_ =	shalt  }
0x70: {  	_ =	shalt  }
0x71: {  	_ =	shalt  }
0x72: {  	_ =	shalt  }
0x73: {  	_ =	shalt  }
0x74: {  	_ =	shalt  }
0x75: {  	_ =	shalt  }
0x76: {  	_ =	shalt  }
0x77: {  	_ =	shalt  }
0x78: {  	_ =	shalt  }
0x79: {  	_ =	shalt  }
0x7a: {  	_ =	shalt  }
0x7b: {  	_ =	shalt  }
0x7c: {  	_ =	shalt  }
0x7d: {  	_ =	shalt  }
0x7e: {  	_ =	shalt  }
0x7f: {  	_ =	shalt  }
0x80: {  	_ =	shalt  }
0x81: {  	_ =	shalt  }
0x82: {  	_ =	shalt  }
0x83: {  	_ =	shalt  }
0x84: {  	_ =	shalt  }
0x85: {  	_ =	shalt  }
0x86: {  	_ =	shalt  }
0x87: {  	_ =	shalt  }
.Lfunc_end0:
.L_simem_size_0:
called_computation.2_lowered:
.L_overlay_start_0:
0x88: {  	s2 =	sld [smem:$0x3FD9]  }
0x89: {  	s3 =	sld [smem:$0x3FFE];
	_ =	sdelay $0x1  }
0x8a: {  	s1 =	srdreg.scid  }
0x8b: {  	s0 =	sand.u32 $0x1, s1  }
0x8c: {  	s14 =	sshll.u32 s0, $0xA;
	s2 =	sadd.s32 s3, s2  }
0x8d: {  	s2 =	sadd.s32 s2, s14  }
0x8e: {  	[smem:$0x3F91] =	sst s2  }
0x8f: {  	_ = 	snop  }
0x90: {  	s2 =	sld [smem:$0x3FD0];
	_ =	sdelay $0x2  }
0x91: {  	s15 =	simm.s32 $0xA;
	s4 =	simm.s32 $0x10  }
0x92: {  	[smem:s4], [sflag:s15] =	dma.local [hbm:s2], $0x1  }
0x93: {  	_ =	swait.eq [sflag:s15], $0x1  }
0x94: {  	[sflag:s15] =	ssyncset.done $0x0  }
0x95: {  	[sflag:s15] =	ssyncadd.s32 $0xFFFFFFFF  }
0x96: {  	s16 =	sld [smem:$0x11];
	(tm) =	ssettm $0x1  }
0x97: {  	s17 =	sld [smem:$0x3FFB];
	_ =	sdelay $0x3  }
0x98: {  	_ =	strace s17  }
0x99: {  	s3 =	sld [smem:$0x3FFC];
	_ =	sdelay $0x3  }
0x9a: {  	_ =	strace s3  }
0x9b: {  	s3 =	sld [smem:$0x3FFD];
	_ =	sdelay $0x3  }
0x9c: {  	_ =	strace s3  }
0x9d: {  	_ =	strace $0x8FFFFFFF  }
0x9e: {  	s18 =	sld [smem:$0x3FDB];
	_ =	sdelay $0x1  }
0x9f: {  	s19 =	simm.s32 $_scs_section_size  }
0xa0: {  	s5 =	simm.s32 $_size__tile_overlayer_lowered;
	s6 =	simm.s32 $_tile_overlayer_lowered  }
0xa1: {  	s22 =	simm.s32 $0x1BFF;
	s21 =	sshll.u32 s6, $0x1;
	s3 =	sadd.s32 s19, s18  }
0xa2: {  	s7 =	simm.s32 $0x0;
	s20 =	sshll.u32 s5, $0x1;
	s5 =	sadd.s32 s21, s3  }
0xa3: {  	[timem:s7], [sflag:s22] =	dma.local [hbm:s5], s20  }
0xa4: {  	_ =	swait.ge [sflag:s22], s20  }
0xa5: {  	s4 =	ssub.s32 $0x0, s20;
	[sflag:s22] =	ssyncset.done $0x0  }
0xa6: {  	[sflag:s22] =	ssyncadd.s32 s4;
	_ =	sdelay $0x1  }
0xa7: {  	s23 =	simm.s32 $0x1B8B  }
0xa8: {  	_ =	swait.ge [sflag:s23], $0x1  }
0xa9: {  	[sflag:s23] =	ssyncset.done $0x0  }
0xaa: {  	s25 =	simm.s32 $0x1B8E;
	s24 =	sld [smem:$0x3FFE];
	[sflag:s23] =	ssyncadd.s32 $0xFFFFFFFF  }
0xab: {  	s26 =	simm.s32 $execute0_lowered;
	[smem:$0x3FD2] =	sst s25  }
0xac: {  	s5 =	sshll.u32 s26, $0x1;
	_ =	strace $0x8000004C;
	[dreg:$0x1] =	wrdreg $0xFFFFFFFF  }
0xad: {  	s28 =	simm.s32 $_size_execute0_lowered;
	s3 =	sadd.s32 s3, s5;
	[dreg:$0x0] =	wrdreg $0x0  }
0xae: {  	s5 =	sshll.u32 s28, $0x1;
	[dreg:$0x2] =	wrdreg s3  }
0xaf: {  	[dreg:$0x3] =	wrdreg s5  }
0xb0: {  	[dreg:$0x4] =	wrdreg $0xC0  }
0xb1: {  	_ =	task [dreg:s7], $0x5FFFF  }
0xb2: {  	[dreg:$0x1] =	wrdreg $0xFFFFFFFF  }
0xb3: {  	[dreg:$0x0] =	wrdreg $0x60  }
0xb4: {  	[dreg:$0x2] =	wrdreg s24  }
0xb5: {  	[dreg:$0x3] =	wrdreg s16  }
0xb6: {  	[dreg:$0x4] =	wrdreg $0x9  }
0xb7: {  	_ =	task.clear_ibuf [dreg:s7], $0x5FFFF;
	_ =	strace $0x9000004C  }
0xb8: {  	s29 =	simm.s32 $0x9;
	_ =	strace $0x8000004E  }
0xb9: {  	_ =	swait.ge [sflag:s29], $0x1  }
0xba: {  	[sflag:s29] =	ssyncadd.s32 $0xFFFFFFFF  }
0xbb: {  	_ =	strace $0x9000004E  }
0xbc: {  	_ =	sfence  }
0xbd: {  	s30 =	sld [smem:$0x0];
	_ =	sdelay $0x2  }
0xbe: {  	s31 =	sshll.u32 s1, $0xD;
	s1 =	sshrl.u32 s1, $0x2  }
0xbf: {  	s3 =	sand.u32 $0x4000, s31;
	s1 =	sadd.s32 s1, s30  }
0xc0: {  	s0 =	sor.u32 s3, s0;
	s1 =	sshll.u32 s1, $0x11  }
0xc1: {  	s0 =	sor.u32 s1, s0  }
0xc2: {  	s0 =	sadd.s32 $0x8F2B, s0  }
0xc3: {  	[sflag:s0] =	ssyncadd.remote.s32 $0x1  }
0xc4: {  	_ =	sfence.sel $0xFFFF  }
0xc5: {  	[dreg:$0x0] =	wrdreg $0xFFFFFFFF;
	(pc) =	sbr.abs _section_cstart, $3  }
0xc6: {  	[dreg:$0x1] =	wrdreg $0xFFFFFFFF  }
0xc7: {  	_ =	task.clear_ibuf [dreg:s7], $0x2FFFF;
	_ =	strace $0x9FFFFFFF  }
0xc8: {  	(tm) =	ssettm $0x7FFFFFFF  }
0xc9: {  	_ =	shalt  }
tec
execute0_lowered:
.L_overlay_start_1:
0x0: {  	(tag) =	ssettag $0x1  }
0x1: {  	s5 =	rddreg [dreg:$0x0];
	s1 =	srdreg.scid  }
0x2: {  	s0 =	stileid.u32;
	s6 =	rddreg [dreg:$0x1]  }
0x3: {  	s2 =	simm.s32 $0x0;
	s16 =	simm.s32 $0x9000;
	s17 =	simm.s32 $0x1  }
0x4: {  	s18 =	simm.s32 $0x3;
	s19 =	simm.s32 $0x2;
	s20 =	simm.s32 $0x4  }
0x5: {  	s21 =	simm.s32 $0x4F00;
	s22 =	simm.s32 $0x4F80;
	s15 =	smul.u32 $0x280000, s0  }
0x6: {  	s8 =	sand.u32 $0x1, s1;
	s1 =	rddreg [dreg:$0x2];
	s26 =	smul.u32 $0x50000, s0  }
0x7: {  	s3 =	sshll.u32 s0, $0x1;
	[smem:$0x7FF] =	sst s2;
	s25 =	smul.u32 $0x140000, s8  }
0x8: {  	s4 =	sadd.s32 $0x64800, s5;
	s7 =	sor.u32 s8, s3;
	s28 =	smul.u32 $0x28000, s8  }
0x9: {  	s14 =	sadd.s32 $0xB4800, s5;
	_ =	strace $0x8000004D;
	s9 =	smul.u32 $0x2800, s7  }
0xa: {  	s3 =	sadd.s32 $0x3C800, s5;
	s12 =	ssub.s32 $0x2, s8;
	s10 =	smul.u32 $0x140000, s7  }
0xb: {  	s13 =	smul.u32 $0x28000, s7;
	s23 =	sshrl.u32 s12, $0x1;
	s29 =	sadd.s32 s26, s14  }
0xc: {  	s24 =	ssub.s32 s12, s23;
	s12 =	sadd.s32 s28, s29;
	s23 =	simm.s32 $0x0  }
0xd: {  	s9 =	sshrl.u32 s9, $0x3;
	s10 =	sshrl.u32 s10, $0x3;
	s7 =	smax.u32 s24, $0x1  }
0xe: {  	s30 =	sadd.s32 s14, s13;
	s13 =	simm.s32 $0x2800;
	s11 =	sadd.s32 s9, s5  }
0xf: {  	s5 =	sadd.s32 s6, s9;
	s10 =	sadd.s32 s14, s10;
	s9 =	sadd.s32 s25, s15  }
0x10: {  	s15 =	simm.s32 $0x5000;
	s6 =	sadd.s32 $0xA800, s11;
	s8 =	sadd.s32 $0x27000, s10  }
0x11: {  	s31 =	sshrl.u32 s9, $0x3;
	s9 =	sadd.s32 $0x27800, s30;
	s11 =	sadd.s32 $0x800, s12  }
0x12: {  	s12 =	simm.s32 $0x5;
	s10 =	sadd.s32 s31, s14;
	s14 =	simm.s32 $0x80  }
.LBB2_1:
0x13: {  	[tilespmem:s2], [sflag:$0x5] =	stream.linear.gather [hbm4b:s5+s2], $0x2800, $0x38;
	[tilespmem:$0xD000] =	vst v63  }
0x14: {  	_ =	swait.ge [sflag:s12], $0x2800  }
0x15: {  	[sflag:s12] =	ssyncset.done $0x0  }
0x16: {  	[sflag:s12] =	ssyncadd.s32 $0xFFFFD800  }
0x17: {  	[tilespmem:s13], [sflag:$0x5] =	stream.linear.gather [hbm4b:s6+s2], $0x2800, $0x38;
	[tilespmem:$0xD000] =	vst v63  }
0x18: {  	_ =	swait.ge [sflag:s12], $0x2800  }
0x19: {  	[sflag:s12] =	ssyncset.done $0x0  }
0x1a: {  	[sflag:s12] =	ssyncadd.s32 $0xFFFFD800  }
0x1b: {  	[tilespmem:s15], [sflag:$0x1] =	stream.indirect.gather [hbm4b:s3+s14], $0x80, s2, s14, $0xb8;
	[tilespmem:$0xD000] =	vst v63  }
0x1c: {  	_ = 	snop  }
0x1d: {  	[tilespmem:s16], [sflag:$0x2] =	stream.indirect.gather [hbm4b:s3+s14], $0x80, s14, s14, $0xb8;
	[tilespmem:$0xD000] =	vst v63  }
0x1e: {  	_ =	swait.ge [sflag:s17], $0x4000  }
0x1f: {  	[sflag:s17] =	ssyncset.done $0x0  }
0x20: {  	s24 =	simm.s32 $0x2800;
	[sflag:s17] =	ssyncadd.s32 $0xFFFFC000  }
0x21: {  	[tilespmem:s15], [sflag:$0x5] =	stream.indirect.gather.add.f32 [hbm:s4], $0x80, s24, s14, $0xb8;
	[tilespmem:$0xD000] =	vst v63  }
0x22: {  	_ =	swait.ge [sflag:s12], $0x4000  }
0x23: {  	[sflag:s12] =	ssyncset.done $0x0  }
0x24: {  	[sflag:s12] =	ssyncadd.s32 $0xFFFFC000  }
0x25: {  	[hbm4b:s10+s2] =	stream.linear.scatter [tilespmem:s15], [sflag:$0x3], $0x4000, $0x38;
	[tilespmem:$0xD000] =	vst v63  }
0x26: {  	_ =	swait.ge [sflag:s18], $0x4000  }
0x27: {  	[sflag:s18] =	ssyncset.done $0x0  }
0x28: {  	s30 =	simm.s32 $0x100;
	[sflag:s18] =	ssyncadd.s32 $0xFFFFC000  }
0x29: {  	[tilespmem:s15], [sflag:$0x1] =	stream.indirect.gather [hbm4b:s3+s14], $0x80, s30, s14, $0xb8;
	[tilespmem:$0xD000] =	vst v63  }
0x2a: {  	_ =	swait.ge [sflag:s19], $0x4000  }
0x2b: {  	[sflag:s19] =	ssyncset.done $0x0  }
0x2c: {  	s31 =	simm.s32 $0x2880;
	[sflag:s19] =	ssyncadd.s32 $0xFFFFC000  }
0x2d: {  	[tilespmem:s16], [sflag:$0x5] =	stream.indirect.gather.add.f32 [hbm:s4], $0x80, s31, s14, $0xb8;
	[tilespmem:$0xD000] =	vst v63  }
0x2e: {  	_ =	swait.ge [sflag:s12], $0x4000  }
0x2f: {  	[sflag:s12] =	ssyncset.done $0x0  }
0x30: {  	[sflag:s12] =	ssyncadd.s32 $0xFFFFC000  }
0x31: {  	[hbm4b:s11+s2] =	stream.linear.scatter [tilespmem:s16], [sflag:$0x4], $0x4000, $0x38;
	[tilespmem:$0xD000] =	vst v63  }
0x32: {  	_ =	swait.ge [sflag:s20], $0x4000  }
0x33: {  	s25 =	sadd.s32 $0x1000, s11;
	s28 =	simm.s32 $0x180;
	[sflag:s20] =	ssyncset.done $0x0  }
0x34: {  	s26 =	sadd.s32 $0x1000, s10;
	s24 =	simm.s32 $0x400;
	[sflag:s20] =	ssyncadd.s32 $0xFFFFC000  }
.LBB2_2:
0x35: {  	[tilespmem:s16], [sflag:$0x2] =	stream.indirect.gather [hbm4b:s3+s14], $0x80, s28, s14, $0xb8;
	[tilespmem:$0xD000] =	vst v63  }
0x36: {  	s28 =	smov.u32 s24  }
0x37: {  	p0 =	sne.s32 s24, $0x9800;
	s24 =	sadd.s32 $0x400, s24;
	_ =	swait.ge [sflag:s17], $0x4000  }
0x38: {  	s28 =	sshra.s32 s28, $0x2;
	[sflag:s17] =	ssyncset.done $0x0  }
0x39: {  	s29 =	sadd.s32 $0x2800, s28;
	[sflag:s17] =	ssyncadd.s32 $0xFFFFC000  }
0x3a: {  	[tilespmem:s15], [sflag:$0x5] =	stream.indirect.gather.add.f32 [hbm:s4], $0x80, s29, s14, $0xb8;
	[tilespmem:$0xD000] =	vst v63  }
0x3b: {  	_ =	swait.ge [sflag:s12], $0x4000  }
0x3c: {  	[sflag:s12] =	ssyncset.done $0x0  }
0x3d: {  	[sflag:s12] =	ssyncadd.s32 $0xFFFFC000  }
0x3e: {  	[hbm4b:s26+s2] =	stream.linear.scatter [tilespmem:s15], [sflag:$0x3], $0x4000, $0x38;
	[tilespmem:$0xD000] =	vst v63  }
0x3f: {  	_ =	swait.ge [sflag:s18], $0x4000  }
0x40: {  	[sflag:s18] =	ssyncset.done $0x0  }
0x41: {  	s29 =	sadd.s32 $0x100, s28;
	[sflag:s18] =	ssyncadd.s32 $0xFFFFC000  }
0x42: {  	[tilespmem:s15], [sflag:$0x1] =	stream.indirect.gather [hbm4b:s3+s14], $0x80, s29, s14, $0xb8;
	[tilespmem:$0xD000] =	vst v63  }
0x43: {  	_ =	swait.ge [sflag:s19], $0x4000  }
0x44: {  	[sflag:s19] =	ssyncset.done $0x0  }
0x45: {  	s29 =	sadd.s32 $0x2880, s28;
	[sflag:s19] =	ssyncadd.s32 $0xFFFFC000  }
0x46: {  	[tilespmem:s16], [sflag:$0x5] =	stream.indirect.gather.add.f32 [hbm:s4], $0x80, s29, s14, $0xb8;
	[tilespmem:$0xD000] =	vst v63  }
0x47: {  	_ =	swait.ge [sflag:s12], $0x4000  }
0x48: {  	[sflag:s12] =	ssyncset.done $0x0  }
.Ltmp0:
0x49: {  	[sflag:s12] =	ssyncadd.s32 $0xFFFFC000;
	(pc) =	sbr.rel @p0 .LBB2_2-.Ltmp0, $4  }
0x4a: {  	[hbm4b:s25+s2] =	stream.linear.scatter [tilespmem:s16], [sflag:$0x4], $0x4000, $0x38;
	[tilespmem:$0xD000] =	vst v63  }
0x4b: {  	_ =	swait.ge [sflag:s20], $0x4000  }
0x4c: {  	s25 =	sadd.s32 $0x1000, s25;
	[sflag:s20] =	ssyncset.done $0x0  }
0x4d: {  	s26 =	sadd.s32 $0x1000, s26;
	s28 =	sadd.s32 $0x180, s28;
	[sflag:s20] =	ssyncadd.s32 $0xFFFFC000  }
0x4e: {  	[tilespmem:s16], [sflag:$0x2] =	stream.indirect.gather [hbm4b:s3+s14], $0x80, s28, s14, $0xb8;
	[tilespmem:$0xD000] =	vst v63  }
0x4f: {  	_ =	swait.ge [sflag:s17], $0x4000  }
0x50: {  	[sflag:s17] =	ssyncset.done $0x0  }
0x51: {  	[sflag:s17] =	ssyncadd.s32 $0xFFFFC000  }
0x52: {  	[tilespmem:s15], [sflag:$0x5] =	stream.indirect.gather.add.f32 [hbm:s4], $0x80, s21, s14, $0xb8;
	[tilespmem:$0xD000] =	vst v63  }
0x53: {  	_ =	swait.ge [sflag:s12], $0x4000  }
0x54: {  	[sflag:s12] =	ssyncset.done $0x0  }
0x55: {  	[sflag:s12] =	ssyncadd.s32 $0xFFFFC000  }
0x56: {  	[hbm4b:s8+s2] =	stream.linear.scatter [tilespmem:s15], [sflag:$0x3], $0x4000, $0x38;
	[tilespmem:$0xD000] =	vst v63  }
0x57: {  	_ =	swait.ge [sflag:s19], $0x4000  }
0x58: {  	[sflag:s19] =	ssyncset.done $0x0  }
0x59: {  	[sflag:s19] =	ssyncadd.s32 $0xFFFFC000  }
0x5a: {  	[tilespmem:s16], [sflag:$0x5] =	stream.indirect.gather.add.f32 [hbm:s4], $0x80, s22, s14, $0xb8;
	[tilespmem:$0xD000] =	vst v63  }
0x5b: {  	_ =	swait.ge [sflag:s12], $0x4000  }
0x5c: {  	[sflag:s12] =	ssyncset.done $0x0  }
0x5d: {  	s23 =	sadd.s32 $0x1, s23;
	[sflag:s12] =	ssyncadd.s32 $0xFFFFC000  }
0x5e: {  	[hbm4b:s9+s2] =	stream.linear.scatter [tilespmem:s16], [sflag:$0x4], $0x4000, $0x38;
	[tilespmem:$0xD000] =	vst v63  }
0x5f: {  	p0 =	sne.s32 s23, s7;
	_ =	swait.ge [sflag:s18], $0x4000  }
.Ltmp1:
0x60: {  	[sflag:s18] =	ssyncset.done $0x0;
	(pc) =	sbr.rel @p0 .LBB2_1-.Ltmp1, $4  }
0x61: {  	[sflag:s18] =	ssyncadd.s32 $0xFFFFC000  }
0x62: {  	_ =	swait.ge [sflag:s20], $0x4000  }
0x63: {  	[sflag:s20] =	ssyncset.done $0x0  }
0x64: {  	[sflag:s20] =	ssyncadd.s32 $0xFFFFC000  }
0x65: {  	_ =	sfence.sel $0x180000  }
0x66: {  	[bflag:$0x0] =	sbarrier.arrive $0xFFFF  }
0x67: {  	p0 =	sne.s32 s0, $0x0;
	_ =	strace $0x9000004D  }
0x68: {  	s0 =	sadd.s32 @!p0 $0x100000, s1;
	[bflag:$0x2] =	sbarrier.arrive $0xFFFF  }
0x69: {  	[sflag:s0] =	ssyncadd.tile.s32 @!p0 $0x1;
	_ =	shalt  }
.Lfunc_end2:
_tile_overlayer_lowered:
.L_overlay_start_2:
0x6a: {  	(tag) =	ssettag $0x2  }
0x6b: {  	s0 =	rddreg [dreg:$0x0];
	s2 =	stileid.u32  }
0x6c: {  	s1 =	rddreg [dreg:$0x1];
	p0 =	sne.s32 s2, $0x0  }
0x6d: {  	s3 =	rddreg [dreg:$0x2];
	[bflag:$0x3] =	sbarrier.arrive $0xFFFF;
	s2 =	simm.s32 @!p0 $0x1C05  }
0x6e: {  	[timem:s3], [sflag:s2] =	dma.local @!p0 [hbm:s0], s1  }
0x6f: {  	s0 =	simm.s32 @!p0 $0x5  }
0x70: {  	_ =	swait.ge @!p0 [sflag:s0], s1  }
0x71: {  	s1 =	ssub.s32 @!p0 $0x0, s1;
	[sflag:s0] =	ssyncset.done @!p0 $0x0  }
0x72: {  	[sflag:s0] =	ssyncadd.s32 @!p0 s1  }
0x73: {  	[bflag:$0x3] =	sbarrier.arrive $0xFFFF  }
0x74: {  	_ =	shalt  }

// kernel: kernel.21.cloned.1.call-start
scs
__scs_entry_jumppad:
0x0: {  	(pc) =	sbr.rel $0x88, $3  }
0x1: {  	(tag) =	ssettag $0x0;
	lr =	simm.s32 $0x1  }
0x2: {  	[smem:$0x3F6A] =	sst lr;
	_ =	strace $0xD0000000  }
0x3: {  	_ = 	snop  }
0x4: {  	_ = 	snop  }
0x5: {  	_ = 	snop  }
0x6: {  	_ = 	snop  }
0x7: {  	_ = 	snop  }
__scs_overlays_trampoline_lowered:
0x8: {  	[smem:$0x3F79] =	sst s0  }
0x9: {  	[smem:$0x3F7A] =	sst s1  }
0xa: {  	[smem:$0x3F7B] =	sst s2  }
0xb: {  	[smem:$0x3F7C] =	sst s3  }
0xc: {  	[smem:$0x3F7D] =	sst s4  }
0xd: {  	[smem:$0x3F7E] =	sst s5  }
0xe: {  	[smem:$0x3F7F] =	sst s6  }
0xf: {  	[smem:$0x3F80] =	sst s7  }
0x10: {  	[smem:$0x3F81] =	sst s8  }
0x11: {  	[smem:$0x3F82] =	sst s9;
	s0 =	simm.s32 @!p0 $0x0  }
0x12: {  	s1 =	sld [smem:$0x3F68];
	s0 =	simm.s32 @p0 $0x1  }
0x13: {  	[smem:$0x3F83] =	sst s0;
	s0 =	simm.s32 @!p1 $0x0  }
0x14: {  	s2 =	sld [smem:$0x3F67];
	s0 =	simm.s32 @p1 $0x1  }
0x15: {  	[smem:$0x3F84] =	sst s0;
	s0 =	simm.s32 @!p2 $0x0  }
0x16: {  	s3 =	sld [smem:$0x3FDB];
	s0 =	simm.s32 @p2 $0x1  }
0x17: {  	s4 =	simm.s32 $0x1BF5;
	[smem:$0x3F86] =	sst s0  }
0x18: {  	s0 =	sld [smem:$0x3F69];
	_ =	swait.ge [sflag:s4], $0x0  }
0x19: {  	s7 =	sld [smem:$0x3F6A]  }
0x1a: {  	s8 =	sadd.s32 $0xFFFFE003, lr  }
0x1b: {  	s9 =	sadd.s32 $0xFFFFFEF7, lr;
	s5 =	simm.s32 $0xFFFFFFFF;
	p2 =	slt.u32 s8, $0xFFFFF086  }
0x1c: {  	p1 =	slt.u32 s9, $0xF7A;
	s5 =	simm.s32 @!p2 $0x0  }
0x1d: {  	s5 =	simm.s32 @p1 $0x1;
	p0 =	seq.s32 s7, s2  }
0x1e: {  	s7 =	smul.u32 @!p0 $0xF7A, s2;
	p2 =	seq.s32 @!p0 s5, $0x0  }
0x1f: {  	s9 =	smul.u32 $0xF7A, s1;
	s8 =	simm.s32 @!p0 $0x1BF5;
	p2 =	por !p2, p0  }
0x20: {  	[sflag:s8] =	ssyncset.s32 @!p0 $0xFFFFF086;
	s6 =	sadd.s32 @!p0 s3, s7;
	s7 =	simm.s32 @!p0 $0x108  }
0x21: {  	s3 =	sadd.s32 s3, s9;
	s6 =	sadd.s32 @!p0 $0x88, s6;
	s7 =	simm.s32 @p2 $0x1082  }
0x22: {  	[simem:s7], [sflag:s8] =	dma.local @!p0 [hbm:s6], $0xF7A  }
0x23: {  	s9 =	sor.u32 $0xD0000000, s2;
	s6 =	simm.s32 $0x108;
	_ =	swait.ge @!p0 [sflag:s8], $0x0  }
0x24: {  	s3 =	sadd.s32 $0x88, s3;
	s6 =	simm.s32 @!p1 $0x1082;
	[sflag:s4] =	ssyncset.s32 $0xFFFFF086  }
0x25: {  	[simem:s6], [sflag:s4] =	dma.local [hbm:s3], $0xF7A  }
0x26: {  	[smem:$0x3F6A] =	sst s1;
	(tag) =	ssettag s2;
	_ =	strace s9  }
0x27: {  	s1 =	sld [smem:$0x3F7A]  }
0x28: {  	s2 =	sld [smem:$0x3F7B]  }
0x29: {  	s4 =	sld [smem:$0x3F7D]  }
0x2a: {  	p0 =	seq.s32 s5, $0x0;
	s5 =	sld [smem:$0x3F7E]  }
0x2b: {  	s6 =	sld [smem:$0x3F7F]  }
0x2c: {  	s7 =	sld [smem:$0x3F80]  }
0x2d: {  	s3 =	simm.s32 $0x108;
	s8 =	sld [smem:$0x3F81]  }
0x2e: {  	s3 =	simm.s32 @!p0 $0x1082;
	s9 =	sld [smem:$0x3F82]  }
0x2f: {  	lr =	sadd.s32 s0, s3;
	s0 =	sld [smem:$0x3F79]  }
0x30: {  	s3 =	sld [smem:$0x3F7C]  }
0x31: {  	[smem:$0x3F85] =	sst s10  }
0x32: {  	s10 =	sld [smem:$0x3F83];
	_ =	sdelay $0x3  }
0x33: {  	p0 =	seq.s32 s10, $0x1;
	s10 =	sld [smem:$0x3F85];
	_ =	sdelay $0x3  }
0x34: {  	[smem:$0x3F85] =	sst s10  }
0x35: {  	s10 =	sld [smem:$0x3F84];
	_ =	sdelay $0x3  }
0x36: {  	p1 =	seq.s32 s10, $0x1;
	s10 =	sld [smem:$0x3F85];
	_ =	sdelay $0x3  }
0x37: {  	[smem:$0x3F85] =	sst s10  }
0x38: {  	s10 =	sld [smem:$0x3F86]  }
0x39: {  	_ = 	snop;
	(pc) =	sbr.ind lr, $3  }
0x3a: {  	_ = 	snop  }
0x3b: {  	_ = 	snop  }
0x3c: {  	p2 =	seq.s32 s10, $0x1;
	s10 =	sld [smem:$0x3F85]  }
0x3d: {  	_ =	shalt  }
0x3e: {  	_ =	shalt  }
0x3f: {  	_ =	shalt  }
0x40: {  	_ =	shalt  }
0x41: {  	_ =	shalt  }
0x42: {  	_ =	shalt  }
0x43: {  	_ =	shalt  }
0x44: {  	_ =	shalt  }
0x45: {  	_ =	shalt  }
0x46: {  	_ =	shalt  }
0x47: {  	_ =	shalt  }
0x48: {  	_ =	shalt  }
0x49: {  	_ =	shalt  }
0x4a: {  	_ =	shalt  }
0x4b: {  	_ =	shalt  }
0x4c: {  	_ =	shalt  }
0x4d: {  	_ =	shalt  }
0x4e: {  	_ =	shalt  }
0x4f: {  	_ =	shalt  }
0x50: {  	_ =	shalt  }
0x51: {  	_ =	shalt  }
0x52: {  	_ =	shalt  }
0x53: {  	_ =	shalt  }
0x54: {  	_ =	shalt  }
0x55: {  	_ =	shalt  }
0x56: {  	_ =	shalt  }
0x57: {  	_ =	shalt  }
0x58: {  	_ =	shalt  }
0x59: {  	_ =	shalt  }
0x5a: {  	_ =	shalt  }
0x5b: {  	_ =	shalt  }
0x5c: {  	_ =	shalt  }
0x5d: {  	_ =	shalt  }
0x5e: {  	_ =	shalt  }
0x5f: {  	_ =	shalt  }
0x60: {  	_ =	shalt  }
0x61: {  	_ =	shalt  }
0x62: {  	_ =	shalt  }
0x63: {  	_ =	shalt  }
0x64: {  	_ =	shalt  }
0x65: {  	_ =	shalt  }
0x66: {  	_ =	shalt  }
0x67: {  	_ =	shalt  }
0x68: {  	_ =	shalt  }
0x69: {  	_ =	shalt  }
0x6a: {  	_ =	shalt  }
0x6b: {  	_ =	shalt  }
0x6c: {  	_ =	shalt  }
0x6d: {  	_ =	shalt  }
0x6e: {  	_ =	shalt  }
0x6f: {  	_ =	shalt  }
0x70: {  	_ =	shalt  }
0x71: {  	_ =	shalt  }
0x72: {  	_ =	shalt  }
0x73: {  	_ =	shalt  }
0x74: {  	_ =	shalt  }
0x75: {  	_ =	shalt  }
0x76: {  	_ =	shalt  }
0x77: {  	_ =	shalt  }
0x78: {  	_ =	shalt  }
0x79: {  	_ =	shalt  }
0x7a: {  	_ =	shalt  }
0x7b: {  	_ =	shalt  }
0x7c: {  	_ =	shalt  }
0x7d: {  	_ =	shalt  }
0x7e: {  	_ =	shalt  }
0x7f: {  	_ =	shalt  }
0x80: {  	_ =	shalt  }
0x81: {  	_ =	shalt  }
0x82: {  	_ =	shalt  }
0x83: {  	_ =	shalt  }
0x84: {  	_ =	shalt  }
0x85: {  	_ =	shalt  }
0x86: {  	_ =	shalt  }
0x87: {  	_ =	shalt  }
.Lfunc_end0:
.L_simem_size_0:
called_computation.3_lowered:
.L_overlay_start_0:
0x88: {  	s2 =	sld [smem:$0x3FD9]  }
0x89: {  	s3 =	sld [smem:$0x3FFE];
	_ =	sdelay $0x1  }
0x8a: {  	s1 =	srdreg.scid  }
0x8b: {  	s0 =	sand.u32 $0x1, s1  }
0x8c: {  	s16 =	sshll.u32 s0, $0xA;
	s2 =	sadd.s32 s3, s2  }
0x8d: {  	s2 =	sadd.s32 s2, s16  }
0x8e: {  	[smem:$0x3F91] =	sst s2  }
0x8f: {  	_ = 	snop  }
0x90: {  	(tm) =	ssettm $0x1  }
0x91: {  	s17 =	sld [smem:$0x3FFB];
	_ =	sdelay $0x3  }
0x92: {  	_ =	strace s17  }
0x93: {  	s2 =	sld [smem:$0x3FFC];
	_ =	sdelay $0x3  }
0x94: {  	_ =	strace s2  }
0x95: {  	s2 =	sld [smem:$0x3FFD];
	_ =	sdelay $0x3  }
0x96: {  	_ =	strace s2  }
0x97: {  	_ =	strace $0x8FFFFFFF  }
0x98: {  	s18 =	sld [smem:$0x3FDB];
	_ =	sdelay $0x1  }
0x99: {  	s19 =	simm.s32 $_scs_section_size  }
0x9a: {  	s4 =	simm.s32 $_size__tile_overlayer_lowered;
	s5 =	simm.s32 $_tile_overlayer_lowered  }
0x9b: {  	s22 =	simm.s32 $0x1BFF;
	s21 =	sshll.u32 s5, $0x1;
	s2 =	sadd.s32 s19, s18  }
0x9c: {  	s6 =	simm.s32 $0x0;
	s20 =	sshll.u32 s4, $0x1;
	s4 =	sadd.s32 s21, s2  }
0x9d: {  	[timem:s6], [sflag:s22] =	dma.local [hbm:s4], s20  }
0x9e: {  	_ =	swait.ge [sflag:s22], s20  }
0x9f: {  	s3 =	ssub.s32 $0x0, s20;
	[sflag:s22] =	ssyncset.done $0x0  }
0xa0: {  	[sflag:s22] =	ssyncadd.s32 s3;
	_ =	sdelay $0x1  }
0xa1: {  	s23 =	simm.s32 $0x1B8B  }
0xa2: {  	_ =	swait.ge [sflag:s23], $0x1  }
0xa3: {  	[sflag:s23] =	ssyncset.done $0x0  }
0xa4: {  	s25 =	simm.s32 $0x1B8E;
	s24 =	sld [smem:$0x3FFE];
	[sflag:s23] =	ssyncadd.s32 $0xFFFFFFFF  }
0xa5: {  	s26 =	simm.s32 $execute0_lowered;
	[smem:$0x3FD2] =	sst s25  }
0xa6: {  	s4 =	sshll.u32 s26, $0x1;
	_ =	strace $0x8000004F;
	[dreg:$0x1] =	wrdreg $0xFFFFFFFF  }
0xa7: {  	s28 =	simm.s32 $_size_execute0_lowered;
	s2 =	sadd.s32 s2, s4;
	[dreg:$0x0] =	wrdreg $0x0  }
0xa8: {  	s4 =	sshll.u32 s28, $0x1;
	[dreg:$0x2] =	wrdreg s2  }
0xa9: {  	[dreg:$0x3] =	wrdreg s4  }
0xaa: {  	[dreg:$0x4] =	wrdreg $0xC0  }
0xab: {  	_ =	task [dreg:s6], $0x5FFFF  }
0xac: {  	[dreg:$0x1] =	wrdreg $0xFFFFFFFF  }
0xad: {  	[dreg:$0x0] =	wrdreg $0x60  }
0xae: {  	[dreg:$0x2] =	wrdreg s24  }
0xaf: {  	[dreg:$0x3] =	wrdreg $0xA8000  }
0xb0: {  	[dreg:$0x4] =	wrdreg $0x9  }
0xb1: {  	_ =	task.clear_ibuf [dreg:s6], $0x5FFFF;
	_ =	strace $0x9000004F  }
0xb2: {  	s29 =	simm.s32 $0x9;
	_ =	strace $0x80000051  }
0xb3: {  	_ =	swait.ge [sflag:s29], $0x1  }
0xb4: {  	[sflag:s29] =	ssyncadd.s32 $0xFFFFFFFF  }
0xb5: {  	_ =	strace $0x90000051  }
0xb6: {  	_ =	sfence  }
0xb7: {  	s30 =	sld [smem:$0x0];
	_ =	sdelay $0x2  }
0xb8: {  	s31 =	sshll.u32 s1, $0xD;
	s1 =	sshrl.u32 s1, $0x2  }
0xb9: {  	s3 =	sand.u32 $0x4000, s31;
	s1 =	sadd.s32 s1, s30  }
0xba: {  	s0 =	sor.u32 s3, s0;
	s1 =	sshll.u32 s1, $0x11  }
0xbb: {  	s0 =	sor.u32 s1, s0  }
0xbc: {  	s0 =	sadd.s32 $0x8F2B, s0  }
0xbd: {  	[sflag:s0] =	ssyncadd.remote.s32 $0x1  }
0xbe: {  	_ =	sfence.sel $0xFFFF  }
0xbf: {  	[dreg:$0x0] =	wrdreg $0xFFFFFFFF;
	(pc) =	sbr.abs _section_cstart, $3  }
0xc0: {  	[dreg:$0x1] =	wrdreg $0xFFFFFFFF  }
0xc1: {  	_ =	task.clear_ibuf [dreg:s6], $0x2FFFF;
	_ =	strace $0x9FFFFFFF  }
0xc2: {  	(tm) =	ssettm $0x7FFFFFFF  }
0xc3: {  	_ =	shalt  }
tec
execute0_lowered:
.L_overlay_start_1:
0x0: {  	(tag) =	ssettag $0x1  }
0x1: {  	s1 =	srdreg.scid  }
0x2: {  	s0 =	stileid.u32;
	s5 =	rddreg [dreg:$0x0]  }
0x3: {  	s2 =	rddreg [dreg:$0x1];
	s3 =	simm.s32 $0x0;
	s16 =	simm.s32 $0x6800  }
0x4: {  	s17 =	simm.s32 $0x1;
	s18 =	simm.s32 $0x80;
	s19 =	simm.s32 $0x2  }
0x5: {  	s20 =	simm.s32 $0x2700;
	s21 =	simm.s32 $0x2780;
	s22 =	simm.s32 $0x0  }
0x6: {  	s4 =	sand.u32 $0x1, s1;
	s1 =	rddreg [dreg:$0x2];
	s8 =	smul.u32 $0x14000, s0  }
0x7: {  	s25 =	sshll.u32 s0, $0x1;
	[smem:$0x7FF] =	sst s3;
	s12 =	smul.u32 $0x50000, s0  }
0x8: {  	s11 =	sadd.s32 $0xAB4800, s5;
	s13 =	smul.u32 $0x280000, s0;
	s31 =	sshll.u32 s0, $0x6  }
0x9: {  	s6 =	sor.u32 s4, s25;
	s9 =	smul.u32 $0x140000, s4;
	_ =	strace $0x80000050  }
0xa: {  	s4 =	ssub.s32 $0x2, s4;
	s7 =	smul.u32 $0x500, s6;
	s10 =	sshrl.u32 s8, $0x3  }
0xb: {  	s6 =	smul.u32 $0x28000, s6;
	s26 =	sshrl.u32 s4, $0x1;
	s12 =	sshrl.u32 s12, $0x2  }
0xc: {  	s8 =	sadd.s32 s8, s9;
	s10 =	sadd.s32 s10, s5;
	s14 =	ssub.s32 s4, s26  }
0xd: {  	s15 =	sadd.s32 s12, s2;
	s28 =	sadd.s32 s9, s13;
	s7 =	sadd.s32 s7, s5  }
0xe: {  	s8 =	sshrl.u32 s8, $0x3;
	s6 =	sadd.s32 s11, s6;
	s29 =	sor.u32 $0xC000, s28  }
0xf: {  	s9 =	smax.u32 s14, $0x1;
	s13 =	sor.u32 $0x8000, s28;
	s14 =	sshrl.u32 s15, $0x3  }
0x10: {  	s15 =	simm.s32 $0x2800;
	s8 =	sadd.s32 s8, s5;
	s4 =	sadd.s32 $0xA800, s7  }
0x11: {  	s5 =	sadd.s32 $0x14800, s10;
	s7 =	sadd.s32 $0x800, s6;
	s12 =	sshrl.u32 s29, $0x3  }
0x12: {  	s30 =	sshrl.u32 s13, $0x3;
	s13 =	sor.u32 $0x1C03, s31;
	s8 =	sadd.s32 $0x3C800, s8  }
0x13: {  	s10 =	sadd.s32 s12, s11;
	s11 =	sadd.s32 s30, s11;
	s12 =	simm.s32 $0x3  }
.LBB2_1:
0x14: {  	[tilespmem:s3], [sflag:$0x3] =	stream.linear.gather [hbm4b:s4+s3], $0x2800, $0x38;
	[tilespmem:$0x1E800] =	vst v63  }
0x15: {  	_ =	swait.ge [sflag:s12], $0x2800  }
0x16: {  	[sflag:s12] =	ssyncset.done $0x0  }
0x17: {  	[sflag:s12] =	ssyncadd.s32 $0xFFFFD800  }
0x18: {  	[spmem:s14], [sflag:s13] =	dma.local [hbm:s5], $0x2800  }
0x19: {  	_ =	swait.ge [sflag:s12], $0x2800  }
0x1a: {  	[sflag:s12] =	ssyncset.done $0x0  }
0x1b: {  	[sflag:s12] =	ssyncadd.s32 $0xFFFFD800  }
0x1c: {  	[bflag:$0x0] =	sbarrier.arrive $0xFFFF  }
0x1d: {  	[tilespmem:s15], [sflag:$0x1] =	stream.linear.gather [hbm4b:s6+s3], $0x4000, $0x38;
	[tilespmem:$0x1E800] =	vst v63  }
0x1e: {  	_ = 	snop  }
0x1f: {  	[tilespmem:s16], [sflag:$0x2] =	stream.linear.gather [hbm4b:s7+s3], $0x4000, $0x38;
	[tilespmem:$0x1E800] =	vst v63  }
0x20: {  	_ =	swait.ge [sflag:s17], $0x4000  }
0x21: {  	[sflag:s17] =	ssyncset.done $0x0  }
0x22: {  	s23 =	simm.s32 $0x0;
	[sflag:s17] =	ssyncadd.s32 $0xFFFFC000  }
0x23: {  	[spmem:s2] =	stream.indirect.scatter.add.f32 [tilespmem:s15], [sflag:$0x3], $0x80, s23, s18, $0xb8;
	[tilespmem:$0x1E800] =	vst v63  }
0x24: {  	_ =	swait.ge [sflag:s12], $0x4000  }
0x25: {  	[sflag:s12] =	ssyncset.done $0x0  }
0x26: {  	s31 =	sadd.s32 $0x0, s11;
	[sflag:s12] =	ssyncadd.s32 $0xFFFFC000  }
0x27: {  	[tilespmem:s15], [sflag:$0x1] =	stream.linear.gather [hbm4b:s31+s3], $0x4000, $0x38;
	[tilespmem:$0x1E800] =	vst v63  }
0x28: {  	_ =	swait.ge [sflag:s19], $0x4000  }
0x29: {  	[sflag:s19] =	ssyncset.done $0x0  }
0x2a: {  	[sflag:s19] =	ssyncadd.s32 $0xFFFFC000  }
0x2b: {  	[spmem:s2] =	stream.indirect.scatter.add.f32 [tilespmem:s16], [sflag:$0x3], $0x80, s18, s18, $0xb8;
	[tilespmem:$0x1E800] =	vst v63  }
0x2c: {  	_ =	swait.ge [sflag:s12], $0x4000  }
0x2d: {  	s25 =	sadd.s32 $0x0, s10;
	[sflag:s12] =	ssyncset.done $0x0  }
0x2e: {  	s24 =	simm.s32 $0x180;
	s23 =	simm.s32 $0x1000;
	[sflag:s12] =	ssyncadd.s32 $0xFFFFC000  }
.LBB2_2:
0x2f: {  	[tilespmem:s16], [sflag:$0x2] =	stream.linear.gather [hbm4b:s25+s3], $0x4000, $0x38;
	[tilespmem:$0x1E800] =	vst v63  }
0x30: {  	s25 =	smov.u32 s23  }
0x31: {  	p0 =	sne.s32 s23, $0x26000;
	s23 =	sadd.s32 $0x1000, s23;
	_ =	swait.ge [sflag:s17], $0x4000  }
0x32: {  	[sflag:s17] =	ssyncset.done $0x0  }
0x33: {  	s26 =	sadd.s32 $0xFFFFFF80, s24;
	[sflag:s17] =	ssyncadd.s32 $0xFFFFC000  }
0x34: {  	[spmem:s2] =	stream.indirect.scatter.add.f32 [tilespmem:s15], [sflag:$0x3], $0x80, s26, s18, $0xb8;
	[tilespmem:$0x1E800] =	vst v63  }
0x35: {  	_ =	swait.ge [sflag:s12], $0x4000  }
0x36: {  	[sflag:s12] =	ssyncset.done $0x0  }
0x37: {  	s26 =	sadd.s32 s25, s11;
	[sflag:s12] =	ssyncadd.s32 $0xFFFFC000  }
0x38: {  	[tilespmem:s15], [sflag:$0x1] =	stream.linear.gather [hbm4b:s26+s3], $0x4000, $0x38;
	[tilespmem:$0x1E800] =	vst v63  }
0x39: {  	_ =	swait.ge [sflag:s19], $0x4000  }
0x3a: {  	[sflag:s19] =	ssyncset.done $0x0  }
.Ltmp0:
0x3b: {  	[sflag:s19] =	ssyncadd.s32 $0xFFFFC000;
	(pc) =	sbr.rel @p0 .LBB2_2-.Ltmp0, $4  }
0x3c: {  	[spmem:s2] =	stream.indirect.scatter.add.f32 [tilespmem:s16], [sflag:$0x3], $0x80, s24, s18, $0xb8;
	[tilespmem:$0x1E800] =	vst v63  }
0x3d: {  	_ =	swait.ge [sflag:s12], $0x4000  }
0x3e: {  	[sflag:s12] =	ssyncset.done $0x0  }
0x3f: {  	s25 =	sadd.s32 s25, s10;
	s24 =	sadd.s32 $0x100, s24;
	[sflag:s12] =	ssyncadd.s32 $0xFFFFC000  }
0x40: {  	[tilespmem:s16], [sflag:$0x2] =	stream.linear.gather [hbm4b:s25+s3], $0x4000, $0x38;
	[tilespmem:$0x1E800] =	vst v63  }
0x41: {  	_ =	swait.ge [sflag:s17], $0x4000  }
0x42: {  	[sflag:s17] =	ssyncset.done $0x0  }
0x43: {  	[sflag:s17] =	ssyncadd.s32 $0xFFFFC000  }
0x44: {  	[spmem:s2] =	stream.indirect.scatter.add.f32 [tilespmem:s15], [sflag:$0x3], $0x80, s20, s18, $0xb8;
	[tilespmem:$0x1E800] =	vst v63  }
0x45: {  	_ =	swait.ge [sflag:s12], $0x4000  }
0x46: {  	[sflag:s12] =	ssyncset.done $0x0  }
0x47: {  	[sflag:s12] =	ssyncadd.s32 $0xFFFFC000  }
0x48: {  	_ =	swait.ge [sflag:s19], $0x4000  }
0x49: {  	[sflag:s19] =	ssyncset.done $0x0  }
0x4a: {  	[sflag:s19] =	ssyncadd.s32 $0xFFFFC000  }
0x4b: {  	[spmem:s2] =	stream.indirect.scatter.add.f32 [tilespmem:s16], [sflag:$0x3], $0x80, s21, s18, $0xb8;
	[tilespmem:$0x1E800] =	vst v63  }
0x4c: {  	_ =	swait.ge [sflag:s12], $0x4000  }
0x4d: {  	s22 =	sadd.s32 $0x1, s22;
	[sflag:s12] =	ssyncset.done $0x0  }
0x4e: {  	p0 =	sne.s32 s22, s9;
	[sflag:s12] =	ssyncadd.s32 $0xFFFFC000  }
.Ltmp1:
0x4f: {  	[bflag:$0x0] =	sbarrier.arrive $0xFFFF;
	(pc) =	sbr.rel @p0 .LBB2_1-.Ltmp1, $4  }
0x50: {  	[hbm:s8], [sflag:s13] =	dma.local [spmem:s14], $0x2800  }
0x51: {  	_ =	swait.ge [sflag:s12], $0x2800  }
0x52: {  	[sflag:s12] =	ssyncset.done $0x0  }
0x53: {  	[sflag:s12] =	ssyncadd.s32 $0xFFFFD800  }
0x54: {  	_ =	sfence.sel $0x180000  }
0x55: {  	[bflag:$0x0] =	sbarrier.arrive $0xFFFF  }
0x56: {  	p0 =	sne.s32 s0, $0x0;
	_ =	strace $0x90000050  }
0x57: {  	s0 =	sadd.s32 @!p0 $0x100000, s1;
	[bflag:$0x2] =	sbarrier.arrive $0xFFFF  }
0x58: {  	[sflag:s0] =	ssyncadd.tile.s32 @!p0 $0x1;
	_ =	shalt  }
.Lfunc_end2:
_tile_overlayer_lowered:
.L_overlay_start_2:
0x59: {  	(tag) =	ssettag $0x2  }
0x5a: {  	s0 =	rddreg [dreg:$0x0];
	s2 =	stileid.u32  }
0x5b: {  	s1 =	rddreg [dreg:$0x1];
	p0 =	sne.s32 s2, $0x0  }
0x5c: {  	s3 =	rddreg [dreg:$0x2];
	[bflag:$0x3] =	sbarrier.arrive $0xFFFF;
	s2 =	simm.s32 @!p0 $0x1C03  }
0x5d: {  	[timem:s3], [sflag:s2] =	dma.local @!p0 [hbm:s0], s1  }
0x5e: {  	s0 =	simm.s32 @!p0 $0x3  }
0x5f: {  	_ =	swait.ge @!p0 [sflag:s0], s1  }
0x60: {  	s1 =	ssub.s32 @!p0 $0x0, s1;
	[sflag:s0] =	ssyncset.done @!p0 $0x0  }
0x61: {  	[sflag:s0] =	ssyncadd.s32 @!p0 s1  }
0x62: {  	[bflag:$0x3] =	sbarrier.arrive $0xFFFF  }
0x63: {  	_ =	shalt  }

</sc_bundles>
